<compile_context>
chip_gen: v7x
topology: tpu7x:2x2x1
jax: 0.10.2.dev20260603
libtpu: 0.0.44.dev20260713+nightly
codegen_flags: <defaults>
</compile_context>

<pallas_src>
import functools

import jax
import jax.numpy as jnp
from jax import lax
from jax.experimental import pallas as pl
from jax.experimental.pallas import tpu as pltpu
from jax.experimental.pallas import tpu_sc as plsc

N = 10000
H = 128
G = 128
E = 320000

NC = 2
NS = 16
NW = NC * NS
CHUNK = 128
KPT = 80
E_PAD = NW * KPT * CHUNK
NP = 10240
NPB = NP // CHUNK
LANES = 16


def _proj_body(nf_ref, w1a_ref, w1b_ref, lat_ref, w1c_ref, be1_ref,
               p_ref, q_ref, lp_ref):
    nf = nf_ref[...]
    p_ref[...] = jnp.dot(nf, w1a_ref[...], preferred_element_type=jnp.float32)
    q_ref[...] = jnp.dot(nf, w1b_ref[...], preferred_element_type=jnp.float32)
    lp_ref[...] = (jnp.dot(lat_ref[...], w1c_ref[...],
                           preferred_element_type=jnp.float32) + be1_ref[...])


_BN1 = 2048


def _stage1(nf_pad, w1a, w1b, lattices, w1c, be1r):
    return pl.pallas_call(
        _proj_body,
        grid=(NP // _BN1,),
        in_specs=[
            pl.BlockSpec((_BN1, H), lambda i: (i, 0)),
            pl.BlockSpec((H, H), lambda i: (0, 0)),
            pl.BlockSpec((H, H), lambda i: (0, 0)),
            pl.BlockSpec((G, 6), lambda i: (0, 0)),
            pl.BlockSpec((6, H), lambda i: (0, 0)),
            pl.BlockSpec((1, H), lambda i: (0, 0)),
        ],
        out_specs=[
            pl.BlockSpec((_BN1, H), lambda i: (i, 0)),
            pl.BlockSpec((_BN1, H), lambda i: (i, 0)),
            pl.BlockSpec((G, H), lambda i: (0, 0)),
        ],
        out_shape=[
            jax.ShapeDtypeStruct((NP, H), jnp.float32),
            jax.ShapeDtypeStruct((NP, H), jnp.float32),
            jax.ShapeDtypeStruct((G, H), jnp.float32),
        ],
    )(nf_pad, w1a, w1b, lattices, w1c, be1r)


def _gather_body(p_hbm, q_hbm, src_hbm, dst_hbm, pre_hbm,
                 sidx, didx, gbufp, gbufq, wbuf,
                 semp0, semq0, semp1, semq1, semw0, semw1):
    c = lax.axis_index("c")
    s = lax.axis_index("s")
    wid = s * NC + c
    base = wid * KPT
    pltpu.sync_copy(src_hbm.at[pl.ds(base, KPT)], sidx)
    pltpu.sync_copy(dst_hbm.at[pl.ds(base, KPT)], didx)

    semp = (semp0, semp1)
    semq = (semq0, semq1)
    semw = (semw0, semw1)

    def gather_desc(j, slot):
        return (pltpu.make_async_copy(p_hbm.at[sidx.at[j]], gbufp.at[slot],
                                      semp[slot]),
                pltpu.make_async_copy(q_hbm.at[didx.at[j]], gbufq.at[slot],
                                      semq[slot]))

    def write_desc(j, slot):
        return pltpu.make_async_copy(
            wbuf.at[slot], pre_hbm.at[pl.ds((base + j) * CHUNK, CHUNK)],
            semw[slot])

    def start_gather(j, slot):
        dp, dq = gather_desc(j, slot)
        dp.start()
        dq.start()

    def step(j, slot, prefetch=True, drain=True):
        dp, dq = gather_desc(j, slot)
        dp.wait()
        dq.wait()
        if prefetch:
            start_gather(j + 1, 1 - slot)
        if drain:
            write_desc(j - 2, slot).wait()

        def row_body(r, carry2):
            for cc in range(H // LANES):
                sl = pl.ds(cc * LANES, LANES)
                wbuf[slot, r, sl] = gbufp[slot, r, sl] + gbufq[slot, r, sl]
            return carry2

        lax.fori_loop(0, CHUNK, row_body, 0)
        write_desc(j, slot).start()

    start_gather(0, 0)
    step(0, 0, drain=False)
    step(1, 1, drain=False)

    def chunk_body(g, carry):
        step(2 * g, 0)
        step(2 * g + 1, 1)
        return carry

    lax.fori_loop(1, KPT // 2 - 1, chunk_body, 0)
    step(KPT - 2, 0)
    step(KPT - 1, 1, prefetch=False)
    write_desc(KPT - 2, 0).wait()
    write_desc(KPT - 1, 1).wait()


def _stage2(p, q, srcp, dstp):
    mesh = plsc.VectorSubcoreMesh(core_axis_name="c", subcore_axis_name="s", num_cores=NC, num_subcores=NS)
    fn = functools.partial(
        pl.kernel,
        out_type=jax.ShapeDtypeStruct((E_PAD, H), jnp.float32),
        mesh=mesh,
        scratch_types=[
            pltpu.VMEM((KPT, CHUNK), jnp.int32),
            pltpu.VMEM((KPT, CHUNK), jnp.int32),
            pltpu.VMEM((2, CHUNK, H), jnp.float32),
            pltpu.VMEM((2, CHUNK, H), jnp.float32),
            pltpu.VMEM((2, CHUNK, H), jnp.float32),
            pltpu.SemaphoreType.DMA,
            pltpu.SemaphoreType.DMA,
            pltpu.SemaphoreType.DMA,
            pltpu.SemaphoreType.DMA,
            pltpu.SemaphoreType.DMA,
            pltpu.SemaphoreType.DMA,
        ],
    )(_gather_body)
    return fn(p, q, srcp, dstp)


def _edge_mlp_body(pre_ref, e2g_ref, fdlf_ref, src_ref, lp_ref,
                   w8_ref, we2_ref, be2_ref, out_ref, cnt_ref):
    oh = (e2g_ref[...] == lax.broadcasted_iota(jnp.int32, (1, G), 1)
          ).astype(jnp.float32)
    sv = src_ref[...]
    oh_hi = (lax.shift_right_logical(sv, 7)
             == lax.broadcasted_iota(jnp.int32, (1, NPB), 1)
             ).astype(jnp.float32)
    oh_lo = (lax.bitwise_and(sv, 127)
             == lax.broadcasted_iota(jnp.int32, (1, CHUNK), 1)
             ).astype(jnp.float32)
    blk_cnt = lax.dot_general(oh_hi, oh_lo, (((0,), (0,)), ((), ())),
                              preferred_element_type=jnp.float32)

    @pl.when(pl.program_id(0) == 0)
    def _init_cnt():
        cnt_ref[...] = jnp.zeros_like(cnt_ref)

    cnt_ref[...] += blk_cnt
    x = (pre_ref[...]
         + jnp.dot(oh, lp_ref[...], preferred_element_type=jnp.float32)
         + jnp.dot(fdlf_ref[...], w8_ref[...],
                   preferred_element_type=jnp.float32))
    h = x * jax.nn.sigmoid(x)
    y = jnp.dot(h, we2_ref[...], preferred_element_type=jnp.float32) \
        + be2_ref[...]
    out_ref[...] = y * jax.nn.sigmoid(y)


_BE = 1024


def _stage3(pre, e2gp, fdlf, srcc, lp, w8, we2, be2r):
    return pl.pallas_call(
        _edge_mlp_body,
        grid=(E_PAD // _BE,),
        in_specs=[
            pl.BlockSpec((_BE, H), lambda i: (i, 0)),
            pl.BlockSpec((_BE, 1), lambda i: (i, 0)),
            pl.BlockSpec((_BE, 8), lambda i: (i, 0)),
            pl.BlockSpec((_BE, 1), lambda i: (i, 0)),
            pl.BlockSpec((G, H), lambda i: (0, 0)),
            pl.BlockSpec((8, H), lambda i: (0, 0)),
            pl.BlockSpec((H, H), lambda i: (0, 0)),
            pl.BlockSpec((1, H), lambda i: (0, 0)),
        ],
        out_specs=[
            pl.BlockSpec((_BE, H), lambda i: (i, 0)),
            pl.BlockSpec((NPB, CHUNK), lambda i: (0, 0)),
        ],
        out_shape=[
            jax.ShapeDtypeStruct((E_PAD, H), jnp.float32),
            jax.ShapeDtypeStruct((NPB, CHUNK), jnp.float32),
        ],
    )(pre, e2gp, fdlf, srcc, lp, w8, we2, be2r)


NR = NP // NC
RA = NR + CHUNK
SPT = RA // NS
KPT2 = E_PAD // CHUNK // NS


def _scatter_body(ef_hbm, src_hbm, sums_hbm,
                  idx, idx2, buf, zsum, sum_sh):
    c = lax.axis_index("c")
    s = lax.axis_index("s")
    base = c * NR

    zero16 = jnp.zeros((LANES,), jnp.float32)

    def zrow(r, carry):
        for cc in range(H // LANES):
            zsum[r, pl.ds(cc * LANES, LANES)] = zero16
        return carry

    lax.fori_loop(0, CHUNK, zrow, 0)

    pltpu.sync_copy(src_hbm.at[pl.ds(s * KPT2, KPT2)], idx)

    pltpu.sync_copy(zsum, sum_sh.at[pl.ds(s * SPT, CHUNK)])
    pltpu.sync_copy(zsum, sum_sh.at[pl.ds(s * SPT + CHUNK, CHUNK)])
    pltpu.sync_copy(zsum.at[pl.ds(0, SPT - 2 * CHUNK)],
                    sum_sh.at[pl.ds(s * SPT + 2 * CHUNK, SPT - 2 * CHUNK)])

    plsc.subcore_barrier()

    def chunk_body(j, carry):
        pltpu.sync_copy(ef_hbm.at[pl.ds((s * KPT2 + j) * CHUNK, CHUNK)], buf)
        for g in range(CHUNK // LANES):
            iv = idx[j, pl.ds(g * LANES, LANES)]
            local = (iv - base).astype(jnp.uint32)
            sel = jnp.minimum(local, jnp.uint32(NR)).astype(jnp.int32)
            idx2[pl.ds(g * LANES, LANES)] = sel
        pltpu.sync_copy(buf, sum_sh.at[idx2], add=True)
        return carry

    lax.fori_loop(0, KPT2, chunk_body, 0)
    plsc.subcore_barrier()

    for b, w in ((0, CHUNK), (CHUNK, CHUNK), (2 * CHUNK, SPT - 2 * CHUNK)):
        pltpu.sync_copy(sum_sh.at[pl.ds(s * SPT + b, w)],
                        buf.at[pl.ds(0, w)])
        pltpu.sync_copy(buf.at[pl.ds(0, w)],
                        sums_hbm.at[c, pl.ds(s * SPT + b, w)])


def _stage4(ef, srcp):
    mesh = plsc.VectorSubcoreMesh(core_axis_name="c", subcore_axis_name="s",
                                  num_cores=NC, num_subcores=NS)
    fn = functools.partial(
        pl.kernel,
        out_type=jax.ShapeDtypeStruct((NC, RA, H), jnp.float32),
        mesh=mesh,
        scratch_types=[
            pltpu.VMEM((KPT2, CHUNK), jnp.int32),
            pltpu.VMEM((CHUNK,), jnp.int32),
            pltpu.VMEM((CHUNK, H), jnp.float32),
            pltpu.VMEM((CHUNK, H), jnp.float32),
            pltpu.VMEM_SHARED((RA, H), jnp.float32),
        ],
    )(_scatter_body)
    return fn(ef, srcp)


def _node_mlp_body(nf_ref, s_ref, c_ref,
                   wn1a_ref, wn1b_ref, bn1_ref, wn2_ref, bn2_ref,
                   out_ref):
    nf = nf_ref[...]
    cnt = c_ref[...]
    rec = 1.0 / jnp.maximum(cnt, 1.0)
    agg = s_ref[...] * rec
    g = (jnp.dot(nf, wn1a_ref[...], preferred_element_type=jnp.float32)
         + jnp.dot(agg, wn1b_ref[...], preferred_element_type=jnp.float32)
         + bn1_ref[...])
    g = g * jax.nn.sigmoid(g)
    y = jnp.dot(g, wn2_ref[...], preferred_element_type=jnp.float32) \
        + bn2_ref[...]
    out_ref[...] = nf + y * jax.nn.sigmoid(y)


_BN5 = 2000


def _stage5(nf, sums, cnt, wn1a, wn1b, bn1r, wn2, bn2r):
    return pl.pallas_call(
        _node_mlp_body,
        grid=(N // _BN5,),
        in_specs=[
            pl.BlockSpec((_BN5, H), lambda i: (i, 0)),
            pl.BlockSpec((_BN5, H), lambda i: (i, 0)),
            pl.BlockSpec((_BN5, 1), lambda i: (i, 0)),
            pl.BlockSpec((H, H), lambda i: (0, 0)),
            pl.BlockSpec((H, H), lambda i: (0, 0)),
            pl.BlockSpec((1, H), lambda i: (0, 0)),
            pl.BlockSpec((H, H), lambda i: (0, 0)),
            pl.BlockSpec((1, H), lambda i: (0, 0)),
        ],
        out_specs=pl.BlockSpec((_BN5, H), lambda i: (i, 0)),
        out_shape=jax.ShapeDtypeStruct((N, H), jnp.float32),
    )(nf, sums, cnt, wn1a, wn1b, bn1r, wn2, bn2r)


def kernel(node_features, frac_coords, lattices, edge_index, edge2graph,
           frac_diff, l_f_features, We1, be1, We2, be2, Wn1, bn1, Wn2, bn2):
    f32 = jnp.float32
    nf_pad = jnp.pad(node_features, ((0, NP - N), (0, 0)))
    w1a = We1[0:H]
    w1b = We1[H:2 * H]
    w1c = We1[2 * H:2 * H + 6]
    w8 = jnp.concatenate([We1[2 * H + 6:], jnp.zeros((2, H), f32)], axis=0)
    be1r = be1.reshape(1, H)
    be2r = be2.reshape(1, H)
    bn1r = bn1.reshape(1, H)
    bn2r = bn2.reshape(1, H)
    wn1a = Wn1[0:H]
    wn1b = Wn1[H:2 * H]

    pad_e = E_PAD - E
    src = edge_index[0]
    dst = edge_index[1]
    srcp = jnp.concatenate(
        [src, jnp.full((pad_e,), N, jnp.int32)]).reshape(E_PAD // CHUNK, CHUNK)
    dstp = jnp.concatenate(
        [dst, jnp.full((pad_e,), N, jnp.int32)]).reshape(E_PAD // CHUNK, CHUNK)
    e2gp = jnp.concatenate(
        [edge2graph, jnp.zeros((pad_e,), jnp.int32)]).reshape(E_PAD, 1)
    fdlf = jnp.pad(jnp.concatenate([frac_diff, l_f_features], axis=1),
                   ((0, pad_e), (0, 2)))

    p, q, lp = _stage1(nf_pad, w1a, w1b, lattices, w1c, be1r)
    pre = _stage2(p, q, srcp, dstp)
    srcc = srcp.reshape(E_PAD, 1)
    ef, cnt_img = _stage3(pre, e2gp, fdlf, srcc, lp, w8, We2, be2r)
    sums = _stage4(ef, srcp)
    sums_cat = jnp.concatenate([sums[0, 0:NR], sums[1, 0:NR]], axis=0)
    cnt_col = cnt_img.reshape(NP, 1)
    return _stage5(node_features, sums_cat, cnt_col[0:N],
                   wn1a, wn1b, bn1r, Wn2, bn2r)

# --- scband reference (transcript-rebuilt; emitter-appended) ---
"""Pipeline reference for scband-csplayer-69363721830733 (READ-ONLY COPY).

The authoritative reference and input builder live on the scoring server;
editing this copy changes nothing except your own understanding.
"""

import jax, jax.numpy as jnp
import numpy as np

N = 10000
E = 320000
G = 128
H = 128
EDGE_IN = 2 * H + 6 + 3 + 3  # 268


def silu(x):
    return x * jax.nn.sigmoid(x)


def setup_inputs(seed: int = 0) -> dict:
    key = jax.random.key(seed)
    ks = jax.random.split(key, 16)
    node_features = jax.random.normal(ks[0], (N, H), dtype=jnp.float32)
    frac_coords = jax.random.uniform(ks[1], (N, 3), dtype=jnp.float32)
    lattices = jax.random.normal(ks[2], (G, 6), dtype=jnp.float32)
    edge_index = jax.random.randint(ks[3], (2, E), 0, N, dtype=jnp.int32)
    edge2graph = jnp.sort(jax.random.randint(ks[4], (E,), 0, G, dtype=jnp.int32))
    frac_diff = jax.random.uniform(ks[5], (E, 3), dtype=jnp.float32)
    l_f_features = jax.random.normal(ks[6], (E, 3), dtype=jnp.float32)
    # edge_mlp: Linear(268->128), SiLU, Linear(128->128), SiLU
    We1 = 0.02 * jax.random.normal(ks[7], (EDGE_IN, H), dtype=jnp.float32)
    be1 = jnp.zeros((H,), dtype=jnp.float32)
    We2 = 0.02 * jax.random.normal(ks[8], (H, H), dtype=jnp.float32)
    be2 = jnp.zeros((H,), dtype=jnp.float32)
    # node_mlp: Linear(256->128), SiLU, Linear(128->128), SiLU
    Wn1 = 0.02 * jax.random.normal(ks[9], (2 * H, H), dtype=jnp.float32)
    bn1 = jnp.zeros((H,), dtype=jnp.float32)
    Wn2 = 0.02 * jax.random.normal(ks[10], (H, H), dtype=jnp.float32)
    bn2 = jnp.zeros((H,), dtype=jnp.float32)
    return {
        "node_features": node_features,
        "frac_coords": frac_coords,
        "lattices": lattices,
        "edge_index": edge_index,
        "edge2graph": edge2graph,
        "frac_diff": frac_diff,
        "l_f_features": l_f_features,
        "We1": We1, "be1": be1, "We2": We2, "be2": be2,
        "Wn1": Wn1, "bn1": bn1, "Wn2": Wn2, "bn2": bn2,
    }


def reference(node_features, frac_coords, lattices, edge_index, edge2graph,
              frac_diff, l_f_features, We1, be1, We2, be2, Wn1, bn1, Wn2, bn2):
    node_input = node_features  # ln=False, so node_features is used directly
    src = edge_index[0]
    dst = edge_index[1]
    # edge_model
    hi = jnp.take(node_features, src, axis=0)
    hj = jnp.take(node_features, dst, axis=0)
    lattice_rep_edges = jnp.take(lattices, edge2graph, axis=0)
    edges_input = jnp.concatenate([hi, hj, lattice_rep_edges, frac_diff, l_f_features], axis=1)
    h = silu(edges_input @ We1 + be1)
    edge_features = silu(h @ We2 + be2)
    # node_model: scatter-mean over edge_index[0]
    agg_sum = jax.ops.segment_sum(edge_features, src, num_segments=N)
    counts = jax.ops.segment_sum(jnp.ones((E,), dtype=jnp.float32), src, num_segments=N)
    agg = agg_sum / jnp.clip(counts, 1.0)[:, None]
    agg_cat = jnp.concatenate([node_features, agg], axis=1)
    g = silu(agg_cat @ Wn1 + bn1)
    node_output = silu(g @ Wn2 + bn2)
    return node_input + node_output

if __name__ == "__main__":
    import jax
    _d = setup_inputs()
    print(jax.jit(kernel)(*tuple(_d.values())))

</pallas_src>

<mosaic_0001>
#map = affine_map<(d0, d1) -> (0, 0)>
module attributes {stable_mosaic.version = 14 : i64} {
  func.func @_gather_body(%arg0: i32, %arg1: i32, %arg2: memref<10240x128xf32, #tpu.memory_space<hbm>>, %arg3: memref<10240x128xf32, #tpu.memory_space<hbm>>, %arg4: memref<2560x128xi32, #tpu.memory_space<hbm>>, %arg5: memref<2560x128xi32, #tpu.memory_space<hbm>>, %arg6: memref<327680x128xf32, #tpu.memory_space<hbm>>, %arg7: memref<80x128xi32, #tpu.memory_space<vmem>>, %arg8: memref<80x128xi32, #tpu.memory_space<vmem>>, %arg9: memref<2x128x128xf32, #tpu.memory_space<vmem>>, %arg10: memref<2x128x128xf32, #tpu.memory_space<vmem>>, %arg11: memref<2x128x128xf32, #tpu.memory_space<vmem>>, %arg12: memref<!tpu.dma_semaphore, #tpu.memory_space<semaphore_mem>>, %arg13: memref<!tpu.dma_semaphore, #tpu.memory_space<semaphore_mem>>, %arg14: memref<!tpu.dma_semaphore, #tpu.memory_space<semaphore_mem>>, %arg15: memref<!tpu.dma_semaphore, #tpu.memory_space<semaphore_mem>>, %arg16: memref<!tpu.dma_semaphore, #tpu.memory_space<semaphore_mem>>, %arg17: memref<!tpu.dma_semaphore, #tpu.memory_space<semaphore_mem>>) attributes {dimension_semantics = [#tpu.dimension_semantics<core_parallel>, #tpu.dimension_semantics<subcore_parallel>], iteration_bounds = array<i64: 2, 16>, scalar_prefetch = 0 : i64, scratch_operands = 11 : i64, tpu.core_type = #tpu.core_type<sc_vector_subcore>, window_params = [{transform_indices = #map}, {transform_indices = #map}, {transform_indices = #map}, {transform_indices = #map}, {transform_indices = #map}]} {
    %mul3A = arith.constant 2 : i32
    %mul3A_0 = arith.muli %arg1, %mul3A : i32
    %add3A = arith.addi %mul3A_0, %arg0 : i32
    %mul3A_1 = arith.constant 80 : i32
    %mul3A_2 = arith.muli %add3A, %mul3A_1 : i32
    "tpu.region"() ({
      %run_scoped3A = tpu.sem_alloc : memref<!tpu.dma_semaphore, #tpu.memory_space<semaphore_mem>>
      %dma_start3A_358 = arith.constant 0 : i32
      %dma_start3A_359 = tpu.memref_slice %arg4[%mul3A_2, %dma_start3A_358] : memref<2560x128xi32, #tpu.memory_space<hbm>> -> memref<80x128xi32, #tpu.memory_space<hbm>>
      %dma_start3A_360 = arith.constant 0 : i32
      %dma_start3A_361 = tpu.memref_slice %arg4[%mul3A_2, %dma_start3A_360] : memref<2560x128xi32, #tpu.memory_space<hbm>> -> memref<80x128xi32, #tpu.memory_space<hbm>>
      tpu.enqueue_dma source(%dma_start3A_361 : memref<80x128xi32, #tpu.memory_space<hbm>>) target(%arg7 : memref<80x128xi32, #tpu.memory_space<vmem>>) target_semaphore(%run_scoped3A : memref<!tpu.dma_semaphore, #tpu.memory_space<semaphore_mem>>)
      %dma_wait3A_362 = arith.constant 0 : i32
      %dma_wait3A_363 = tpu.memref_slice %arg4[%mul3A_2, %dma_wait3A_362] : memref<2560x128xi32, #tpu.memory_space<hbm>> -> memref<80x128xi32, #tpu.memory_space<hbm>>
      %dma_wait3A_364 = arith.constant 0 : i32
      %dma_wait3A_365 = tpu.memref_slice %arg4[%mul3A_2, %dma_wait3A_364] : memref<2560x128xi32, #tpu.memory_space<hbm>> -> memref<80x128xi32, #tpu.memory_space<hbm>>
      tpu.wait_dma2 semaphore(%run_scoped3A : memref<!tpu.dma_semaphore, #tpu.memory_space<semaphore_mem>>) src(%dma_wait3A_365 : memref<80x128xi32, #tpu.memory_space<hbm>>) dst(%arg7 : memref<80x128xi32, #tpu.memory_space<vmem>>)
      tpu.yield
    }) : () -> ()
    "tpu.region"() ({
      %run_scoped3A = tpu.sem_alloc : memref<!tpu.dma_semaphore, #tpu.memory_space<semaphore_mem>>
      %dma_start3A_358 = arith.constant 0 : i32
      %dma_start3A_359 = tpu.memref_slice %arg5[%mul3A_2, %dma_start3A_358] : memref<2560x128xi32, #tpu.memory_space<hbm>> -> memref<80x128xi32, #tpu.memory_space<hbm>>
      %dma_start3A_360 = arith.constant 0 : i32
      %dma_start3A_361 = tpu.memref_slice %arg5[%mul3A_2, %dma_start3A_360] : memref<2560x128xi32, #tpu.memory_space<hbm>> -> memref<80x128xi32, #tpu.memory_space<hbm>>
      tpu.enqueue_dma source(%dma_start3A_361 : memref<80x128xi32, #tpu.memory_space<hbm>>) target(%arg8 : memref<80x128xi32, #tpu.memory_space<vmem>>) target_semaphore(%run_scoped3A : memref<!tpu.dma_semaphore, #tpu.memory_space<semaphore_mem>>)
      %dma_wait3A_362 = arith.constant 0 : i32
      %dma_wait3A_363 = tpu.memref_slice %arg5[%mul3A_2, %dma_wait3A_362] : memref<2560x128xi32, #tpu.memory_space<hbm>> -> memref<80x128xi32, #tpu.memory_space<hbm>>
      %dma_wait3A_364 = arith.constant 0 : i32
      %dma_wait3A_365 = tpu.memref_slice %arg5[%mul3A_2, %dma_wait3A_364] : memref<2560x128xi32, #tpu.memory_space<hbm>> -> memref<80x128xi32, #tpu.memory_space<hbm>>
      tpu.wait_dma2 semaphore(%run_scoped3A : memref<!tpu.dma_semaphore, #tpu.memory_space<semaphore_mem>>) src(%dma_wait3A_365 : memref<80x128xi32, #tpu.memory_space<hbm>>) dst(%arg8 : memref<80x128xi32, #tpu.memory_space<vmem>>)
      tpu.yield
    }) : () -> ()
    %dma_start3A = arith.constant 0 : i32
    %dma_start3A_3 = arith.constant 0 : i32
    %dma_start3A_4 = arith.constant 0 : i32
    %dma_start3A_5 = arith.constant 0 : i32
    %dma_start3A_6 = tpu.memref_slice %arg9[%dma_start3A_3, %dma_start3A_4, %dma_start3A_5] : memref<2x128x128xf32, #tpu.memory_space<vmem>> -> memref<1x128x128xf32, #tpu.memory_space<vmem>>
    %dma_start3A_7 = tpu.memref_squeeze %dma_start3A_6 : memref<1x128x128xf32, #tpu.memory_space<vmem>> -> memref<128x128xf32, #tpu.memory_space<vmem>>
    %dma_start3A_8 = arith.constant 0 : i32
    %dma_start3A_9 = tpu.memref_slice %arg7[%dma_start3A, %dma_start3A_8] : memref<80x128xi32, #tpu.memory_space<vmem>> -> memref<1x128xi32, #tpu.memory_space<vmem>>
    %dma_start3A_10 = tpu.memref_squeeze %dma_start3A_9 : memref<1x128xi32, #tpu.memory_space<vmem>> -> memref<128xi32, #tpu.memory_space<vmem>>
    %dma_start3A_11 = arith.constant 0 : i32
    %dma_start3A_12 = arith.constant 0 : i32
    %dma_start3A_13 = tpu.memref_slice %arg2[%dma_start3A_11, %dma_start3A_12] : memref<10240x128xf32, #tpu.memory_space<hbm>> -> memref<10240x128xf32, #tpu.memory_space<hbm>>
    tpu.enqueue_indirect_dma source(%dma_start3A_13 : memref<10240x128xf32, #tpu.memory_space<hbm>>) target(%dma_start3A_7 : memref<128x128xf32, #tpu.memory_space<vmem>>) offsets(%dma_start3A_10 : memref<128xi32, #tpu.memory_space<vmem>>) semaphore(%arg12 : memref<!tpu.dma_semaphore, #tpu.memory_space<semaphore_mem>>)
    %dma_start3A_14 = arith.constant 0 : i32
    %dma_start3A_15 = arith.constant 0 : i32
    %dma_start3A_16 = arith.constant 0 : i32
    %dma_start3A_17 = arith.constant 0 : i32
    %dma_start3A_18 = tpu.memref_slice %arg10[%dma_start3A_15, %dma_start3A_16, %dma_start3A_17] : memref<2x128x128xf32, #tpu.memory_space<vmem>> -> memref<1x128x128xf32, #tpu.memory_space<vmem>>
    %dma_start3A_19 = tpu.memref_squeeze %dma_start3A_18 : memref<1x128x128xf32, #tpu.memory_space<vmem>> -> memref<128x128xf32, #tpu.memory_space<vmem>>
    %dma_start3A_20 = arith.constant 0 : i32
    %dma_start3A_21 = tpu.memref_slice %arg8[%dma_start3A_14, %dma_start3A_20] : memref<80x128xi32, #tpu.memory_space<vmem>> -> memref<1x128xi32, #tpu.memory_space<vmem>>
    %dma_start3A_22 = tpu.memref_squeeze %dma_start3A_21 : memref<1x128xi32, #tpu.memory_space<vmem>> -> memref<128xi32, #tpu.memory_space<vmem>>
    %dma_start3A_23 = arith.constant 0 : i32
    %dma_start3A_24 = arith.constant 0 : i32
    %dma_start3A_25 = tpu.memref_slice %arg3[%dma_start3A_23, %dma_start3A_24] : memref<10240x128xf32, #tpu.memory_space<hbm>> -> memref<10240x128xf32, #tpu.memory_space<hbm>>
    tpu.enqueue_indirect_dma source(%dma_start3A_25 : memref<10240x128xf32, #tpu.memory_space<hbm>>) target(%dma_start3A_19 : memref<128x128xf32, #tpu.memory_space<vmem>>) offsets(%dma_start3A_22 : memref<128xi32, #tpu.memory_space<vmem>>) semaphore(%arg13 : memref<!tpu.dma_semaphore, #tpu.memory_space<semaphore_mem>>)
    %dma_wait3A = arith.constant 0 : i32
    %dma_wait3A_26 = arith.constant 0 : i32
    %dma_wait3A_27 = arith.constant 0 : i32
    %dma_wait3A_28 = arith.constant 0 : i32
    %dma_wait3A_29 = tpu.memref_slice %arg9[%dma_wait3A_26, %dma_wait3A_27, %dma_wait3A_28] : memref<2x128x128xf32, #tpu.memory_space<vmem>> -> memref<1x128x128xf32, #tpu.memory_space<vmem>>
    %dma_wait3A_30 = tpu.memref_squeeze %dma_wait3A_29 : memref<1x128x128xf32, #tpu.memory_space<vmem>> -> memref<128x128xf32, #tpu.memory_space<vmem>>
    %dma_wait3A_31 = arith.constant 0 : i32
    %dma_wait3A_32 = tpu.memref_slice %arg7[%dma_wait3A, %dma_wait3A_31] : memref<80x128xi32, #tpu.memory_space<vmem>> -> memref<1x128xi32, #tpu.memory_space<vmem>>
    %dma_wait3A_33 = tpu.memref_squeeze %dma_wait3A_32 : memref<1x128xi32, #tpu.memory_space<vmem>> -> memref<128xi32, #tpu.memory_space<vmem>>
    %dma_wait3A_34 = arith.constant 0 : i32
    %dma_wait3A_35 = arith.constant 0 : i32
    %dma_wait3A_36 = tpu.memref_slice %arg2[%dma_wait3A_34, %dma_wait3A_35] : memref<10240x128xf32, #tpu.memory_space<hbm>> -> memref<10240x128xf32, #tpu.memory_space<hbm>>
    tpu.wait_indirect_dma semaphore(%arg12 : memref<!tpu.dma_semaphore, #tpu.memory_space<semaphore_mem>>) src(%dma_wait3A_36 : memref<10240x128xf32, #tpu.memory_space<hbm>>) dst(%dma_wait3A_30 : memref<128x128xf32, #tpu.memory_space<vmem>>)
    %dma_wait3A_37 = arith.constant 0 : i32
    %dma_wait3A_38 = arith.constant 0 : i32
    %dma_wait3A_39 = arith.constant 0 : i32
    %dma_wait3A_40 = arith.constant 0 : i32
    %dma_wait3A_41 = tpu.memref_slice %arg10[%dma_wait3A_38, %dma_wait3A_39, %dma_wait3A_40] : memref<2x128x128xf32, #tpu.memory_space<vmem>> -> memref<1x128x128xf32, #tpu.memory_space<vmem>>
    %dma_wait3A_42 = tpu.memref_squeeze %dma_wait3A_41 : memref<1x128x128xf32, #tpu.memory_space<vmem>> -> memref<128x128xf32, #tpu.memory_space<vmem>>
    %dma_wait3A_43 = arith.constant 0 : i32
    %dma_wait3A_44 = tpu.memref_slice %arg8[%dma_wait3A_37, %dma_wait3A_43] : memref<80x128xi32, #tpu.memory_space<vmem>> -> memref<1x128xi32, #tpu.memory_space<vmem>>
    %dma_wait3A_45 = tpu.memref_squeeze %dma_wait3A_44 : memref<1x128xi32, #tpu.memory_space<vmem>> -> memref<128xi32, #tpu.memory_space<vmem>>
    %dma_wait3A_46 = arith.constant 0 : i32
    %dma_wait3A_47 = arith.constant 0 : i32
    %dma_wait3A_48 = tpu.memref_slice %arg3[%dma_wait3A_46, %dma_wait3A_47] : memref<10240x128xf32, #tpu.memory_space<hbm>> -> memref<10240x128xf32, #tpu.memory_space<hbm>>
    tpu.wait_indirect_dma semaphore(%arg13 : memref<!tpu.dma_semaphore, #tpu.memory_space<semaphore_mem>>) src(%dma_wait3A_48 : memref<10240x128xf32, #tpu.memory_space<hbm>>) dst(%dma_wait3A_42 : memref<128x128xf32, #tpu.memory_space<vmem>>)
    %dma_start3A_49 = arith.constant 1 : i32
    %dma_start3A_50 = arith.constant 1 : i32
    %dma_start3A_51 = arith.constant 0 : i32
    %dma_start3A_52 = arith.constant 0 : i32
    %dma_start3A_53 = tpu.memref_slice %arg9[%dma_start3A_50, %dma_start3A_51, %dma_start3A_52] : memref<2x128x128xf32, #tpu.memory_space<vmem>> -> memref<1x128x128xf32, #tpu.memory_space<vmem>>
    %dma_start3A_54 = tpu.memref_squeeze %dma_start3A_53 : memref<1x128x128xf32, #tpu.memory_space<vmem>> -> memref<128x128xf32, #tpu.memory_space<vmem>>
    %dma_start3A_55 = arith.constant 0 : i32
    %dma_start3A_56 = tpu.memref_slice %arg7[%dma_start3A_49, %dma_start3A_55] : memref<80x128xi32, #tpu.memory_space<vmem>> -> memref<1x128xi32, #tpu.memory_space<vmem>>
    %dma_start3A_57 = tpu.memref_squeeze %dma_start3A_56 : memref<1x128xi32, #tpu.memory_space<vmem>> -> memref<128xi32, #tpu.memory_space<vmem>>
    %dma_start3A_58 = arith.constant 0 : i32
    %dma_start3A_59 = arith.constant 0 : i32
    %dma_start3A_60 = tpu.memref_slice %arg2[%dma_start3A_58, %dma_start3A_59] : memref<10240x128xf32, #tpu.memory_space<hbm>> -> memref<10240x128xf32, #tpu.memory_space<hbm>>
    tpu.enqueue_indirect_dma source(%dma_start3A_60 : memref<10240x128xf32, #tpu.memory_space<hbm>>) target(%dma_start3A_54 : memref<128x128xf32, #tpu.memory_space<vmem>>) offsets(%dma_start3A_57 : memref<128xi32, #tpu.memory_space<vmem>>) semaphore(%arg14 : memref<!tpu.dma_semaphore, #tpu.memory_space<semaphore_mem>>)
    %dma_start3A_61 = arith.constant 1 : i32
    %dma_start3A_62 = arith.constant 1 : i32
    %dma_start3A_63 = arith.constant 0 : i32
    %dma_start3A_64 = arith.constant 0 : i32
    %dma_start3A_65 = tpu.memref_slice %arg10[%dma_start3A_62, %dma_start3A_63, %dma_start3A_64] : memref<2x128x128xf32, #tpu.memory_space<vmem>> -> memref<1x128x128xf32, #tpu.memory_space<vmem>>
    %dma_start3A_66 = tpu.memref_squeeze %dma_start3A_65 : memref<1x128x128xf32, #tpu.memory_space<vmem>> -> memref<128x128xf32, #tpu.memory_space<vmem>>
    %dma_start3A_67 = arith.constant 0 : i32
    %dma_start3A_68 = tpu.memref_slice %arg8[%dma_start3A_61, %dma_start3A_67] : memref<80x128xi32, #tpu.memory_space<vmem>> -> memref<1x128xi32, #tpu.memory_space<vmem>>
    %dma_start3A_69 = tpu.memref_squeeze %dma_start3A_68 : memref<1x128xi32, #tpu.memory_space<vmem>> -> memref<128xi32, #tpu.memory_space<vmem>>
    %dma_start3A_70 = arith.constant 0 : i32
    %dma_start3A_71 = arith.constant 0 : i32
    %dma_start3A_72 = tpu.memref_slice %arg3[%dma_start3A_70, %dma_start3A_71] : memref<10240x128xf32, #tpu.memory_space<hbm>> -> memref<10240x128xf32, #tpu.memory_space<hbm>>
    tpu.enqueue_indirect_dma source(%dma_start3A_72 : memref<10240x128xf32, #tpu.memory_space<hbm>>) target(%dma_start3A_66 : memref<128x128xf32, #tpu.memory_space<vmem>>) offsets(%dma_start3A_69 : memref<128xi32, #tpu.memory_space<vmem>>) semaphore(%arg15 : memref<!tpu.dma_semaphore, #tpu.memory_space<semaphore_mem>>)
    %scan3A = arith.constant 0 : i32
    %scan3A_73 = arith.constant 0 : i32
    %scan3A_74 = arith.constant 128 : i32
    %scan3A_75 = arith.addi %scan3A_73, %scan3A_74 : i32
    %scan3A_76 = arith.constant 1 : i32
    scf.for %scan3A_358 = %scan3A_73 to %scan3A_75 step %scan3A_76  : i32 {
      %get3A = arith.constant 0 : i32
      %get3A_359 = arith.index_cast %get3A : i32 to index
      %get3A_360 = arith.index_cast %scan3A_358 : i32 to index
      %get3A_361 = arith.constant 0 : index
      %get3A_362 = tpu.vector_load %arg9[%get3A_359, %get3A_360, %get3A_361] {strides = array<i32>} : memref<2x128x128xf32, #tpu.memory_space<vmem>>, vector<1x1x16xf32>,
      %get3A_363 = vector.shape_cast %get3A_362 : vector<1x1x16xf32> to vector<16xf32>
      %get3A_364 = arith.constant 0 : i32
      %get3A_365 = arith.index_cast %get3A_364 : i32 to index
      %get3A_366 = arith.index_cast %scan3A_358 : i32 to index
      %get3A_367 = arith.constant 0 : index
      %get3A_368 = tpu.vector_load %arg10[%get3A_365, %get3A_366, %get3A_367] {strides = array<i32>} : memref<2x128x128xf32, #tpu.memory_space<vmem>>, vector<1x1x16xf32>,
      %get3A_369 = vector.shape_cast %get3A_368 : vector<1x1x16xf32> to vector<16xf32>
      %add3A_370 = arith.addf %get3A_363, %get3A_369 : vector<16xf32>
      %swap3A = arith.constant 0 : i32
      %swap3A_371 = arith.index_cast %swap3A : i32 to index
      %swap3A_372 = arith.index_cast %scan3A_358 : i32 to index
      %swap3A_373 = arith.constant 0 : index
      %swap3A_374 = tpu.vector_load %arg11[%swap3A_371, %swap3A_372, %swap3A_373] {strides = array<i32>} : memref<2x128x128xf32, #tpu.memory_space<vmem>>, vector<1x1x16xf32>,
      %swap3A_375 = vector.shape_cast %swap3A_374 : vector<1x1x16xf32> to vector<16xf32>
      %swap3A_376 = vector.shape_cast %add3A_370 : vector<16xf32> to vector<1x1x16xf32>
      tpu.vector_store %arg11[%swap3A_371, %swap3A_372, %swap3A_373], %swap3A_376 {strides = array<i32>} : memref<2x128x128xf32, #tpu.memory_space<vmem>>, vector<1x1x16xf32>,
      %get3A_377 = arith.constant 0 : i32
      %get3A_378 = arith.index_cast %get3A_377 : i32 to index
      %get3A_379 = arith.index_cast %scan3A_358 : i32 to index
      %get3A_380 = arith.constant 16 : index
      %get3A_381 = tpu.vector_load %arg9[%get3A_378, %get3A_379, %get3A_380] {strides = array<i32>} : memref<2x128x128xf32, #tpu.memory_space<vmem>>, vector<1x1x16xf32>,
      %get3A_382 = vector.shape_cast %get3A_381 : vector<1x1x16xf32> to vector<16xf32>
      %get3A_383 = arith.constant 0 : i32
      %get3A_384 = arith.index_cast %get3A_383 : i32 to index
      %get3A_385 = arith.index_cast %scan3A_358 : i32 to index
      %get3A_386 = arith.constant 16 : index
      %get3A_387 = tpu.vector_load %arg10[%get3A_384, %get3A_385, %get3A_386] {strides = array<i32>} : memref<2x128x128xf32, #tpu.memory_space<vmem>>, vector<1x1x16xf32>,
      %get3A_388 = vector.shape_cast %get3A_387 : vector<1x1x16xf32> to vector<16xf32>
      %add3A_389 = arith.addf %get3A_382, %get3A_388 : vector<16xf32>
      %swap3A_390 = arith.constant 0 : i32
      %swap3A_391 = arith.index_cast %swap3A_390 : i32 to index
      %swap3A_392 = arith.index_cast %scan3A_358 : i32 to index
      %swap3A_393 = arith.constant 16 : index
      %swap3A_394 = tpu.vector_load %arg11[%swap3A_391, %swap3A_392, %swap3A_393] {strides = array<i32>} : memref<2x128x128xf32, #tpu.memory_space<vmem>>, vector<1x1x16xf32>,
      %swap3A_395 = vector.shape_cast %swap3A_394 : vector<1x1x16xf32> to vector<16xf32>
      %swap3A_396 = vector.shape_cast %add3A_389 : vector<16xf32> to vector<1x1x16xf32>
      tpu.vector_store %arg11[%swap3A_391, %swap3A_392, %swap3A_393], %swap3A_396 {strides = array<i32>} : memref<2x128x128xf32, #tpu.memory_space<vmem>>, vector<1x1x16xf32>,
      %get3A_397 = arith.constant 0 : i32
      %get3A_398 = arith.index_cast %get3A_397 : i32 to index
      %get3A_399 = arith.index_cast %scan3A_358 : i32 to index
      %get3A_400 = arith.constant 32 : index
      %get3A_401 = tpu.vector_load %arg9[%get3A_398, %get3A_399, %get3A_400] {strides = array<i32>} : memref<2x128x128xf32, #tpu.memory_space<vmem>>, vector<1x1x16xf32>,
      %get3A_402 = vector.shape_cast %get3A_401 : vector<1x1x16xf32> to vector<16xf32>
      %get3A_403 = arith.constant 0 : i32
      %get3A_404 = arith.index_cast %get3A_403 : i32 to index
      %get3A_405 = arith.index_cast %scan3A_358 : i32 to index
      %get3A_406 = arith.constant 32 : index
      %get3A_407 = tpu.vector_load %arg10[%get3A_404, %get3A_405, %get3A_406] {strides = array<i32>} : memref<2x128x128xf32, #tpu.memory_space<vmem>>, vector<1x1x16xf32>,
      %get3A_408 = vector.shape_cast %get3A_407 : vector<1x1x16xf32> to vector<16xf32>
      %add3A_409 = arith.addf %get3A_402, %get3A_408 : vector<16xf32>
      %swap3A_410 = arith.constant 0 : i32
      %swap3A_411 = arith.index_cast %swap3A_410 : i32 to index
      %swap3A_412 = arith.index_cast %scan3A_358 : i32 to index
      %swap3A_413 = arith.constant 32 : index
      %swap3A_414 = tpu.vector_load %arg11[%swap3A_411, %swap3A_412, %swap3A_413] {strides = array<i32>} : memref<2x128x128xf32, #tpu.memory_space<vmem>>, vector<1x1x16xf32>,
      %swap3A_415 = vector.shape_cast %swap3A_414 : vector<1x1x16xf32> to vector<16xf32>
      %swap3A_416 = vector.shape_cast %add3A_409 : vector<16xf32> to vector<1x1x16xf32>
      tpu.vector_store %arg11[%swap3A_411, %swap3A_412, %swap3A_413], %swap3A_416 {strides = array<i32>} : memref<2x128x128xf32, #tpu.memory_space<vmem>>, vector<1x1x16xf32>,
      %get3A_417 = arith.constant 0 : i32
      %get3A_418 = arith.index_cast %get3A_417 : i32 to index
      %get3A_419 = arith.index_cast %scan3A_358 : i32 to index
      %get3A_420 = arith.constant 48 : index
      %get3A_421 = tpu.vector_load %arg9[%get3A_418, %get3A_419, %get3A_420] {strides = array<i32>} : memref<2x128x128xf32, #tpu.memory_space<vmem>>, vector<1x1x16xf32>,
      %get3A_422 = vector.shape_cast %get3A_421 : vector<1x1x16xf32> to vector<16xf32>
      %get3A_423 = arith.constant 0 : i32
      %get3A_424 = arith.index_cast %get3A_423 : i32 to index
      %get3A_425 = arith.index_cast %scan3A_358 : i32 to index
      %get3A_426 = arith.constant 48 : index
      %get3A_427 = tpu.vector_load %arg10[%get3A_424, %get3A_425, %get3A_426] {strides = array<i32>} : memref<2x128x128xf32, #tpu.memory_space<vmem>>, vector<1x1x16xf32>,
      %get3A_428 = vector.shape_cast %get3A_427 : vector<1x1x16xf32> to vector<16xf32>
      %add3A_429 = arith.addf %get3A_422, %get3A_428 : vector<16xf32>
      %swap3A_430 = arith.constant 0 : i32
      %swap3A_431 = arith.index_cast %swap3A_430 : i32 to index
      %swap3A_432 = arith.index_cast %scan3A_358 : i32 to index
      %swap3A_433 = arith.constant 48 : index
      %swap3A_434 = tpu.vector_load %arg11[%swap3A_431, %swap3A_432, %swap3A_433] {strides = array<i32>} : memref<2x128x128xf32, #tpu.memory_space<vmem>>, vector<1x1x16xf32>,
      %swap3A_435 = vector.shape_cast %swap3A_434 : vector<1x1x16xf32> to vector<16xf32>
      %swap3A_436 = vector.shape_cast %add3A_429 : vector<16xf32> to vector<1x1x16xf32>
      tpu.vector_store %arg11[%swap3A_431, %swap3A_432, %swap3A_433], %swap3A_436 {strides = array<i32>} : memref<2x128x128xf32, #tpu.memory_space<vmem>>, vector<1x1x16xf32>,
      %get3A_437 = arith.constant 0 : i32
      %get3A_438 = arith.index_cast %get3A_437 : i32 to index
      %get3A_439 = arith.index_cast %scan3A_358 : i32 to index
      %get3A_440 = arith.constant 64 : index
      %get3A_441 = tpu.vector_load %arg9[%get3A_438, %get3A_439, %get3A_440] {strides = array<i32>} : memref<2x128x128xf32, #tpu.memory_space<vmem>>, vector<1x1x16xf32>,
      %get3A_442 = vector.shape_cast %get3A_441 : vector<1x1x16xf32> to vector<16xf32>
      %get3A_443 = arith.constant 0 : i32
      %get3A_444 = arith.index_cast %get3A_443 : i32 to index
      %get3A_445 = arith.index_cast %scan3A_358 : i32 to index
      %get3A_446 = arith.constant 64 : index
      %get3A_447 = tpu.vector_load %arg10[%get3A_444, %get3A_445, %get3A_446] {strides = array<i32>} : memref<2x128x128xf32, #tpu.memory_space<vmem>>, vector<1x1x16xf32>,
      %get3A_448 = vector.shape_cast %get3A_447 : vector<1x1x16xf32> to vector<16xf32>
      %add3A_449 = arith.addf %get3A_442, %get3A_448 : vector<16xf32>
      %swap3A_450 = arith.constant 0 : i32
      %swap3A_451 = arith.index_cast %swap3A_450 : i32 to index
      %swap3A_452 = arith.index_cast %scan3A_358 : i32 to index
      %swap3A_453 = arith.constant 64 : index
      %swap3A_454 = tpu.vector_load %arg11[%swap3A_451, %swap3A_452, %swap3A_453] {strides = array<i32>} : memref<2x128x128xf32, #tpu.memory_space<vmem>>, vector<1x1x16xf32>,
      %swap3A_455 = vector.shape_cast %swap3A_454 : vector<1x1x16xf32> to vector<16xf32>
      %swap3A_456 = vector.shape_cast %add3A_449 : vector<16xf32> to vector<1x1x16xf32>
      tpu.vector_store %arg11[%swap3A_451, %swap3A_452, %swap3A_453], %swap3A_456 {strides = array<i32>} : memref<2x128x128xf32, #tpu.memory_space<vmem>>, vector<1x1x16xf32>,
      %get3A_457 = arith.constant 0 : i32
      %get3A_458 = arith.index_cast %get3A_457 : i32 to index
      %get3A_459 = arith.index_cast %scan3A_358 : i32 to index
      %get3A_460 = arith.constant 80 : index
      %get3A_461 = tpu.vector_load %arg9[%get3A_458, %get3A_459, %get3A_460] {strides = array<i32>} : memref<2x128x128xf32, #tpu.memory_space<vmem>>, vector<1x1x16xf32>,
      %get3A_462 = vector.shape_cast %get3A_461 : vector<1x1x16xf32> to vector<16xf32>
      %get3A_463 = arith.constant 0 : i32
      %get3A_464 = arith.index_cast %get3A_463 : i32 to index
      %get3A_465 = arith.index_cast %scan3A_358 : i32 to index
      %get3A_466 = arith.constant 80 : index
      %get3A_467 = tpu.vector_load %arg10[%get3A_464, %get3A_465, %get3A_466] {strides = array<i32>} : memref<2x128x128xf32, #tpu.memory_space<vmem>>, vector<1x1x16xf32>,
      %get3A_468 = vector.shape_cast %get3A_467 : vector<1x1x16xf32> to vector<16xf32>
      %add3A_469 = arith.addf %get3A_462, %get3A_468 : vector<16xf32>
      %swap3A_470 = arith.constant 0 : i32
      %swap3A_471 = arith.index_cast %swap3A_470 : i32 to index
      %swap3A_472 = arith.index_cast %scan3A_358 : i32 to index
      %swap3A_473 = arith.constant 80 : index
      %swap3A_474 = tpu.vector_load %arg11[%swap3A_471, %swap3A_472, %swap3A_473] {strides = array<i32>} : memref<2x128x128xf32, #tpu.memory_space<vmem>>, vector<1x1x16xf32>,
      %swap3A_475 = vector.shape_cast %swap3A_474 : vector<1x1x16xf32> to vector<16xf32>
      %swap3A_476 = vector.shape_cast %add3A_469 : vector<16xf32> to vector<1x1x16xf32>
      tpu.vector_store %arg11[%swap3A_471, %swap3A_472, %swap3A_473], %swap3A_476 {strides = array<i32>} : memref<2x128x128xf32, #tpu.memory_space<vmem>>, vector<1x1x16xf32>,
      %get3A_477 = arith.constant 0 : i32
      %get3A_478 = arith.index_cast %get3A_477 : i32 to index
      %get3A_479 = arith.index_cast %scan3A_358 : i32 to index
      %get3A_480 = arith.constant 96 : index
      %get3A_481 = tpu.vector_load %arg9[%get3A_478, %get3A_479, %get3A_480] {strides = array<i32>} : memref<2x128x128xf32, #tpu.memory_space<vmem>>, vector<1x1x16xf32>,
      %get3A_482 = vector.shape_cast %get3A_481 : vector<1x1x16xf32> to vector<16xf32>
      %get3A_483 = arith.constant 0 : i32
      %get3A_484 = arith.index_cast %get3A_483 : i32 to index
      %get3A_485 = arith.index_cast %scan3A_358 : i32 to index
      %get3A_486 = arith.constant 96 : index
      %get3A_487 = tpu.vector_load %arg10[%get3A_484, %get3A_485, %get3A_486] {strides = array<i32>} : memref<2x128x128xf32, #tpu.memory_space<vmem>>, vector<1x1x16xf32>,
      %get3A_488 = vector.shape_cast %get3A_487 : vector<1x1x16xf32> to vector<16xf32>
      %add3A_489 = arith.addf %get3A_482, %get3A_488 : vector<16xf32>
      %swap3A_490 = arith.constant 0 : i32
      %swap3A_491 = arith.index_cast %swap3A_490 : i32 to index
      %swap3A_492 = arith.index_cast %scan3A_358 : i32 to index
      %swap3A_493 = arith.constant 96 : index
      %swap3A_494 = tpu.vector_load %arg11[%swap3A_491, %swap3A_492, %swap3A_493] {strides = array<i32>} : memref<2x128x128xf32, #tpu.memory_space<vmem>>, vector<1x1x16xf32>,
      %swap3A_495 = vector.shape_cast %swap3A_494 : vector<1x1x16xf32> to vector<16xf32>
      %swap3A_496 = vector.shape_cast %add3A_489 : vector<16xf32> to vector<1x1x16xf32>
      tpu.vector_store %arg11[%swap3A_491, %swap3A_492, %swap3A_493], %swap3A_496 {strides = array<i32>} : memref<2x128x128xf32, #tpu.memory_space<vmem>>, vector<1x1x16xf32>,
      %get3A_497 = arith.constant 0 : i32
      %get3A_498 = arith.index_cast %get3A_497 : i32 to index
      %get3A_499 = arith.index_cast %scan3A_358 : i32 to index
      %get3A_500 = arith.constant 112 : index
      %get3A_501 = tpu.vector_load %arg9[%get3A_498, %get3A_499, %get3A_500] {strides = array<i32>} : memref<2x128x128xf32, #tpu.memory_space<vmem>>, vector<1x1x16xf32>,
      %get3A_502 = vector.shape_cast %get3A_501 : vector<1x1x16xf32> to vector<16xf32>
      %get3A_503 = arith.constant 0 : i32
      %get3A_504 = arith.index_cast %get3A_503 : i32 to index
      %get3A_505 = arith.index_cast %scan3A_358 : i32 to index
      %get3A_506 = arith.constant 112 : index
      %get3A_507 = tpu.vector_load %arg10[%get3A_504, %get3A_505, %get3A_506] {strides = array<i32>} : memref<2x128x128xf32, #tpu.memory_space<vmem>>, vector<1x1x16xf32>,
      %get3A_508 = vector.shape_cast %get3A_507 : vector<1x1x16xf32> to vector<16xf32>
      %add3A_509 = arith.addf %get3A_502, %get3A_508 : vector<16xf32>
      %swap3A_510 = arith.constant 0 : i32
      %swap3A_511 = arith.index_cast %swap3A_510 : i32 to index
      %swap3A_512 = arith.index_cast %scan3A_358 : i32 to index
      %swap3A_513 = arith.constant 112 : index
      %swap3A_514 = tpu.vector_load %arg11[%swap3A_511, %swap3A_512, %swap3A_513] {strides = array<i32>} : memref<2x128x128xf32, #tpu.memory_space<vmem>>, vector<1x1x16xf32>,
      %swap3A_515 = vector.shape_cast %swap3A_514 : vector<1x1x16xf32> to vector<16xf32>
      %swap3A_516 = vector.shape_cast %add3A_509 : vector<16xf32> to vector<1x1x16xf32>
      tpu.vector_store %arg11[%swap3A_511, %swap3A_512, %swap3A_513], %swap3A_516 {strides = array<i32>} : memref<2x128x128xf32, #tpu.memory_space<vmem>>, vector<1x1x16xf32>,
    }
    %scan3A_77 = arith.constant 128 : i32
    %add3A_78 = arith.constant 0 : i32
    %add3A_79 = arith.addi %mul3A_2, %add3A_78 : i32
    %mul3A_80 = arith.constant 128 : i32
    %mul3A_81 = arith.muli %add3A_79, %mul3A_80 : i32
    %dma_start3A_82 = arith.constant 0 : i32
    %dma_start3A_83 = arith.constant 0 : i32
    %dma_start3A_84 = arith.constant 0 : i32
    %dma_start3A_85 = tpu.memref_slice %arg11[%dma_start3A_82, %dma_start3A_83, %dma_start3A_84] : memref<2x128x128xf32, #tpu.memory_space<vmem>> -> memref<1x128x128xf32, #tpu.memory_space<vmem>>
    %dma_start3A_86 = tpu.memref_squeeze %dma_start3A_85 : memref<1x128x128xf32, #tpu.memory_space<vmem>> -> memref<128x128xf32, #tpu.memory_space<vmem>>
    %dma_start3A_87 = arith.constant 0 : i32
    %dma_start3A_88 = tpu.memref_slice %arg6[%mul3A_81, %dma_start3A_87] : memref<327680x128xf32, #tpu.memory_space<hbm>> -> memref<128x128xf32, #tpu.memory_space<hbm>>
    %dma_start3A_89 = arith.constant 0 : i32
    %dma_start3A_90 = tpu.memref_slice %arg6[%mul3A_81, %dma_start3A_89] : memref<327680x128xf32, #tpu.memory_space<hbm>> -> memref<128x128xf32, #tpu.memory_space<hbm>>
    %dma_start3A_91 = arith.constant 0 : i32
    %dma_start3A_92 = arith.constant 0 : i32
    %dma_start3A_93 = tpu.memref_slice %arg11[%dma_start3A_82, %dma_start3A_91, %dma_start3A_92] : memref<2x128x128xf32, #tpu.memory_space<vmem>> -> memref<1x128x128xf32, #tpu.memory_space<vmem>>
    %dma_start3A_94 = tpu.memref_squeeze %dma_start3A_93 : memref<1x128x128xf32, #tpu.memory_space<vmem>> -> memref<128x128xf32, #tpu.memory_space<vmem>>
    tpu.enqueue_dma source(%dma_start3A_94 : memref<128x128xf32, #tpu.memory_space<vmem>>) target(%dma_start3A_90 : memref<128x128xf32, #tpu.memory_space<hbm>>) target_semaphore(%arg16 : memref<!tpu.dma_semaphore, #tpu.memory_space<semaphore_mem>>)
    %dma_wait3A_95 = arith.constant 1 : i32
    %dma_wait3A_96 = arith.constant 1 : i32
    %dma_wait3A_97 = arith.constant 0 : i32
    %dma_wait3A_98 = arith.constant 0 : i32
    %dma_wait3A_99 = tpu.memref_slice %arg9[%dma_wait3A_96, %dma_wait3A_97, %dma_wait3A_98] : memref<2x128x128xf32, #tpu.memory_space<vmem>> -> memref<1x128x128xf32, #tpu.memory_space<vmem>>
    %dma_wait3A_100 = tpu.memref_squeeze %dma_wait3A_99 : memref<1x128x128xf32, #tpu.memory_space<vmem>> -> memref<128x128xf32, #tpu.memory_space<vmem>>
    %dma_wait3A_101 = arith.constant 0 : i32
    %dma_wait3A_102 = tpu.memref_slice %arg7[%dma_wait3A_95, %dma_wait3A_101] : memref<80x128xi32, #tpu.memory_space<vmem>> -> memref<1x128xi32, #tpu.memory_space<vmem>>
    %dma_wait3A_103 = tpu.memref_squeeze %dma_wait3A_102 : memref<1x128xi32, #tpu.memory_space<vmem>> -> memref<128xi32, #tpu.memory_space<vmem>>
    %dma_wait3A_104 = arith.constant 0 : i32
    %dma_wait3A_105 = arith.constant 0 : i32
    %dma_wait3A_106 = tpu.memref_slice %arg2[%dma_wait3A_104, %dma_wait3A_105] : memref<10240x128xf32, #tpu.memory_space<hbm>> -> memref<10240x128xf32, #tpu.memory_space<hbm>>
    tpu.wait_indirect_dma semaphore(%arg14 : memref<!tpu.dma_semaphore, #tpu.memory_space<semaphore_mem>>) src(%dma_wait3A_106 : memref<10240x128xf32, #tpu.memory_space<hbm>>) dst(%dma_wait3A_100 : memref<128x128xf32, #tpu.memory_space<vmem>>)
    %dma_wait3A_107 = arith.constant 1 : i32
    %dma_wait3A_108 = arith.constant 1 : i32
    %dma_wait3A_109 = arith.constant 0 : i32
    %dma_wait3A_110 = arith.constant 0 : i32
    %dma_wait3A_111 = tpu.memref_slice %arg10[%dma_wait3A_108, %dma_wait3A_109, %dma_wait3A_110] : memref<2x128x128xf32, #tpu.memory_space<vmem>> -> memref<1x128x128xf32, #tpu.memory_space<vmem>>
    %dma_wait3A_112 = tpu.memref_squeeze %dma_wait3A_111 : memref<1x128x128xf32, #tpu.memory_space<vmem>> -> memref<128x128xf32, #tpu.memory_space<vmem>>
    %dma_wait3A_113 = arith.constant 0 : i32
    %dma_wait3A_114 = tpu.memref_slice %arg8[%dma_wait3A_107, %dma_wait3A_113] : memref<80x128xi32, #tpu.memory_space<vmem>> -> memref<1x128xi32, #tpu.memory_space<vmem>>
    %dma_wait3A_115 = tpu.memref_squeeze %dma_wait3A_114 : memref<1x128xi32, #tpu.memory_space<vmem>> -> memref<128xi32, #tpu.memory_space<vmem>>
    %dma_wait3A_116 = arith.constant 0 : i32
    %dma_wait3A_117 = arith.constant 0 : i32
    %dma_wait3A_118 = tpu.memref_slice %arg3[%dma_wait3A_116, %dma_wait3A_117] : memref<10240x128xf32, #tpu.memory_space<hbm>> -> memref<10240x128xf32, #tpu.memory_space<hbm>>
    tpu.wait_indirect_dma semaphore(%arg15 : memref<!tpu.dma_semaphore, #tpu.memory_space<semaphore_mem>>) src(%dma_wait3A_118 : memref<10240x128xf32, #tpu.memory_space<hbm>>) dst(%dma_wait3A_112 : memref<128x128xf32, #tpu.memory_space<vmem>>)
    %dma_start3A_119 = arith.constant 2 : i32
    %dma_start3A_120 = arith.constant 0 : i32
    %dma_start3A_121 = arith.constant 0 : i32
    %dma_start3A_122 = arith.constant 0 : i32
    %dma_start3A_123 = tpu.memref_slice %arg9[%dma_start3A_120, %dma_start3A_121, %dma_start3A_122] : memref<2x128x128xf32, #tpu.memory_space<vmem>> -> memref<1x128x128xf32, #tpu.memory_space<vmem>>
    %dma_start3A_124 = tpu.memref_squeeze %dma_start3A_123 : memref<1x128x128xf32, #tpu.memory_space<vmem>> -> memref<128x128xf32, #tpu.memory_space<vmem>>
    %dma_start3A_125 = arith.constant 0 : i32
    %dma_start3A_126 = tpu.memref_slice %arg7[%dma_start3A_119, %dma_start3A_125] : memref<80x128xi32, #tpu.memory_space<vmem>> -> memref<1x128xi32, #tpu.memory_space<vmem>>
    %dma_start3A_127 = tpu.memref_squeeze %dma_start3A_126 : memref<1x128xi32, #tpu.memory_space<vmem>> -> memref<128xi32, #tpu.memory_space<vmem>>
    %dma_start3A_128 = arith.constant 0 : i32
    %dma_start3A_129 = arith.constant 0 : i32
    %dma_start3A_130 = tpu.memref_slice %arg2[%dma_start3A_128, %dma_start3A_129] : memref<10240x128xf32, #tpu.memory_space<hbm>> -> memref<10240x128xf32, #tpu.memory_space<hbm>>
    tpu.enqueue_indirect_dma source(%dma_start3A_130 : memref<10240x128xf32, #tpu.memory_space<hbm>>) target(%dma_start3A_124 : memref<128x128xf32, #tpu.memory_space<vmem>>) offsets(%dma_start3A_127 : memref<128xi32, #tpu.memory_space<vmem>>) semaphore(%arg12 : memref<!tpu.dma_semaphore, #tpu.memory_space<semaphore_mem>>)
    %dma_start3A_131 = arith.constant 2 : i32
    %dma_start3A_132 = arith.constant 0 : i32
    %dma_start3A_133 = arith.constant 0 : i32
    %dma_start3A_134 = arith.constant 0 : i32
    %dma_start3A_135 = tpu.memref_slice %arg10[%dma_start3A_132, %dma_start3A_133, %dma_start3A_134] : memref<2x128x128xf32, #tpu.memory_space<vmem>> -> memref<1x128x128xf32, #tpu.memory_space<vmem>>
    %dma_start3A_136 = tpu.memref_squeeze %dma_start3A_135 : memref<1x128x128xf32, #tpu.memory_space<vmem>> -> memref<128x128xf32, #tpu.memory_space<vmem>>
    %dma_start3A_137 = arith.constant 0 : i32
    %dma_start3A_138 = tpu.memref_slice %arg8[%dma_start3A_131, %dma_start3A_137] : memref<80x128xi32, #tpu.memory_space<vmem>> -> memref<1x128xi32, #tpu.memory_space<vmem>>
    %dma_start3A_139 = tpu.memref_squeeze %dma_start3A_138 : memref<1x128xi32, #tpu.memory_space<vmem>> -> memref<128xi32, #tpu.memory_space<vmem>>
    %dma_start3A_140 = arith.constant 0 : i32
    %dma_start3A_141 = arith.constant 0 : i32
    %dma_start3A_142 = tpu.memref_slice %arg3[%dma_start3A_140, %dma_start3A_141] : memref<10240x128xf32, #tpu.memory_space<hbm>> -> memref<10240x128xf32, #tpu.memory_space<hbm>>
    tpu.enqueue_indirect_dma source(%dma_start3A_142 : memref<10240x128xf32, #tpu.memory_space<hbm>>) target(%dma_start3A_136 : memref<128x128xf32, #tpu.memory_space<vmem>>) offsets(%dma_start3A_139 : memref<128xi32, #tpu.memory_space<vmem>>) semaphore(%arg13 : memref<!tpu.dma_semaphore, #tpu.memory_space<semaphore_mem>>)
    %scan3A_143 = arith.constant 0 : i32
    %scan3A_144 = arith.constant 0 : i32
    %scan3A_145 = arith.constant 128 : i32
    %scan3A_146 = arith.addi %scan3A_144, %scan3A_145 : i32
    %scan3A_147 = arith.constant 1 : i32
    scf.for %scan3A_358 = %scan3A_144 to %scan3A_146 step %scan3A_147  : i32 {
      %get3A = arith.constant 1 : i32
      %get3A_359 = arith.index_cast %get3A : i32 to index
      %get3A_360 = arith.index_cast %scan3A_358 : i32 to index
      %get3A_361 = arith.constant 0 : index
      %get3A_362 = tpu.vector_load %arg9[%get3A_359, %get3A_360, %get3A_361] {strides = array<i32>} : memref<2x128x128xf32, #tpu.memory_space<vmem>>, vector<1x1x16xf32>,
      %get3A_363 = vector.shape_cast %get3A_362 : vector<1x1x16xf32> to vector<16xf32>
      %get3A_364 = arith.constant 1 : i32
      %get3A_365 = arith.index_cast %get3A_364 : i32 to index
      %get3A_366 = arith.index_cast %scan3A_358 : i32 to index
      %get3A_367 = arith.constant 0 : index
      %get3A_368 = tpu.vector_load %arg10[%get3A_365, %get3A_366, %get3A_367] {strides = array<i32>} : memref<2x128x128xf32, #tpu.memory_space<vmem>>, vector<1x1x16xf32>,
      %get3A_369 = vector.shape_cast %get3A_368 : vector<1x1x16xf32> to vector<16xf32>
      %add3A_370 = arith.addf %get3A_363, %get3A_369 : vector<16xf32>
      %swap3A = arith.constant 1 : i32
      %swap3A_371 = arith.index_cast %swap3A : i32 to index
      %swap3A_372 = arith.index_cast %scan3A_358 : i32 to index
      %swap3A_373 = arith.constant 0 : index
      %swap3A_374 = tpu.vector_load %arg11[%swap3A_371, %swap3A_372, %swap3A_373] {strides = array<i32>} : memref<2x128x128xf32, #tpu.memory_space<vmem>>, vector<1x1x16xf32>,
      %swap3A_375 = vector.shape_cast %swap3A_374 : vector<1x1x16xf32> to vector<16xf32>
      %swap3A_376 = vector.shape_cast %add3A_370 : vector<16xf32> to vector<1x1x16xf32>
      tpu.vector_store %arg11[%swap3A_371, %swap3A_372, %swap3A_373], %swap3A_376 {strides = array<i32>} : memref<2x128x128xf32, #tpu.memory_space<vmem>>, vector<1x1x16xf32>,
      %get3A_377 = arith.constant 1 : i32
      %get3A_378 = arith.index_cast %get3A_377 : i32 to index
      %get3A_379 = arith.index_cast %scan3A_358 : i32 to index
      %get3A_380 = arith.constant 16 : index
      %get3A_381 = tpu.vector_load %arg9[%get3A_378, %get3A_379, %get3A_380] {strides = array<i32>} : memref<2x128x128xf32, #tpu.memory_space<vmem>>, vector<1x1x16xf32>,
      %get3A_382 = vector.shape_cast %get3A_381 : vector<1x1x16xf32> to vector<16xf32>
      %get3A_383 = arith.constant 1 : i32
      %get3A_384 = arith.index_cast %get3A_383 : i32 to index
      %get3A_385 = arith.index_cast %scan3A_358 : i32 to index
      %get3A_386 = arith.constant 16 : index
      %get3A_387 = tpu.vector_load %arg10[%get3A_384, %get3A_385, %get3A_386] {strides = array<i32>} : memref<2x128x128xf32, #tpu.memory_space<vmem>>, vector<1x1x16xf32>,
      %get3A_388 = vector.shape_cast %get3A_387 : vector<1x1x16xf32> to vector<16xf32>
      %add3A_389 = arith.addf %get3A_382, %get3A_388 : vector<16xf32>
      %swap3A_390 = arith.constant 1 : i32
      %swap3A_391 = arith.index_cast %swap3A_390 : i32 to index
      %swap3A_392 = arith.index_cast %scan3A_358 : i32 to index
      %swap3A_393 = arith.constant 16 : index
      %swap3A_394 = tpu.vector_load %arg11[%swap3A_391, %swap3A_392, %swap3A_393] {strides = array<i32>} : memref<2x128x128xf32, #tpu.memory_space<vmem>>, vector<1x1x16xf32>,
      %swap3A_395 = vector.shape_cast %swap3A_394 : vector<1x1x16xf32> to vector<16xf32>
      %swap3A_396 = vector.shape_cast %add3A_389 : vector<16xf32> to vector<1x1x16xf32>
      tpu.vector_store %arg11[%swap3A_391, %swap3A_392, %swap3A_393], %swap3A_396 {strides = array<i32>} : memref<2x128x128xf32, #tpu.memory_space<vmem>>, vector<1x1x16xf32>,
      %get3A_397 = arith.constant 1 : i32
      %get3A_398 = arith.index_cast %get3A_397 : i32 to index
      %get3A_399 = arith.index_cast %scan3A_358 : i32 to index
      %get3A_400 = arith.constant 32 : index
      %get3A_401 = tpu.vector_load %arg9[%get3A_398, %get3A_399, %get3A_400] {strides = array<i32>} : memref<2x128x128xf32, #tpu.memory_space<vmem>>, vector<1x1x16xf32>,
      %get3A_402 = vector.shape_cast %get3A_401 : vector<1x1x16xf32> to vector<16xf32>
      %get3A_403 = arith.constant 1 : i32
      %get3A_404 = arith.index_cast %get3A_403 : i32 to index
      %get3A_405 = arith.index_cast %scan3A_358 : i32 to index
      %get3A_406 = arith.constant 32 : index
      %get3A_407 = tpu.vector_load %arg10[%get3A_404, %get3A_405, %get3A_406] {strides = array<i32>} : memref<2x128x128xf32, #tpu.memory_space<vmem>>, vector<1x1x16xf32>,
      %get3A_408 = vector.shape_cast %get3A_407 : vector<1x1x16xf32> to vector<16xf32>
      %add3A_409 = arith.addf %get3A_402, %get3A_408 : vector<16xf32>
      %swap3A_410 = arith.constant 1 : i32
      %swap3A_411 = arith.index_cast %swap3A_410 : i32 to index
      %swap3A_412 = arith.index_cast %scan3A_358 : i32 to index
      %swap3A_413 = arith.constant 32 : index
      %swap3A_414 = tpu.vector_load %arg11[%swap3A_411, %swap3A_412, %swap3A_413] {strides = array<i32>} : memref<2x128x128xf32, #tpu.memory_space<vmem>>, vector<1x1x16xf32>,
      %swap3A_415 = vector.shape_cast %swap3A_414 : vector<1x1x16xf32> to vector<16xf32>
      %swap3A_416 = vector.shape_cast %add3A_409 : vector<16xf32> to vector<1x1x16xf32>
      tpu.vector_store %arg11[%swap3A_411, %swap3A_412, %swap3A_413], %swap3A_416 {strides = array<i32>} : memref<2x128x128xf32, #tpu.memory_space<vmem>>, vector<1x1x16xf32>,
      %get3A_417 = arith.constant 1 : i32
      %get3A_418 = arith.index_cast %get3A_417 : i32 to index
      %get3A_419 = arith.index_cast %scan3A_358 : i32 to index
      %get3A_420 = arith.constant 48 : index
      %get3A_421 = tpu.vector_load %arg9[%get3A_418, %get3A_419, %get3A_420] {strides = array<i32>} : memref<2x128x128xf32, #tpu.memory_space<vmem>>, vector<1x1x16xf32>,
      %get3A_422 = vector.shape_cast %get3A_421 : vector<1x1x16xf32> to vector<16xf32>
      %get3A_423 = arith.constant 1 : i32
      %get3A_424 = arith.index_cast %get3A_423 : i32 to index
      %get3A_425 = arith.index_cast %scan3A_358 : i32 to index
      %get3A_426 = arith.constant 48 : index
      %get3A_427 = tpu.vector_load %arg10[%get3A_424, %get3A_425, %get3A_426] {strides = array<i32>} : memref<2x128x128xf32, #tpu.memory_space<vmem>>, vector<1x1x16xf32>,
      %get3A_428 = vector.shape_cast %get3A_427 : vector<1x1x16xf32> to vector<16xf32>
      %add3A_429 = arith.addf %get3A_422, %get3A_428 : vector<16xf32>
      %swap3A_430 = arith.constant 1 : i32
      %swap3A_431 = arith.index_cast %swap3A_430 : i32 to index
      %swap3A_432 = arith.index_cast %scan3A_358 : i32 to index
      %swap3A_433 = arith.constant 48 : index
      %swap3A_434 = tpu.vector_load %arg11[%swap3A_431, %swap3A_432, %swap3A_433] {strides = array<i32>} : memref<2x128x128xf32, #tpu.memory_space<vmem>>, vector<1x1x16xf32>,
      %swap3A_435 = vector.shape_cast %swap3A_434 : vector<1x1x16xf32> to vector<16xf32>
      %swap3A_436 = vector.shape_cast %add3A_429 : vector<16xf32> to vector<1x1x16xf32>
      tpu.vector_store %arg11[%swap3A_431, %swap3A_432, %swap3A_433], %swap3A_436 {strides = array<i32>} : memref<2x128x128xf32, #tpu.memory_space<vmem>>, vector<1x1x16xf32>,
      %get3A_437 = arith.constant 1 : i32
      %get3A_438 = arith.index_cast %get3A_437 : i32 to index
      %get3A_439 = arith.index_cast %scan3A_358 : i32 to index
      %get3A_440 = arith.constant 64 : index
      %get3A_441 = tpu.vector_load %arg9[%get3A_438, %get3A_439, %get3A_440] {strides = array<i32>} : memref<2x128x128xf32, #tpu.memory_space<vmem>>, vector<1x1x16xf32>,
      %get3A_442 = vector.shape_cast %get3A_441 : vector<1x1x16xf32> to vector<16xf32>
      %get3A_443 = arith.constant 1 : i32
      %get3A_444 = arith.index_cast %get3A_443 : i32 to index
      %get3A_445 = arith.index_cast %scan3A_358 : i32 to index
      %get3A_446 = arith.constant 64 : index
      %get3A_447 = tpu.vector_load %arg10[%get3A_444, %get3A_445, %get3A_446] {strides = array<i32>} : memref<2x128x128xf32, #tpu.memory_space<vmem>>, vector<1x1x16xf32>,
      %get3A_448 = vector.shape_cast %get3A_447 : vector<1x1x16xf32> to vector<16xf32>
      %add3A_449 = arith.addf %get3A_442, %get3A_448 : vector<16xf32>
      %swap3A_450 = arith.constant 1 : i32
      %swap3A_451 = arith.index_cast %swap3A_450 : i32 to index
      %swap3A_452 = arith.index_cast %scan3A_358 : i32 to index
      %swap3A_453 = arith.constant 64 : index
      %swap3A_454 = tpu.vector_load %arg11[%swap3A_451, %swap3A_452, %swap3A_453] {strides = array<i32>} : memref<2x128x128xf32, #tpu.memory_space<vmem>>, vector<1x1x16xf32>,
      %swap3A_455 = vector.shape_cast %swap3A_454 : vector<1x1x16xf32> to vector<16xf32>
      %swap3A_456 = vector.shape_cast %add3A_449 : vector<16xf32> to vector<1x1x16xf32>
      tpu.vector_store %arg11[%swap3A_451, %swap3A_452, %swap3A_453], %swap3A_456 {strides = array<i32>} : memref<2x128x128xf32, #tpu.memory_space<vmem>>, vector<1x1x16xf32>,
      %get3A_457 = arith.constant 1 : i32
      %get3A_458 = arith.index_cast %get3A_457 : i32 to index
      %get3A_459 = arith.index_cast %scan3A_358 : i32 to index
      %get3A_460 = arith.constant 80 : index
      %get3A_461 = tpu.vector_load %arg9[%get3A_458, %get3A_459, %get3A_460] {strides = array<i32>} : memref<2x128x128xf32, #tpu.memory_space<vmem>>, vector<1x1x16xf32>,
      %get3A_462 = vector.shape_cast %get3A_461 : vector<1x1x16xf32> to vector<16xf32>
      %get3A_463 = arith.constant 1 : i32
      %get3A_464 = arith.index_cast %get3A_463 : i32 to index
      %get3A_465 = arith.index_cast %scan3A_358 : i32 to index
      %get3A_466 = arith.constant 80 : index
      %get3A_467 = tpu.vector_load %arg10[%get3A_464, %get3A_465, %get3A_466] {strides = array<i32>} : memref<2x128x128xf32, #tpu.memory_space<vmem>>, vector<1x1x16xf32>,
      %get3A_468 = vector.shape_cast %get3A_467 : vector<1x1x16xf32> to vector<16xf32>
      %add3A_469 = arith.addf %get3A_462, %get3A_468 : vector<16xf32>
      %swap3A_470 = arith.constant 1 : i32
      %swap3A_471 = arith.index_cast %swap3A_470 : i32 to index
      %swap3A_472 = arith.index_cast %scan3A_358 : i32 to index
      %swap3A_473 = arith.constant 80 : index
      %swap3A_474 = tpu.vector_load %arg11[%swap3A_471, %swap3A_472, %swap3A_473] {strides = array<i32>} : memref<2x128x128xf32, #tpu.memory_space<vmem>>, vector<1x1x16xf32>,
      %swap3A_475 = vector.shape_cast %swap3A_474 : vector<1x1x16xf32> to vector<16xf32>
      %swap3A_476 = vector.shape_cast %add3A_469 : vector<16xf32> to vector<1x1x16xf32>
      tpu.vector_store %arg11[%swap3A_471, %swap3A_472, %swap3A_473], %swap3A_476 {strides = array<i32>} : memref<2x128x128xf32, #tpu.memory_space<vmem>>, vector<1x1x16xf32>,
      %get3A_477 = arith.constant 1 : i32
      %get3A_478 = arith.index_cast %get3A_477 : i32 to index
      %get3A_479 = arith.index_cast %scan3A_358 : i32 to index
      %get3A_480 = arith.constant 96 : index
      %get3A_481 = tpu.vector_load %arg9[%get3A_478, %get3A_479, %get3A_480] {strides = array<i32>} : memref<2x128x128xf32, #tpu.memory_space<vmem>>, vector<1x1x16xf32>,
      %get3A_482 = vector.shape_cast %get3A_481 : vector<1x1x16xf32> to vector<16xf32>
      %get3A_483 = arith.constant 1 : i32
      %get3A_484 = arith.index_cast %get3A_483 : i32 to index
      %get3A_485 = arith.index_cast %scan3A_358 : i32 to index
      %get3A_486 = arith.constant 96 : index
      %get3A_487 = tpu.vector_load %arg10[%get3A_484, %get3A_485, %get3A_486] {strides = array<i32>} : memref<2x128x128xf32, #tpu.memory_space<vmem>>, vector<1x1x16xf32>,
      %get3A_488 = vector.shape_cast %get3A_487 : vector<1x1x16xf32> to vector<16xf32>
      %add3A_489 = arith.addf %get3A_482, %get3A_488 : vector<16xf32>
      %swap3A_490 = arith.constant 1 : i32
      %swap3A_491 = arith.index_cast %swap3A_490 : i32 to index
      %swap3A_492 = arith.index_cast %scan3A_358 : i32 to index
      %swap3A_493 = arith.constant 96 : index
      %swap3A_494 = tpu.vector_load %arg11[%swap3A_491, %swap3A_492, %swap3A_493] {strides = array<i32>} : memref<2x128x128xf32, #tpu.memory_space<vmem>>, vector<1x1x16xf32>,
      %swap3A_495 = vector.shape_cast %swap3A_494 : vector<1x1x16xf32> to vector<16xf32>
      %swap3A_496 = vector.shape_cast %add3A_489 : vector<16xf32> to vector<1x1x16xf32>
      tpu.vector_store %arg11[%swap3A_491, %swap3A_492, %swap3A_493], %swap3A_496 {strides = array<i32>} : memref<2x128x128xf32, #tpu.memory_space<vmem>>, vector<1x1x16xf32>,
      %get3A_497 = arith.constant 1 : i32
      %get3A_498 = arith.index_cast %get3A_497 : i32 to index
      %get3A_499 = arith.index_cast %scan3A_358 : i32 to index
      %get3A_500 = arith.constant 112 : index
      %get3A_501 = tpu.vector_load %arg9[%get3A_498, %get3A_499, %get3A_500] {strides = array<i32>} : memref<2x128x128xf32, #tpu.memory_space<vmem>>, vector<1x1x16xf32>,
      %get3A_502 = vector.shape_cast %get3A_501 : vector<1x1x16xf32> to vector<16xf32>
      %get3A_503 = arith.constant 1 : i32
      %get3A_504 = arith.index_cast %get3A_503 : i32 to index
      %get3A_505 = arith.index_cast %scan3A_358 : i32 to index
      %get3A_506 = arith.constant 112 : index
      %get3A_507 = tpu.vector_load %arg10[%get3A_504, %get3A_505, %get3A_506] {strides = array<i32>} : memref<2x128x128xf32, #tpu.memory_space<vmem>>, vector<1x1x16xf32>,
      %get3A_508 = vector.shape_cast %get3A_507 : vector<1x1x16xf32> to vector<16xf32>
      %add3A_509 = arith.addf %get3A_502, %get3A_508 : vector<16xf32>
      %swap3A_510 = arith.constant 1 : i32
      %swap3A_511 = arith.index_cast %swap3A_510 : i32 to index
      %swap3A_512 = arith.index_cast %scan3A_358 : i32 to index
      %swap3A_513 = arith.constant 112 : index
      %swap3A_514 = tpu.vector_load %arg11[%swap3A_511, %swap3A_512, %swap3A_513] {strides = array<i32>} : memref<2x128x128xf32, #tpu.memory_space<vmem>>, vector<1x1x16xf32>,
      %swap3A_515 = vector.shape_cast %swap3A_514 : vector<1x1x16xf32> to vector<16xf32>
      %swap3A_516 = vector.shape_cast %add3A_509 : vector<16xf32> to vector<1x1x16xf32>
      tpu.vector_store %arg11[%swap3A_511, %swap3A_512, %swap3A_513], %swap3A_516 {strides = array<i32>} : memref<2x128x128xf32, #tpu.memory_space<vmem>>, vector<1x1x16xf32>,
    }
    %scan3A_148 = arith.constant 128 : i32
    %add3A_149 = arith.constant 1 : i32
    %add3A_150 = arith.addi %mul3A_2, %add3A_149 : i32
    %mul3A_151 = arith.constant 128 : i32
    %mul3A_152 = arith.muli %add3A_150, %mul3A_151 : i32
    %dma_start3A_153 = arith.constant 1 : i32
    %dma_start3A_154 = arith.constant 0 : i32
    %dma_start3A_155 = arith.constant 0 : i32
    %dma_start3A_156 = tpu.memref_slice %arg11[%dma_start3A_153, %dma_start3A_154, %dma_start3A_155] : memref<2x128x128xf32, #tpu.memory_space<vmem>> -> memref<1x128x128xf32, #tpu.memory_space<vmem>>
    %dma_start3A_157 = tpu.memref_squeeze %dma_start3A_156 : memref<1x128x128xf32, #tpu.memory_space<vmem>> -> memref<128x128xf32, #tpu.memory_space<vmem>>
    %dma_start3A_158 = arith.constant 0 : i32
    %dma_start3A_159 = tpu.memref_slice %arg6[%mul3A_152, %dma_start3A_158] : memref<327680x128xf32, #tpu.memory_space<hbm>> -> memref<128x128xf32, #tpu.memory_space<hbm>>
    %dma_start3A_160 = arith.constant 0 : i32
    %dma_start3A_161 = tpu.memref_slice %arg6[%mul3A_152, %dma_start3A_160] : memref<327680x128xf32, #tpu.memory_space<hbm>> -> memref<128x128xf32, #tpu.memory_space<hbm>>
    %dma_start3A_162 = arith.constant 0 : i32
    %dma_start3A_163 = arith.constant 0 : i32
    %dma_start3A_164 = tpu.memref_slice %arg11[%dma_start3A_153, %dma_start3A_162, %dma_start3A_163] : memref<2x128x128xf32, #tpu.memory_space<vmem>> -> memref<1x128x128xf32, #tpu.memory_space<vmem>>
    %dma_start3A_165 = tpu.memref_squeeze %dma_start3A_164 : memref<1x128x128xf32, #tpu.memory_space<vmem>> -> memref<128x128xf32, #tpu.memory_space<vmem>>
    tpu.enqueue_dma source(%dma_start3A_165 : memref<128x128xf32, #tpu.memory_space<vmem>>) target(%dma_start3A_161 : memref<128x128xf32, #tpu.memory_space<hbm>>) target_semaphore(%arg17 : memref<!tpu.dma_semaphore, #tpu.memory_space<semaphore_mem>>)
    %scan3A_166 = arith.constant 0 : i32
    %scan3A_167 = arith.constant 1 : i32
    %scan3A_168 = arith.constant 38 : i32
    %scan3A_169 = arith.addi %scan3A_167, %scan3A_168 : i32
    %scan3A_170 = arith.constant 1 : i32
    scf.for %scan3A_358 = %scan3A_167 to %scan3A_169 step %scan3A_170  : i32 {
      %mul3A_359 = arith.constant 2 : i32
      %mul3A_360 = arith.muli %mul3A_359, %scan3A_358 : i32
      %dma_wait3A_361 = arith.constant 0 : i32
      %dma_wait3A_362 = arith.constant 0 : i32
      %dma_wait3A_363 = arith.constant 0 : i32
      %dma_wait3A_364 = tpu.memref_slice %arg9[%dma_wait3A_361, %dma_wait3A_362, %dma_wait3A_363] : memref<2x128x128xf32, #tpu.memory_space<vmem>> -> memref<1x128x128xf32, #tpu.memory_space<vmem>>
      %dma_wait3A_365 = tpu.memref_squeeze %dma_wait3A_364 : memref<1x128x128xf32, #tpu.memory_space<vmem>> -> memref<128x128xf32, #tpu.memory_space<vmem>>
      %dma_wait3A_366 = arith.constant 0 : i32
      %dma_wait3A_367 = tpu.memref_slice %arg7[%mul3A_360, %dma_wait3A_366] : memref<80x128xi32, #tpu.memory_space<vmem>> -> memref<1x128xi32, #tpu.memory_space<vmem>>
      %dma_wait3A_368 = tpu.memref_squeeze %dma_wait3A_367 : memref<1x128xi32, #tpu.memory_space<vmem>> -> memref<128xi32, #tpu.memory_space<vmem>>
      %dma_wait3A_369 = arith.constant 0 : i32
      %dma_wait3A_370 = arith.constant 0 : i32
      %dma_wait3A_371 = tpu.memref_slice %arg2[%dma_wait3A_369, %dma_wait3A_370] : memref<10240x128xf32, #tpu.memory_space<hbm>> -> memref<10240x128xf32, #tpu.memory_space<hbm>>
      tpu.wait_indirect_dma semaphore(%arg12 : memref<!tpu.dma_semaphore, #tpu.memory_space<semaphore_mem>>) src(%dma_wait3A_371 : memref<10240x128xf32, #tpu.memory_space<hbm>>) dst(%dma_wait3A_365 : memref<128x128xf32, #tpu.memory_space<vmem>>)
      %dma_wait3A_372 = arith.constant 0 : i32
      %dma_wait3A_373 = arith.constant 0 : i32
      %dma_wait3A_374 = arith.constant 0 : i32
      %dma_wait3A_375 = tpu.memref_slice %arg10[%dma_wait3A_372, %dma_wait3A_373, %dma_wait3A_374] : memref<2x128x128xf32, #tpu.memory_space<vmem>> -> memref<1x128x128xf32, #tpu.memory_space<vmem>>
      %dma_wait3A_376 = tpu.memref_squeeze %dma_wait3A_375 : memref<1x128x128xf32, #tpu.memory_space<vmem>> -> memref<128x128xf32, #tpu.memory_space<vmem>>
      %dma_wait3A_377 = arith.constant 0 : i32
      %dma_wait3A_378 = tpu.memref_slice %arg8[%mul3A_360, %dma_wait3A_377] : memref<80x128xi32, #tpu.memory_space<vmem>> -> memref<1x128xi32, #tpu.memory_space<vmem>>
      %dma_wait3A_379 = tpu.memref_squeeze %dma_wait3A_378 : memref<1x128xi32, #tpu.memory_space<vmem>> -> memref<128xi32, #tpu.memory_space<vmem>>
      %dma_wait3A_380 = arith.constant 0 : i32
      %dma_wait3A_381 = arith.constant 0 : i32
      %dma_wait3A_382 = tpu.memref_slice %arg3[%dma_wait3A_380, %dma_wait3A_381] : memref<10240x128xf32, #tpu.memory_space<hbm>> -> memref<10240x128xf32, #tpu.memory_space<hbm>>
      tpu.wait_indirect_dma semaphore(%arg13 : memref<!tpu.dma_semaphore, #tpu.memory_space<semaphore_mem>>) src(%dma_wait3A_382 : memref<10240x128xf32, #tpu.memory_space<hbm>>) dst(%dma_wait3A_376 : memref<128x128xf32, #tpu.memory_space<vmem>>)
      %add3A_383 = arith.constant 1 : i32
      %add3A_384 = arith.addi %mul3A_360, %add3A_383 : i32
      %dma_start3A_385 = arith.constant 1 : i32
      %dma_start3A_386 = arith.constant 0 : i32
      %dma_start3A_387 = arith.constant 0 : i32
      %dma_start3A_388 = tpu.memref_slice %arg9[%dma_start3A_385, %dma_start3A_386, %dma_start3A_387] : memref<2x128x128xf32, #tpu.memory_space<vmem>> -> memref<1x128x128xf32, #tpu.memory_space<vmem>>
      %dma_start3A_389 = tpu.memref_squeeze %dma_start3A_388 : memref<1x128x128xf32, #tpu.memory_space<vmem>> -> memref<128x128xf32, #tpu.memory_space<vmem>>
      %dma_start3A_390 = arith.constant 0 : i32
      %dma_start3A_391 = tpu.memref_slice %arg7[%add3A_384, %dma_start3A_390] : memref<80x128xi32, #tpu.memory_space<vmem>> -> memref<1x128xi32, #tpu.memory_space<vmem>>
      %dma_start3A_392 = tpu.memref_squeeze %dma_start3A_391 : memref<1x128xi32, #tpu.memory_space<vmem>> -> memref<128xi32, #tpu.memory_space<vmem>>
      %dma_start3A_393 = arith.constant 0 : i32
      %dma_start3A_394 = arith.constant 0 : i32
      %dma_start3A_395 = tpu.memref_slice %arg2[%dma_start3A_393, %dma_start3A_394] : memref<10240x128xf32, #tpu.memory_space<hbm>> -> memref<10240x128xf32, #tpu.memory_space<hbm>>
      tpu.enqueue_indirect_dma source(%dma_start3A_395 : memref<10240x128xf32, #tpu.memory_space<hbm>>) target(%dma_start3A_389 : memref<128x128xf32, #tpu.memory_space<vmem>>) offsets(%dma_start3A_392 : memref<128xi32, #tpu.memory_space<vmem>>) semaphore(%arg14 : memref<!tpu.dma_semaphore, #tpu.memory_space<semaphore_mem>>)
      %dma_start3A_396 = arith.constant 1 : i32
      %dma_start3A_397 = arith.constant 0 : i32
      %dma_start3A_398 = arith.constant 0 : i32
      %dma_start3A_399 = tpu.memref_slice %arg10[%dma_start3A_396, %dma_start3A_397, %dma_start3A_398] : memref<2x128x128xf32, #tpu.memory_space<vmem>> -> memref<1x128x128xf32, #tpu.memory_space<vmem>>
      %dma_start3A_400 = tpu.memref_squeeze %dma_start3A_399 : memref<1x128x128xf32, #tpu.memory_space<vmem>> -> memref<128x128xf32, #tpu.memory_space<vmem>>
      %dma_start3A_401 = arith.constant 0 : i32
      %dma_start3A_402 = tpu.memref_slice %arg8[%add3A_384, %dma_start3A_401] : memref<80x128xi32, #tpu.memory_space<vmem>> -> memref<1x128xi32, #tpu.memory_space<vmem>>
      %dma_start3A_403 = tpu.memref_squeeze %dma_start3A_402 : memref<1x128xi32, #tpu.memory_space<vmem>> -> memref<128xi32, #tpu.memory_space<vmem>>
      %dma_start3A_404 = arith.constant 0 : i32
      %dma_start3A_405 = arith.constant 0 : i32
      %dma_start3A_406 = tpu.memref_slice %arg3[%dma_start3A_404, %dma_start3A_405] : memref<10240x128xf32, #tpu.memory_space<hbm>> -> memref<10240x128xf32, #tpu.memory_space<hbm>>
      tpu.enqueue_indirect_dma source(%dma_start3A_406 : memref<10240x128xf32, #tpu.memory_space<hbm>>) target(%dma_start3A_400 : memref<128x128xf32, #tpu.memory_space<vmem>>) offsets(%dma_start3A_403 : memref<128xi32, #tpu.memory_space<vmem>>) semaphore(%arg15 : memref<!tpu.dma_semaphore, #tpu.memory_space<semaphore_mem>>)
      %sub3A = arith.constant 2 : i32
      %sub3A_407 = arith.subi %mul3A_360, %sub3A : i32
      %add3A_408 = arith.addi %mul3A_2, %sub3A_407 : i32
      %mul3A_409 = arith.constant 128 : i32
      %mul3A_410 = arith.muli %add3A_408, %mul3A_409 : i32
      %dma_wait3A_411 = arith.constant 0 : i32
      %dma_wait3A_412 = arith.constant 0 : i32
      %dma_wait3A_413 = arith.constant 0 : i32
      %dma_wait3A_414 = tpu.memref_slice %arg11[%dma_wait3A_411, %dma_wait3A_412, %dma_wait3A_413] : memref<2x128x128xf32, #tpu.memory_space<vmem>> -> memref<1x128x128xf32, #tpu.memory_space<vmem>>
      %dma_wait3A_415 = tpu.memref_squeeze %dma_wait3A_414 : memref<1x128x128xf32, #tpu.memory_space<vmem>> -> memref<128x128xf32, #tpu.memory_space<vmem>>
      %dma_wait3A_416 = arith.constant 0 : i32
      %dma_wait3A_417 = tpu.memref_slice %arg6[%mul3A_410, %dma_wait3A_416] : memref<327680x128xf32, #tpu.memory_space<hbm>> -> memref<128x128xf32, #tpu.memory_space<hbm>>
      %dma_wait3A_418 = arith.constant 0 : i32
      %dma_wait3A_419 = tpu.memref_slice %arg6[%mul3A_410, %dma_wait3A_418] : memref<327680x128xf32, #tpu.memory_space<hbm>> -> memref<128x128xf32, #tpu.memory_space<hbm>>
      %dma_wait3A_420 = arith.constant 0 : i32
      %dma_wait3A_421 = arith.constant 0 : i32
      %dma_wait3A_422 = tpu.memref_slice %arg11[%dma_wait3A_411, %dma_wait3A_420, %dma_wait3A_421] : memref<2x128x128xf32, #tpu.memory_space<vmem>> -> memref<1x128x128xf32, #tpu.memory_space<vmem>>
      %dma_wait3A_423 = tpu.memref_squeeze %dma_wait3A_422 : memref<1x128x128xf32, #tpu.memory_space<vmem>> -> memref<128x128xf32, #tpu.memory_space<vmem>>
      tpu.wait_dma2 semaphore(%arg16 : memref<!tpu.dma_semaphore, #tpu.memory_space<semaphore_mem>>) src(%dma_wait3A_423 : memref<128x128xf32, #tpu.memory_space<vmem>>) dst(%dma_wait3A_419 : memref<128x128xf32, #tpu.memory_space<hbm>>)
      %scan3A_424 = arith.constant 0 : i32
      %scan3A_425 = arith.constant 0 : i32
      %scan3A_426 = arith.constant 128 : i32
      %scan3A_427 = arith.addi %scan3A_425, %scan3A_426 : i32
      %scan3A_428 = arith.constant 1 : i32
      scf.for %scan3A_536 = %scan3A_425 to %scan3A_427 step %scan3A_428  : i32 {
        %get3A = arith.constant 0 : i32
        %get3A_537 = arith.index_cast %get3A : i32 to index
        %get3A_538 = arith.index_cast %scan3A_536 : i32 to index
        %get3A_539 = arith.constant 0 : index
        %get3A_540 = tpu.vector_load %arg9[%get3A_537, %get3A_538, %get3A_539] {strides = array<i32>} : memref<2x128x128xf32, #tpu.memory_space<vmem>>, vector<1x1x16xf32>,
        %get3A_541 = vector.shape_cast %get3A_540 : vector<1x1x16xf32> to vector<16xf32>
        %get3A_542 = arith.constant 0 : i32
        %get3A_543 = arith.index_cast %get3A_542 : i32 to index
        %get3A_544 = arith.index_cast %scan3A_536 : i32 to index
        %get3A_545 = arith.constant 0 : index
        %get3A_546 = tpu.vector_load %arg10[%get3A_543, %get3A_544, %get3A_545] {strides = array<i32>} : memref<2x128x128xf32, #tpu.memory_space<vmem>>, vector<1x1x16xf32>,
        %get3A_547 = vector.shape_cast %get3A_546 : vector<1x1x16xf32> to vector<16xf32>
        %add3A_548 = arith.addf %get3A_541, %get3A_547 : vector<16xf32>
        %swap3A = arith.constant 0 : i32
        %swap3A_549 = arith.index_cast %swap3A : i32 to index
        %swap3A_550 = arith.index_cast %scan3A_536 : i32 to index
        %swap3A_551 = arith.constant 0 : index
        %swap3A_552 = tpu.vector_load %arg11[%swap3A_549, %swap3A_550, %swap3A_551] {strides = array<i32>} : memref<2x128x128xf32, #tpu.memory_space<vmem>>, vector<1x1x16xf32>,
        %swap3A_553 = vector.shape_cast %swap3A_552 : vector<1x1x16xf32> to vector<16xf32>
        %swap3A_554 = vector.shape_cast %add3A_548 : vector<16xf32> to vector<1x1x16xf32>
        tpu.vector_store %arg11[%swap3A_549, %swap3A_550, %swap3A_551], %swap3A_554 {strides = array<i32>} : memref<2x128x128xf32, #tpu.memory_space<vmem>>, vector<1x1x16xf32>,
        %get3A_555 = arith.constant 0 : i32
        %get3A_556 = arith.index_cast %get3A_555 : i32 to index
        %get3A_557 = arith.index_cast %scan3A_536 : i32 to index
        %get3A_558 = arith.constant 16 : index
        %get3A_559 = tpu.vector_load %arg9[%get3A_556, %get3A_557, %get3A_558] {strides = array<i32>} : memref<2x128x128xf32, #tpu.memory_space<vmem>>, vector<1x1x16xf32>,
        %get3A_560 = vector.shape_cast %get3A_559 : vector<1x1x16xf32> to vector<16xf32>
        %get3A_561 = arith.constant 0 : i32
        %get3A_562 = arith.index_cast %get3A_561 : i32 to index
        %get3A_563 = arith.index_cast %scan3A_536 : i32 to index
        %get3A_564 = arith.constant 16 : index
        %get3A_565 = tpu.vector_load %arg10[%get3A_562, %get3A_563, %get3A_564] {strides = array<i32>} : memref<2x128x128xf32, #tpu.memory_space<vmem>>, vector<1x1x16xf32>,
        %get3A_566 = vector.shape_cast %get3A_565 : vector<1x1x16xf32> to vector<16xf32>
        %add3A_567 = arith.addf %get3A_560, %get3A_566 : vector<16xf32>
        %swap3A_568 = arith.constant 0 : i32
        %swap3A_569 = arith.index_cast %swap3A_568 : i32 to index
        %swap3A_570 = arith.index_cast %scan3A_536 : i32 to index
        %swap3A_571 = arith.constant 16 : index
        %swap3A_572 = tpu.vector_load %arg11[%swap3A_569, %swap3A_570, %swap3A_571] {strides = array<i32>} : memref<2x128x128xf32, #tpu.memory_space<vmem>>, vector<1x1x16xf32>,
        %swap3A_573 = vector.shape_cast %swap3A_572 : vector<1x1x16xf32> to vector<16xf32>
        %swap3A_574 = vector.shape_cast %add3A_567 : vector<16xf32> to vector<1x1x16xf32>
        tpu.vector_store %arg11[%swap3A_569, %swap3A_570, %swap3A_571], %swap3A_574 {strides = array<i32>} : memref<2x128x128xf32, #tpu.memory_space<vmem>>, vector<1x1x16xf32>,
        %get3A_575 = arith.constant 0 : i32
        %get3A_576 = arith.index_cast %get3A_575 : i32 to index
        %get3A_577 = arith.index_cast %scan3A_536 : i32 to index
        %get3A_578 = arith.constant 32 : index
        %get3A_579 = tpu.vector_load %arg9[%get3A_576, %get3A_577, %get3A_578] {strides = array<i32>} : memref<2x128x128xf32, #tpu.memory_space<vmem>>, vector<1x1x16xf32>,
        %get3A_580 = vector.shape_cast %get3A_579 : vector<1x1x16xf32> to vector<16xf32>
        %get3A_581 = arith.constant 0 : i32
        %get3A_582 = arith.index_cast %get3A_581 : i32 to index
        %get3A_583 = arith.index_cast %scan3A_536 : i32 to index
        %get3A_584 = arith.constant 32 : index
        %get3A_585 = tpu.vector_load %arg10[%get3A_582, %get3A_583, %get3A_584] {strides = array<i32>} : memref<2x128x128xf32, #tpu.memory_space<vmem>>, vector<1x1x16xf32>,
        %get3A_586 = vector.shape_cast %get3A_585 : vector<1x1x16xf32> to vector<16xf32>
        %add3A_587 = arith.addf %get3A_580, %get3A_586 : vector<16xf32>
        %swap3A_588 = arith.constant 0 : i32
        %swap3A_589 = arith.index_cast %swap3A_588 : i32 to index
        %swap3A_590 = arith.index_cast %scan3A_536 : i32 to index
        %swap3A_591 = arith.constant 32 : index
        %swap3A_592 = tpu.vector_load %arg11[%swap3A_589, %swap3A_590, %swap3A_591] {strides = array<i32>} : memref<2x128x128xf32, #tpu.memory_space<vmem>>, vector<1x1x16xf32>,
        %swap3A_593 = vector.shape_cast %swap3A_592 : vector<1x1x16xf32> to vector<16xf32>
        %swap3A_594 = vector.shape_cast %add3A_587 : vector<16xf32> to vector<1x1x16xf32>
        tpu.vector_store %arg11[%swap3A_589, %swap3A_590, %swap3A_591], %swap3A_594 {strides = array<i32>} : memref<2x128x128xf32, #tpu.memory_space<vmem>>, vector<1x1x16xf32>,
        %get3A_595 = arith.constant 0 : i32
        %get3A_596 = arith.index_cast %get3A_595 : i32 to index
        %get3A_597 = arith.index_cast %scan3A_536 : i32 to index
        %get3A_598 = arith.constant 48 : index
        %get3A_599 = tpu.vector_load %arg9[%get3A_596, %get3A_597, %get3A_598] {strides = array<i32>} : memref<2x128x128xf32, #tpu.memory_space<vmem>>, vector<1x1x16xf32>,
        %get3A_600 = vector.shape_cast %get3A_599 : vector<1x1x16xf32> to vector<16xf32>
        %get3A_601 = arith.constant 0 : i32
        %get3A_602 = arith.index_cast %get3A_601 : i32 to index
        %get3A_603 = arith.index_cast %scan3A_536 : i32 to index
        %get3A_604 = arith.constant 48 : index
        %get3A_605 = tpu.vector_load %arg10[%get3A_602, %get3A_603, %get3A_604] {strides = array<i32>} : memref<2x128x128xf32, #tpu.memory_space<vmem>>, vector<1x1x16xf32>,
        %get3A_606 = vector.shape_cast %get3A_605 : vector<1x1x16xf32> to vector<16xf32>
        %add3A_607 = arith.addf %get3A_600, %get3A_606 : vector<16xf32>
        %swap3A_608 = arith.constant 0 : i32
        %swap3A_609 = arith.index_cast %swap3A_608 : i32 to index
        %swap3A_610 = arith.index_cast %scan3A_536 : i32 to index
        %swap3A_611 = arith.constant 48 : index
        %swap3A_612 = tpu.vector_load %arg11[%swap3A_609, %swap3A_610, %swap3A_611] {strides = array<i32>} : memref<2x128x128xf32, #tpu.memory_space<vmem>>, vector<1x1x16xf32>,
        %swap3A_613 = vector.shape_cast %swap3A_612 : vector<1x1x16xf32> to vector<16xf32>
        %swap3A_614 = vector.shape_cast %add3A_607 : vector<16xf32> to vector<1x1x16xf32>
        tpu.vector_store %arg11[%swap3A_609, %swap3A_610, %swap3A_611], %swap3A_614 {strides = array<i32>} : memref<2x128x128xf32, #tpu.memory_space<vmem>>, vector<1x1x16xf32>,
        %get3A_615 = arith.constant 0 : i32
        %get3A_616 = arith.index_cast %get3A_615 : i32 to index
        %get3A_617 = arith.index_cast %scan3A_536 : i32 to index
        %get3A_618 = arith.constant 64 : index
        %get3A_619 = tpu.vector_load %arg9[%get3A_616, %get3A_617, %get3A_618] {strides = array<i32>} : memref<2x128x128xf32, #tpu.memory_space<vmem>>, vector<1x1x16xf32>,
        %get3A_620 = vector.shape_cast %get3A_619 : vector<1x1x16xf32> to vector<16xf32>
        %get3A_621 = arith.constant 0 : i32
        %get3A_622 = arith.index_cast %get3A_621 : i32 to index
        %get3A_623 = arith.index_cast %scan3A_536 : i32 to index
        %get3A_624 = arith.constant 64 : index
        %get3A_625 = tpu.vector_load %arg10[%get3A_622, %get3A_623, %get3A_624] {strides = array<i32>} : memref<2x128x128xf32, #tpu.memory_space<vmem>>, vector<1x1x16xf32>,
        %get3A_626 = vector.shape_cast %get3A_625 : vector<1x1x16xf32> to vector<16xf32>
        %add3A_627 = arith.addf %get3A_620, %get3A_626 : vector<16xf32>
        %swap3A_628 = arith.constant 0 : i32
        %swap3A_629 = arith.index_cast %swap3A_628 : i32 to index
        %swap3A_630 = arith.index_cast %scan3A_536 : i32 to index
        %swap3A_631 = arith.constant 64 : index
        %swap3A_632 = tpu.vector_load %arg11[%swap3A_629, %swap3A_630, %swap3A_631] {strides = array<i32>} : memref<2x128x128xf32, #tpu.memory_space<vmem>>, vector<1x1x16xf32>,
        %swap3A_633 = vector.shape_cast %swap3A_632 : vector<1x1x16xf32> to vector<16xf32>
        %swap3A_634 = vector.shape_cast %add3A_627 : vector<16xf32> to vector<1x1x16xf32>
        tpu.vector_store %arg11[%swap3A_629, %swap3A_630, %swap3A_631], %swap3A_634 {strides = array<i32>} : memref<2x128x128xf32, #tpu.memory_space<vmem>>, vector<1x1x16xf32>,
        %get3A_635 = arith.constant 0 : i32
        %get3A_636 = arith.index_cast %get3A_635 : i32 to index
        %get3A_637 = arith.index_cast %scan3A_536 : i32 to index
        %get3A_638 = arith.constant 80 : index
        %get3A_639 = tpu.vector_load %arg9[%get3A_636, %get3A_637, %get3A_638] {strides = array<i32>} : memref<2x128x128xf32, #tpu.memory_space<vmem>>, vector<1x1x16xf32>,
        %get3A_640 = vector.shape_cast %get3A_639 : vector<1x1x16xf32> to vector<16xf32>
        %get3A_641 = arith.constant 0 : i32
        %get3A_642 = arith.index_cast %get3A_641 : i32 to index
        %get3A_643 = arith.index_cast %scan3A_536 : i32 to index
        %get3A_644 = arith.constant 80 : index
        %get3A_645 = tpu.vector_load %arg10[%get3A_642, %get3A_643, %get3A_644] {strides = array<i32>} : memref<2x128x128xf32, #tpu.memory_space<vmem>>, vector<1x1x16xf32>,
        %get3A_646 = vector.shape_cast %get3A_645 : vector<1x1x16xf32> to vector<16xf32>
        %add3A_647 = arith.addf %get3A_640, %get3A_646 : vector<16xf32>
        %swap3A_648 = arith.constant 0 : i32
        %swap3A_649 = arith.index_cast %swap3A_648 : i32 to index
        %swap3A_650 = arith.index_cast %scan3A_536 : i32 to index
        %swap3A_651 = arith.constant 80 : index
        %swap3A_652 = tpu.vector_load %arg11[%swap3A_649, %swap3A_650, %swap3A_651] {strides = array<i32>} : memref<2x128x128xf32, #tpu.memory_space<vmem>>, vector<1x1x16xf32>,
        %swap3A_653 = vector.shape_cast %swap3A_652 : vector<1x1x16xf32> to vector<16xf32>
        %swap3A_654 = vector.shape_cast %add3A_647 : vector<16xf32> to vector<1x1x16xf32>
        tpu.vector_store %arg11[%swap3A_649, %swap3A_650, %swap3A_651], %swap3A_654 {strides = array<i32>} : memref<2x128x128xf32, #tpu.memory_space<vmem>>, vector<1x1x16xf32>,
        %get3A_655 = arith.constant 0 : i32
        %get3A_656 = arith.index_cast %get3A_655 : i32 to index
        %get3A_657 = arith.index_cast %scan3A_536 : i32 to index
        %get3A_658 = arith.constant 96 : index
        %get3A_659 = tpu.vector_load %arg9[%get3A_656, %get3A_657, %get3A_658] {strides = array<i32>} : memref<2x128x128xf32, #tpu.memory_space<vmem>>, vector<1x1x16xf32>,
        %get3A_660 = vector.shape_cast %get3A_659 : vector<1x1x16xf32> to vector<16xf32>
        %get3A_661 = arith.constant 0 : i32
        %get3A_662 = arith.index_cast %get3A_661 : i32 to index
        %get3A_663 = arith.index_cast %scan3A_536 : i32 to index
        %get3A_664 = arith.constant 96 : index
        %get3A_665 = tpu.vector_load %arg10[%get3A_662, %get3A_663, %get3A_664] {strides = array<i32>} : memref<2x128x128xf32, #tpu.memory_space<vmem>>, vector<1x1x16xf32>,
        %get3A_666 = vector.shape_cast %get3A_665 : vector<1x1x16xf32> to vector<16xf32>
        %add3A_667 = arith.addf %get3A_660, %get3A_666 : vector<16xf32>
        %swap3A_668 = arith.constant 0 : i32
        %swap3A_669 = arith.index_cast %swap3A_668 : i32 to index
        %swap3A_670 = arith.index_cast %scan3A_536 : i32 to index
        %swap3A_671 = arith.constant 96 : index
        %swap3A_672 = tpu.vector_load %arg11[%swap3A_669, %swap3A_670, %swap3A_671] {strides = array<i32>} : memref<2x128x128xf32, #tpu.memory_space<vmem>>, vector<1x1x16xf32>,
        %swap3A_673 = vector.shape_cast %swap3A_672 : vector<1x1x16xf32> to vector<16xf32>
        %swap3A_674 = vector.shape_cast %add3A_667 : vector<16xf32> to vector<1x1x16xf32>
        tpu.vector_store %arg11[%swap3A_669, %swap3A_670, %swap3A_671], %swap3A_674 {strides = array<i32>} : memref<2x128x128xf32, #tpu.memory_space<vmem>>, vector<1x1x16xf32>,
        %get3A_675 = arith.constant 0 : i32
        %get3A_676 = arith.index_cast %get3A_675 : i32 to index
        %get3A_677 = arith.index_cast %scan3A_536 : i32 to index
        %get3A_678 = arith.constant 112 : index
        %get3A_679 = tpu.vector_load %arg9[%get3A_676, %get3A_677, %get3A_678] {strides = array<i32>} : memref<2x128x128xf32, #tpu.memory_space<vmem>>, vector<1x1x16xf32>,
        %get3A_680 = vector.shape_cast %get3A_679 : vector<1x1x16xf32> to vector<16xf32>
        %get3A_681 = arith.constant 0 : i32
        %get3A_682 = arith.index_cast %get3A_681 : i32 to index
        %get3A_683 = arith.index_cast %scan3A_536 : i32 to index
        %get3A_684 = arith.constant 112 : index
        %get3A_685 = tpu.vector_load %arg10[%get3A_682, %get3A_683, %get3A_684] {strides = array<i32>} : memref<2x128x128xf32, #tpu.memory_space<vmem>>, vector<1x1x16xf32>,
        %get3A_686 = vector.shape_cast %get3A_685 : vector<1x1x16xf32> to vector<16xf32>
        %add3A_687 = arith.addf %get3A_680, %get3A_686 : vector<16xf32>
        %swap3A_688 = arith.constant 0 : i32
        %swap3A_689 = arith.index_cast %swap3A_688 : i32 to index
        %swap3A_690 = arith.index_cast %scan3A_536 : i32 to index
        %swap3A_691 = arith.constant 112 : index
        %swap3A_692 = tpu.vector_load %arg11[%swap3A_689, %swap3A_690, %swap3A_691] {strides = array<i32>} : memref<2x128x128xf32, #tpu.memory_space<vmem>>, vector<1x1x16xf32>,
        %swap3A_693 = vector.shape_cast %swap3A_692 : vector<1x1x16xf32> to vector<16xf32>
        %swap3A_694 = vector.shape_cast %add3A_687 : vector<16xf32> to vector<1x1x16xf32>
        tpu.vector_store %arg11[%swap3A_689, %swap3A_690, %swap3A_691], %swap3A_694 {strides = array<i32>} : memref<2x128x128xf32, #tpu.memory_space<vmem>>, vector<1x1x16xf32>,
      }
      %scan3A_429 = arith.constant 128 : i32
      %add3A_430 = arith.addi %mul3A_2, %mul3A_360 : i32
      %mul3A_431 = arith.constant 128 : i32
      %mul3A_432 = arith.muli %add3A_430, %mul3A_431 : i32
      %dma_start3A_433 = arith.constant 0 : i32
      %dma_start3A_434 = arith.constant 0 : i32
      %dma_start3A_435 = arith.constant 0 : i32
      %dma_start3A_436 = tpu.memref_slice %arg11[%dma_start3A_433, %dma_start3A_434, %dma_start3A_435] : memref<2x128x128xf32, #tpu.memory_space<vmem>> -> memref<1x128x128xf32, #tpu.memory_space<vmem>>
      %dma_start3A_437 = tpu.memref_squeeze %dma_start3A_436 : memref<1x128x128xf32, #tpu.memory_space<vmem>> -> memref<128x128xf32, #tpu.memory_space<vmem>>
      %dma_start3A_438 = arith.constant 0 : i32
      %dma_start3A_439 = tpu.memref_slice %arg6[%mul3A_432, %dma_start3A_438] : memref<327680x128xf32, #tpu.memory_space<hbm>> -> memref<128x128xf32, #tpu.memory_space<hbm>>
      %dma_start3A_440 = arith.constant 0 : i32
      %dma_start3A_441 = tpu.memref_slice %arg6[%mul3A_432, %dma_start3A_440] : memref<327680x128xf32, #tpu.memory_space<hbm>> -> memref<128x128xf32, #tpu.memory_space<hbm>>
      %dma_start3A_442 = arith.constant 0 : i32
      %dma_start3A_443 = arith.constant 0 : i32
      %dma_start3A_444 = tpu.memref_slice %arg11[%dma_start3A_433, %dma_start3A_442, %dma_start3A_443] : memref<2x128x128xf32, #tpu.memory_space<vmem>> -> memref<1x128x128xf32, #tpu.memory_space<vmem>>
      %dma_start3A_445 = tpu.memref_squeeze %dma_start3A_444 : memref<1x128x128xf32, #tpu.memory_space<vmem>> -> memref<128x128xf32, #tpu.memory_space<vmem>>
      tpu.enqueue_dma source(%dma_start3A_445 : memref<128x128xf32, #tpu.memory_space<vmem>>) target(%dma_start3A_441 : memref<128x128xf32, #tpu.memory_space<hbm>>) target_semaphore(%arg16 : memref<!tpu.dma_semaphore, #tpu.memory_space<semaphore_mem>>)
      %mul3A_446 = arith.constant 2 : i32
      %mul3A_447 = arith.muli %mul3A_446, %scan3A_358 : i32
      %add3A_448 = arith.constant 1 : i32
      %add3A_449 = arith.addi %mul3A_447, %add3A_448 : i32
      %dma_wait3A_450 = arith.constant 1 : i32
      %dma_wait3A_451 = arith.constant 0 : i32
      %dma_wait3A_452 = arith.constant 0 : i32
      %dma_wait3A_453 = tpu.memref_slice %arg9[%dma_wait3A_450, %dma_wait3A_451, %dma_wait3A_452] : memref<2x128x128xf32, #tpu.memory_space<vmem>> -> memref<1x128x128xf32, #tpu.memory_space<vmem>>
      %dma_wait3A_454 = tpu.memref_squeeze %dma_wait3A_453 : memref<1x128x128xf32, #tpu.memory_space<vmem>> -> memref<128x128xf32, #tpu.memory_space<vmem>>
      %dma_wait3A_455 = arith.constant 0 : i32
      %dma_wait3A_456 = tpu.memref_slice %arg7[%add3A_449, %dma_wait3A_455] : memref<80x128xi32, #tpu.memory_space<vmem>> -> memref<1x128xi32, #tpu.memory_space<vmem>>
      %dma_wait3A_457 = tpu.memref_squeeze %dma_wait3A_456 : memref<1x128xi32, #tpu.memory_space<vmem>> -> memref<128xi32, #tpu.memory_space<vmem>>
      %dma_wait3A_458 = arith.constant 0 : i32
      %dma_wait3A_459 = arith.constant 0 : i32
      %dma_wait3A_460 = tpu.memref_slice %arg2[%dma_wait3A_458, %dma_wait3A_459] : memref<10240x128xf32, #tpu.memory_space<hbm>> -> memref<10240x128xf32, #tpu.memory_space<hbm>>
      tpu.wait_indirect_dma semaphore(%arg14 : memref<!tpu.dma_semaphore, #tpu.memory_space<semaphore_mem>>) src(%dma_wait3A_460 : memref<10240x128xf32, #tpu.memory_space<hbm>>) dst(%dma_wait3A_454 : memref<128x128xf32, #tpu.memory_space<vmem>>)
      %dma_wait3A_461 = arith.constant 1 : i32
      %dma_wait3A_462 = arith.constant 0 : i32
      %dma_wait3A_463 = arith.constant 0 : i32
      %dma_wait3A_464 = tpu.memref_slice %arg10[%dma_wait3A_461, %dma_wait3A_462, %dma_wait3A_463] : memref<2x128x128xf32, #tpu.memory_space<vmem>> -> memref<1x128x128xf32, #tpu.memory_space<vmem>>
      %dma_wait3A_465 = tpu.memref_squeeze %dma_wait3A_464 : memref<1x128x128xf32, #tpu.memory_space<vmem>> -> memref<128x128xf32, #tpu.memory_space<vmem>>
      %dma_wait3A_466 = arith.constant 0 : i32
      %dma_wait3A_467 = tpu.memref_slice %arg8[%add3A_449, %dma_wait3A_466] : memref<80x128xi32, #tpu.memory_space<vmem>> -> memref<1x128xi32, #tpu.memory_space<vmem>>
      %dma_wait3A_468 = tpu.memref_squeeze %dma_wait3A_467 : memref<1x128xi32, #tpu.memory_space<vmem>> -> memref<128xi32, #tpu.memory_space<vmem>>
      %dma_wait3A_469 = arith.constant 0 : i32
      %dma_wait3A_470 = arith.constant 0 : i32
      %dma_wait3A_471 = tpu.memref_slice %arg3[%dma_wait3A_469, %dma_wait3A_470] : memref<10240x128xf32, #tpu.memory_space<hbm>> -> memref<10240x128xf32, #tpu.memory_space<hbm>>
      tpu.wait_indirect_dma semaphore(%arg15 : memref<!tpu.dma_semaphore, #tpu.memory_space<semaphore_mem>>) src(%dma_wait3A_471 : memref<10240x128xf32, #tpu.memory_space<hbm>>) dst(%dma_wait3A_465 : memref<128x128xf32, #tpu.memory_space<vmem>>)
      %add3A_472 = arith.constant 1 : i32
      %add3A_473 = arith.addi %add3A_449, %add3A_472 : i32
      %dma_start3A_474 = arith.constant 0 : i32
      %dma_start3A_475 = arith.constant 0 : i32
      %dma_start3A_476 = arith.constant 0 : i32
      %dma_start3A_477 = tpu.memref_slice %arg9[%dma_start3A_474, %dma_start3A_475, %dma_start3A_476] : memref<2x128x128xf32, #tpu.memory_space<vmem>> -> memref<1x128x128xf32, #tpu.memory_space<vmem>>
      %dma_start3A_478 = tpu.memref_squeeze %dma_start3A_477 : memref<1x128x128xf32, #tpu.memory_space<vmem>> -> memref<128x128xf32, #tpu.memory_space<vmem>>
      %dma_start3A_479 = arith.constant 0 : i32
      %dma_start3A_480 = tpu.memref_slice %arg7[%add3A_473, %dma_start3A_479] : memref<80x128xi32, #tpu.memory_space<vmem>> -> memref<1x128xi32, #tpu.memory_space<vmem>>
      %dma_start3A_481 = tpu.memref_squeeze %dma_start3A_480 : memref<1x128xi32, #tpu.memory_space<vmem>> -> memref<128xi32, #tpu.memory_space<vmem>>
      %dma_start3A_482 = arith.constant 0 : i32
      %dma_start3A_483 = arith.constant 0 : i32
      %dma_start3A_484 = tpu.memref_slice %arg2[%dma_start3A_482, %dma_start3A_483] : memref<10240x128xf32, #tpu.memory_space<hbm>> -> memref<10240x128xf32, #tpu.memory_space<hbm>>
      tpu.enqueue_indirect_dma source(%dma_start3A_484 : memref<10240x128xf32, #tpu.memory_space<hbm>>) target(%dma_start3A_478 : memref<128x128xf32, #tpu.memory_space<vmem>>) offsets(%dma_start3A_481 : memref<128xi32, #tpu.memory_space<vmem>>) semaphore(%arg12 : memref<!tpu.dma_semaphore, #tpu.memory_space<semaphore_mem>>)
      %dma_start3A_485 = arith.constant 0 : i32
      %dma_start3A_486 = arith.constant 0 : i32
      %dma_start3A_487 = arith.constant 0 : i32
      %dma_start3A_488 = tpu.memref_slice %arg10[%dma_start3A_485, %dma_start3A_486, %dma_start3A_487] : memref<2x128x128xf32, #tpu.memory_space<vmem>> -> memref<1x128x128xf32, #tpu.memory_space<vmem>>
      %dma_start3A_489 = tpu.memref_squeeze %dma_start3A_488 : memref<1x128x128xf32, #tpu.memory_space<vmem>> -> memref<128x128xf32, #tpu.memory_space<vmem>>
      %dma_start3A_490 = arith.constant 0 : i32
      %dma_start3A_491 = tpu.memref_slice %arg8[%add3A_473, %dma_start3A_490] : memref<80x128xi32, #tpu.memory_space<vmem>> -> memref<1x128xi32, #tpu.memory_space<vmem>>
      %dma_start3A_492 = tpu.memref_squeeze %dma_start3A_491 : memref<1x128xi32, #tpu.memory_space<vmem>> -> memref<128xi32, #tpu.memory_space<vmem>>
      %dma_start3A_493 = arith.constant 0 : i32
      %dma_start3A_494 = arith.constant 0 : i32
      %dma_start3A_495 = tpu.memref_slice %arg3[%dma_start3A_493, %dma_start3A_494] : memref<10240x128xf32, #tpu.memory_space<hbm>> -> memref<10240x128xf32, #tpu.memory_space<hbm>>
      tpu.enqueue_indirect_dma source(%dma_start3A_495 : memref<10240x128xf32, #tpu.memory_space<hbm>>) target(%dma_start3A_489 : memref<128x128xf32, #tpu.memory_space<vmem>>) offsets(%dma_start3A_492 : memref<128xi32, #tpu.memory_space<vmem>>) semaphore(%arg13 : memref<!tpu.dma_semaphore, #tpu.memory_space<semaphore_mem>>)
      %sub3A_496 = arith.constant 2 : i32
      %sub3A_497 = arith.subi %add3A_449, %sub3A_496 : i32
      %add3A_498 = arith.addi %mul3A_2, %sub3A_497 : i32
      %mul3A_499 = arith.constant 128 : i32
      %mul3A_500 = arith.muli %add3A_498, %mul3A_499 : i32
      %dma_wait3A_501 = arith.constant 1 : i32
      %dma_wait3A_502 = arith.constant 0 : i32
      %dma_wait3A_503 = arith.constant 0 : i32
      %dma_wait3A_504 = tpu.memref_slice %arg11[%dma_wait3A_501, %dma_wait3A_502, %dma_wait3A_503] : memref<2x128x128xf32, #tpu.memory_space<vmem>> -> memref<1x128x128xf32, #tpu.memory_space<vmem>>
      %dma_wait3A_505 = tpu.memref_squeeze %dma_wait3A_504 : memref<1x128x128xf32, #tpu.memory_space<vmem>> -> memref<128x128xf32, #tpu.memory_space<vmem>>
      %dma_wait3A_506 = arith.constant 0 : i32
      %dma_wait3A_507 = tpu.memref_slice %arg6[%mul3A_500, %dma_wait3A_506] : memref<327680x128xf32, #tpu.memory_space<hbm>> -> memref<128x128xf32, #tpu.memory_space<hbm>>
      %dma_wait3A_508 = arith.constant 0 : i32
      %dma_wait3A_509 = tpu.memref_slice %arg6[%mul3A_500, %dma_wait3A_508] : memref<327680x128xf32, #tpu.memory_space<hbm>> -> memref<128x128xf32, #tpu.memory_space<hbm>>
      %dma_wait3A_510 = arith.constant 0 : i32
      %dma_wait3A_511 = arith.constant 0 : i32
      %dma_wait3A_512 = tpu.memref_slice %arg11[%dma_wait3A_501, %dma_wait3A_510, %dma_wait3A_511] : memref<2x128x128xf32, #tpu.memory_space<vmem>> -> memref<1x128x128xf32, #tpu.memory_space<vmem>>
      %dma_wait3A_513 = tpu.memref_squeeze %dma_wait3A_512 : memref<1x128x128xf32, #tpu.memory_space<vmem>> -> memref<128x128xf32, #tpu.memory_space<vmem>>
      tpu.wait_dma2 semaphore(%arg17 : memref<!tpu.dma_semaphore, #tpu.memory_space<semaphore_mem>>) src(%dma_wait3A_513 : memref<128x128xf32, #tpu.memory_space<vmem>>) dst(%dma_wait3A_509 : memref<128x128xf32, #tpu.memory_space<hbm>>)
      %scan3A_514 = arith.constant 0 : i32
      %scan3A_515 = arith.constant 0 : i32
      %scan3A_516 = arith.constant 128 : i32
      %scan3A_517 = arith.addi %scan3A_515, %scan3A_516 : i32
      %scan3A_518 = arith.constant 1 : i32
      scf.for %scan3A_536 = %scan3A_515 to %scan3A_517 step %scan3A_518  : i32 {
        %get3A = arith.constant 1 : i32
        %get3A_537 = arith.index_cast %get3A : i32 to index
        %get3A_538 = arith.index_cast %scan3A_536 : i32 to index
        %get3A_539 = arith.constant 0 : index
        %get3A_540 = tpu.vector_load %arg9[%get3A_537, %get3A_538, %get3A_539] {strides = array<i32>} : memref<2x128x128xf32, #tpu.memory_space<vmem>>, vector<1x1x16xf32>,
        %get3A_541 = vector.shape_cast %get3A_540 : vector<1x1x16xf32> to vector<16xf32>
        %get3A_542 = arith.constant 1 : i32
        %get3A_543 = arith.index_cast %get3A_542 : i32 to index
        %get3A_544 = arith.index_cast %scan3A_536 : i32 to index
        %get3A_545 = arith.constant 0 : index
        %get3A_546 = tpu.vector_load %arg10[%get3A_543, %get3A_544, %get3A_545] {strides = array<i32>} : memref<2x128x128xf32, #tpu.memory_space<vmem>>, vector<1x1x16xf32>,
        %get3A_547 = vector.shape_cast %get3A_546 : vector<1x1x16xf32> to vector<16xf32>
        %add3A_548 = arith.addf %get3A_541, %get3A_547 : vector<16xf32>
        %swap3A = arith.constant 1 : i32
        %swap3A_549 = arith.index_cast %swap3A : i32 to index
        %swap3A_550 = arith.index_cast %scan3A_536 : i32 to index
        %swap3A_551 = arith.constant 0 : index
        %swap3A_552 = tpu.vector_load %arg11[%swap3A_549, %swap3A_550, %swap3A_551] {strides = array<i32>} : memref<2x128x128xf32, #tpu.memory_space<vmem>>, vector<1x1x16xf32>,
        %swap3A_553 = vector.shape_cast %swap3A_552 : vector<1x1x16xf32> to vector<16xf32>
        %swap3A_554 = vector.shape_cast %add3A_548 : vector<16xf32> to vector<1x1x16xf32>
        tpu.vector_store %arg11[%swap3A_549, %swap3A_550, %swap3A_551], %swap3A_554 {strides = array<i32>} : memref<2x128x128xf32, #tpu.memory_space<vmem>>, vector<1x1x16xf32>,
        %get3A_555 = arith.constant 1 : i32
        %get3A_556 = arith.index_cast %get3A_555 : i32 to index
        %get3A_557 = arith.index_cast %scan3A_536 : i32 to index
        %get3A_558 = arith.constant 16 : index
        %get3A_559 = tpu.vector_load %arg9[%get3A_556, %get3A_557, %get3A_558] {strides = array<i32>} : memref<2x128x128xf32, #tpu.memory_space<vmem>>, vector<1x1x16xf32>,
        %get3A_560 = vector.shape_cast %get3A_559 : vector<1x1x16xf32> to vector<16xf32>
        %get3A_561 = arith.constant 1 : i32
        %get3A_562 = arith.index_cast %get3A_561 : i32 to index
        %get3A_563 = arith.index_cast %scan3A_536 : i32 to index
        %get3A_564 = arith.constant 16 : index
        %get3A_565 = tpu.vector_load %arg10[%get3A_562, %get3A_563, %get3A_564] {strides = array<i32>} : memref<2x128x128xf32, #tpu.memory_space<vmem>>, vector<1x1x16xf32>,
        %get3A_566 = vector.shape_cast %get3A_565 : vector<1x1x16xf32> to vector<16xf32>
        %add3A_567 = arith.addf %get3A_560, %get3A_566 : vector<16xf32>
        %swap3A_568 = arith.constant 1 : i32
        %swap3A_569 = arith.index_cast %swap3A_568 : i32 to index
        %swap3A_570 = arith.index_cast %scan3A_536 : i32 to index
        %swap3A_571 = arith.constant 16 : index
        %swap3A_572 = tpu.vector_load %arg11[%swap3A_569, %swap3A_570, %swap3A_571] {strides = array<i32>} : memref<2x128x128xf32, #tpu.memory_space<vmem>>, vector<1x1x16xf32>,
        %swap3A_573 = vector.shape_cast %swap3A_572 : vector<1x1x16xf32> to vector<16xf32>
        %swap3A_574 = vector.shape_cast %add3A_567 : vector<16xf32> to vector<1x1x16xf32>
        tpu.vector_store %arg11[%swap3A_569, %swap3A_570, %swap3A_571], %swap3A_574 {strides = array<i32>} : memref<2x128x128xf32, #tpu.memory_space<vmem>>, vector<1x1x16xf32>,
        %get3A_575 = arith.constant 1 : i32
        %get3A_576 = arith.index_cast %get3A_575 : i32 to index
        %get3A_577 = arith.index_cast %scan3A_536 : i32 to index
        %get3A_578 = arith.constant 32 : index
        %get3A_579 = tpu.vector_load %arg9[%get3A_576, %get3A_577, %get3A_578] {strides = array<i32>} : memref<2x128x128xf32, #tpu.memory_space<vmem>>, vector<1x1x16xf32>,
        %get3A_580 = vector.shape_cast %get3A_579 : vector<1x1x16xf32> to vector<16xf32>
        %get3A_581 = arith.constant 1 : i32
        %get3A_582 = arith.index_cast %get3A_581 : i32 to index
        %get3A_583 = arith.index_cast %scan3A_536 : i32 to index
        %get3A_584 = arith.constant 32 : index
        %get3A_585 = tpu.vector_load %arg10[%get3A_582, %get3A_583, %get3A_584] {strides = array<i32>} : memref<2x128x128xf32, #tpu.memory_space<vmem>>, vector<1x1x16xf32>,
        %get3A_586 = vector.shape_cast %get3A_585 : vector<1x1x16xf32> to vector<16xf32>
        %add3A_587 = arith.addf %get3A_580, %get3A_586 : vector<16xf32>
        %swap3A_588 = arith.constant 1 : i32
        %swap3A_589 = arith.index_cast %swap3A_588 : i32 to index
        %swap3A_590 = arith.index_cast %scan3A_536 : i32 to index
        %swap3A_591 = arith.constant 32 : index
        %swap3A_592 = tpu.vector_load %arg11[%swap3A_589, %swap3A_590, %swap3A_591] {strides = array<i32>} : memref<2x128x128xf32, #tpu.memory_space<vmem>>, vector<1x1x16xf32>,
        %swap3A_593 = vector.shape_cast %swap3A_592 : vector<1x1x16xf32> to vector<16xf32>
        %swap3A_594 = vector.shape_cast %add3A_587 : vector<16xf32> to vector<1x1x16xf32>
        tpu.vector_store %arg11[%swap3A_589, %swap3A_590, %swap3A_591], %swap3A_594 {strides = array<i32>} : memref<2x128x128xf32, #tpu.memory_space<vmem>>, vector<1x1x16xf32>,
        %get3A_595 = arith.constant 1 : i32
        %get3A_596 = arith.index_cast %get3A_595 : i32 to index
        %get3A_597 = arith.index_cast %scan3A_536 : i32 to index
        %get3A_598 = arith.constant 48 : index
        %get3A_599 = tpu.vector_load %arg9[%get3A_596, %get3A_597, %get3A_598] {strides = array<i32>} : memref<2x128x128xf32, #tpu.memory_space<vmem>>, vector<1x1x16xf32>,
        %get3A_600 = vector.shape_cast %get3A_599 : vector<1x1x16xf32> to vector<16xf32>
        %get3A_601 = arith.constant 1 : i32
        %get3A_602 = arith.index_cast %get3A_601 : i32 to index
        %get3A_603 = arith.index_cast %scan3A_536 : i32 to index
        %get3A_604 = arith.constant 48 : index
        %get3A_605 = tpu.vector_load %arg10[%get3A_602, %get3A_603, %get3A_604] {strides = array<i32>} : memref<2x128x128xf32, #tpu.memory_space<vmem>>, vector<1x1x16xf32>,
        %get3A_606 = vector.shape_cast %get3A_605 : vector<1x1x16xf32> to vector<16xf32>
        %add3A_607 = arith.addf %get3A_600, %get3A_606 : vector<16xf32>
        %swap3A_608 = arith.constant 1 : i32
        %swap3A_609 = arith.index_cast %swap3A_608 : i32 to index
        %swap3A_610 = arith.index_cast %scan3A_536 : i32 to index
        %swap3A_611 = arith.constant 48 : index
        %swap3A_612 = tpu.vector_load %arg11[%swap3A_609, %swap3A_610, %swap3A_611] {strides = array<i32>} : memref<2x128x128xf32, #tpu.memory_space<vmem>>, vector<1x1x16xf32>,
        %swap3A_613 = vector.shape_cast %swap3A_612 : vector<1x1x16xf32> to vector<16xf32>
        %swap3A_614 = vector.shape_cast %add3A_607 : vector<16xf32> to vector<1x1x16xf32>
        tpu.vector_store %arg11[%swap3A_609, %swap3A_610, %swap3A_611], %swap3A_614 {strides = array<i32>} : memref<2x128x128xf32, #tpu.memory_space<vmem>>, vector<1x1x16xf32>,
        %get3A_615 = arith.constant 1 : i32
        %get3A_616 = arith.index_cast %get3A_615 : i32 to index
        %get3A_617 = arith.index_cast %scan3A_536 : i32 to index
        %get3A_618 = arith.constant 64 : index
        %get3A_619 = tpu.vector_load %arg9[%get3A_616, %get3A_617, %get3A_618] {strides = array<i32>} : memref<2x128x128xf32, #tpu.memory_space<vmem>>, vector<1x1x16xf32>,
        %get3A_620 = vector.shape_cast %get3A_619 : vector<1x1x16xf32> to vector<16xf32>
        %get3A_621 = arith.constant 1 : i32
        %get3A_622 = arith.index_cast %get3A_621 : i32 to index
        %get3A_623 = arith.index_cast %scan3A_536 : i32 to index
        %get3A_624 = arith.constant 64 : index
        %get3A_625 = tpu.vector_load %arg10[%get3A_622, %get3A_623, %get3A_624] {strides = array<i32>} : memref<2x128x128xf32, #tpu.memory_space<vmem>>, vector<1x1x16xf32>,
        %get3A_626 = vector.shape_cast %get3A_625 : vector<1x1x16xf32> to vector<16xf32>
        %add3A_627 = arith.addf %get3A_620, %get3A_626 : vector<16xf32>
        %swap3A_628 = arith.constant 1 : i32
        %swap3A_629 = arith.index_cast %swap3A_628 : i32 to index
        %swap3A_630 = arith.index_cast %scan3A_536 : i32 to index
        %swap3A_631 = arith.constant 64 : index
        %swap3A_632 = tpu.vector_load %arg11[%swap3A_629, %swap3A_630, %swap3A_631] {strides = array<i32>} : memref<2x128x128xf32, #tpu.memory_space<vmem>>, vector<1x1x16xf32>,
        %swap3A_633 = vector.shape_cast %swap3A_632 : vector<1x1x16xf32> to vector<16xf32>
        %swap3A_634 = vector.shape_cast %add3A_627 : vector<16xf32> to vector<1x1x16xf32>
        tpu.vector_store %arg11[%swap3A_629, %swap3A_630, %swap3A_631], %swap3A_634 {strides = array<i32>} : memref<2x128x128xf32, #tpu.memory_space<vmem>>, vector<1x1x16xf32>,
        %get3A_635 = arith.constant 1 : i32
        %get3A_636 = arith.index_cast %get3A_635 : i32 to index
        %get3A_637 = arith.index_cast %scan3A_536 : i32 to index
        %get3A_638 = arith.constant 80 : index
        %get3A_639 = tpu.vector_load %arg9[%get3A_636, %get3A_637, %get3A_638] {strides = array<i32>} : memref<2x128x128xf32, #tpu.memory_space<vmem>>, vector<1x1x16xf32>,
        %get3A_640 = vector.shape_cast %get3A_639 : vector<1x1x16xf32> to vector<16xf32>
        %get3A_641 = arith.constant 1 : i32
        %get3A_642 = arith.index_cast %get3A_641 : i32 to index
        %get3A_643 = arith.index_cast %scan3A_536 : i32 to index
        %get3A_644 = arith.constant 80 : index
        %get3A_645 = tpu.vector_load %arg10[%get3A_642, %get3A_643, %get3A_644] {strides = array<i32>} : memref<2x128x128xf32, #tpu.memory_space<vmem>>, vector<1x1x16xf32>,
        %get3A_646 = vector.shape_cast %get3A_645 : vector<1x1x16xf32> to vector<16xf32>
        %add3A_647 = arith.addf %get3A_640, %get3A_646 : vector<16xf32>
        %swap3A_648 = arith.constant 1 : i32
        %swap3A_649 = arith.index_cast %swap3A_648 : i32 to index
        %swap3A_650 = arith.index_cast %scan3A_536 : i32 to index
        %swap3A_651 = arith.constant 80 : index
        %swap3A_652 = tpu.vector_load %arg11[%swap3A_649, %swap3A_650, %swap3A_651] {strides = array<i32>} : memref<2x128x128xf32, #tpu.memory_space<vmem>>, vector<1x1x16xf32>,
        %swap3A_653 = vector.shape_cast %swap3A_652 : vector<1x1x16xf32> to vector<16xf32>
        %swap3A_654 = vector.shape_cast %add3A_647 : vector<16xf32> to vector<1x1x16xf32>
        tpu.vector_store %arg11[%swap3A_649, %swap3A_650, %swap3A_651], %swap3A_654 {strides = array<i32>} : memref<2x128x128xf32, #tpu.memory_space<vmem>>, vector<1x1x16xf32>,
        %get3A_655 = arith.constant 1 : i32
        %get3A_656 = arith.index_cast %get3A_655 : i32 to index
        %get3A_657 = arith.index_cast %scan3A_536 : i32 to index
        %get3A_658 = arith.constant 96 : index
        %get3A_659 = tpu.vector_load %arg9[%get3A_656, %get3A_657, %get3A_658] {strides = array<i32>} : memref<2x128x128xf32, #tpu.memory_space<vmem>>, vector<1x1x16xf32>,
        %get3A_660 = vector.shape_cast %get3A_659 : vector<1x1x16xf32> to vector<16xf32>
        %get3A_661 = arith.constant 1 : i32
        %get3A_662 = arith.index_cast %get3A_661 : i32 to index
        %get3A_663 = arith.index_cast %scan3A_536 : i32 to index
        %get3A_664 = arith.constant 96 : index
        %get3A_665 = tpu.vector_load %arg10[%get3A_662, %get3A_663, %get3A_664] {strides = array<i32>} : memref<2x128x128xf32, #tpu.memory_space<vmem>>, vector<1x1x16xf32>,
        %get3A_666 = vector.shape_cast %get3A_665 : vector<1x1x16xf32> to vector<16xf32>
        %add3A_667 = arith.addf %get3A_660, %get3A_666 : vector<16xf32>
        %swap3A_668 = arith.constant 1 : i32
        %swap3A_669 = arith.index_cast %swap3A_668 : i32 to index
        %swap3A_670 = arith.index_cast %scan3A_536 : i32 to index
        %swap3A_671 = arith.constant 96 : index
        %swap3A_672 = tpu.vector_load %arg11[%swap3A_669, %swap3A_670, %swap3A_671] {strides = array<i32>} : memref<2x128x128xf32, #tpu.memory_space<vmem>>, vector<1x1x16xf32>,
        %swap3A_673 = vector.shape_cast %swap3A_672 : vector<1x1x16xf32> to vector<16xf32>
        %swap3A_674 = vector.shape_cast %add3A_667 : vector<16xf32> to vector<1x1x16xf32>
        tpu.vector_store %arg11[%swap3A_669, %swap3A_670, %swap3A_671], %swap3A_674 {strides = array<i32>} : memref<2x128x128xf32, #tpu.memory_space<vmem>>, vector<1x1x16xf32>,
        %get3A_675 = arith.constant 1 : i32
        %get3A_676 = arith.index_cast %get3A_675 : i32 to index
        %get3A_677 = arith.index_cast %scan3A_536 : i32 to index
        %get3A_678 = arith.constant 112 : index
        %get3A_679 = tpu.vector_load %arg9[%get3A_676, %get3A_677, %get3A_678] {strides = array<i32>} : memref<2x128x128xf32, #tpu.memory_space<vmem>>, vector<1x1x16xf32>,
        %get3A_680 = vector.shape_cast %get3A_679 : vector<1x1x16xf32> to vector<16xf32>
        %get3A_681 = arith.constant 1 : i32
        %get3A_682 = arith.index_cast %get3A_681 : i32 to index
        %get3A_683 = arith.index_cast %scan3A_536 : i32 to index
        %get3A_684 = arith.constant 112 : index
        %get3A_685 = tpu.vector_load %arg10[%get3A_682, %get3A_683, %get3A_684] {strides = array<i32>} : memref<2x128x128xf32, #tpu.memory_space<vmem>>, vector<1x1x16xf32>,
        %get3A_686 = vector.shape_cast %get3A_685 : vector<1x1x16xf32> to vector<16xf32>
        %add3A_687 = arith.addf %get3A_680, %get3A_686 : vector<16xf32>
        %swap3A_688 = arith.constant 1 : i32
        %swap3A_689 = arith.index_cast %swap3A_688 : i32 to index
        %swap3A_690 = arith.index_cast %scan3A_536 : i32 to index
        %swap3A_691 = arith.constant 112 : index
        %swap3A_692 = tpu.vector_load %arg11[%swap3A_689, %swap3A_690, %swap3A_691] {strides = array<i32>} : memref<2x128x128xf32, #tpu.memory_space<vmem>>, vector<1x1x16xf32>,
        %swap3A_693 = vector.shape_cast %swap3A_692 : vector<1x1x16xf32> to vector<16xf32>
        %swap3A_694 = vector.shape_cast %add3A_687 : vector<16xf32> to vector<1x1x16xf32>
        tpu.vector_store %arg11[%swap3A_689, %swap3A_690, %swap3A_691], %swap3A_694 {strides = array<i32>} : memref<2x128x128xf32, #tpu.memory_space<vmem>>, vector<1x1x16xf32>,
      }
      %scan3A_519 = arith.constant 128 : i32
      %add3A_520 = arith.addi %mul3A_2, %add3A_449 : i32
      %mul3A_521 = arith.constant 128 : i32
      %mul3A_522 = arith.muli %add3A_520, %mul3A_521 : i32
      %dma_start3A_523 = arith.constant 1 : i32
      %dma_start3A_524 = arith.constant 0 : i32
      %dma_start3A_525 = arith.constant 0 : i32
      %dma_start3A_526 = tpu.memref_slice %arg11[%dma_start3A_523, %dma_start3A_524, %dma_start3A_525] : memref<2x128x128xf32, #tpu.memory_space<vmem>> -> memref<1x128x128xf32, #tpu.memory_space<vmem>>
      %dma_start3A_527 = tpu.memref_squeeze %dma_start3A_526 : memref<1x128x128xf32, #tpu.memory_space<vmem>> -> memref<128x128xf32, #tpu.memory_space<vmem>>
      %dma_start3A_528 = arith.constant 0 : i32
      %dma_start3A_529 = tpu.memref_slice %arg6[%mul3A_522, %dma_start3A_528] : memref<327680x128xf32, #tpu.memory_space<hbm>> -> memref<128x128xf32, #tpu.memory_space<hbm>>
      %dma_start3A_530 = arith.constant 0 : i32
      %dma_start3A_531 = tpu.memref_slice %arg6[%mul3A_522, %dma_start3A_530] : memref<327680x128xf32, #tpu.memory_space<hbm>> -> memref<128x128xf32, #tpu.memory_space<hbm>>
      %dma_start3A_532 = arith.constant 0 : i32
      %dma_start3A_533 = arith.constant 0 : i32
      %dma_start3A_534 = tpu.memref_slice %arg11[%dma_start3A_523, %dma_start3A_532, %dma_start3A_533] : memref<2x128x128xf32, #tpu.memory_space<vmem>> -> memref<1x128x128xf32, #tpu.memory_space<vmem>>
      %dma_start3A_535 = tpu.memref_squeeze %dma_start3A_534 : memref<1x128x128xf32, #tpu.memory_space<vmem>> -> memref<128x128xf32, #tpu.memory_space<vmem>>
      tpu.enqueue_dma source(%dma_start3A_535 : memref<128x128xf32, #tpu.memory_space<vmem>>) target(%dma_start3A_531 : memref<128x128xf32, #tpu.memory_space<hbm>>) target_semaphore(%arg17 : memref<!tpu.dma_semaphore, #tpu.memory_space<semaphore_mem>>)
    }
    %scan3A_171 = arith.constant 38 : i32
    %dma_wait3A_172 = arith.constant 78 : i32
    %dma_wait3A_173 = arith.constant 0 : i32
    %dma_wait3A_174 = arith.constant 0 : i32
    %dma_wait3A_175 = arith.constant 0 : i32
    %dma_wait3A_176 = tpu.memref_slice %arg9[%dma_wait3A_173, %dma_wait3A_174, %dma_wait3A_175] : memref<2x128x128xf32, #tpu.memory_space<vmem>> -> memref<1x128x128xf32, #tpu.memory_space<vmem>>
    %dma_wait3A_177 = tpu.memref_squeeze %dma_wait3A_176 : memref<1x128x128xf32, #tpu.memory_space<vmem>> -> memref<128x128xf32, #tpu.memory_space<vmem>>
    %dma_wait3A_178 = arith.constant 0 : i32
    %dma_wait3A_179 = tpu.memref_slice %arg7[%dma_wait3A_172, %dma_wait3A_178] : memref<80x128xi32, #tpu.memory_space<vmem>> -> memref<1x128xi32, #tpu.memory_space<vmem>>
    %dma_wait3A_180 = tpu.memref_squeeze %dma_wait3A_179 : memref<1x128xi32, #tpu.memory_space<vmem>> -> memref<128xi32, #tpu.memory_space<vmem>>
    %dma_wait3A_181 = arith.constant 0 : i32
    %dma_wait3A_182 = arith.constant 0 : i32
    %dma_wait3A_183 = tpu.memref_slice %arg2[%dma_wait3A_181, %dma_wait3A_182] : memref<10240x128xf32, #tpu.memory_space<hbm>> -> memref<10240x128xf32, #tpu.memory_space<hbm>>
    tpu.wait_indirect_dma semaphore(%arg12 : memref<!tpu.dma_semaphore, #tpu.memory_space<semaphore_mem>>) src(%dma_wait3A_183 : memref<10240x128xf32, #tpu.memory_space<hbm>>) dst(%dma_wait3A_177 : memref<128x128xf32, #tpu.memory_space<vmem>>)
    %dma_wait3A_184 = arith.constant 78 : i32
    %dma_wait3A_185 = arith.constant 0 : i32
    %dma_wait3A_186 = arith.constant 0 : i32
    %dma_wait3A_187 = arith.constant 0 : i32
    %dma_wait3A_188 = tpu.memref_slice %arg10[%dma_wait3A_185, %dma_wait3A_186, %dma_wait3A_187] : memref<2x128x128xf32, #tpu.memory_space<vmem>> -> memref<1x128x128xf32, #tpu.memory_space<vmem>>
    %dma_wait3A_189 = tpu.memref_squeeze %dma_wait3A_188 : memref<1x128x128xf32, #tpu.memory_space<vmem>> -> memref<128x128xf32, #tpu.memory_space<vmem>>
    %dma_wait3A_190 = arith.constant 0 : i32
    %dma_wait3A_191 = tpu.memref_slice %arg8[%dma_wait3A_184, %dma_wait3A_190] : memref<80x128xi32, #tpu.memory_space<vmem>> -> memref<1x128xi32, #tpu.memory_space<vmem>>
    %dma_wait3A_192 = tpu.memref_squeeze %dma_wait3A_191 : memref<1x128xi32, #tpu.memory_space<vmem>> -> memref<128xi32, #tpu.memory_space<vmem>>
    %dma_wait3A_193 = arith.constant 0 : i32
    %dma_wait3A_194 = arith.constant 0 : i32
    %dma_wait3A_195 = tpu.memref_slice %arg3[%dma_wait3A_193, %dma_wait3A_194] : memref<10240x128xf32, #tpu.memory_space<hbm>> -> memref<10240x128xf32, #tpu.memory_space<hbm>>
    tpu.wait_indirect_dma semaphore(%arg13 : memref<!tpu.dma_semaphore, #tpu.memory_space<semaphore_mem>>) src(%dma_wait3A_195 : memref<10240x128xf32, #tpu.memory_space<hbm>>) dst(%dma_wait3A_189 : memref<128x128xf32, #tpu.memory_space<vmem>>)
    %dma_start3A_196 = arith.constant 79 : i32
    %dma_start3A_197 = arith.constant 1 : i32
    %dma_start3A_198 = arith.constant 0 : i32
    %dma_start3A_199 = arith.constant 0 : i32
    %dma_start3A_200 = tpu.memref_slice %arg9[%dma_start3A_197, %dma_start3A_198, %dma_start3A_199] : memref<2x128x128xf32, #tpu.memory_space<vmem>> -> memref<1x128x128xf32, #tpu.memory_space<vmem>>
    %dma_start3A_201 = tpu.memref_squeeze %dma_start3A_200 : memref<1x128x128xf32, #tpu.memory_space<vmem>> -> memref<128x128xf32, #tpu.memory_space<vmem>>
    %dma_start3A_202 = arith.constant 0 : i32
    %dma_start3A_203 = tpu.memref_slice %arg7[%dma_start3A_196, %dma_start3A_202] : memref<80x128xi32, #tpu.memory_space<vmem>> -> memref<1x128xi32, #tpu.memory_space<vmem>>
    %dma_start3A_204 = tpu.memref_squeeze %dma_start3A_203 : memref<1x128xi32, #tpu.memory_space<vmem>> -> memref<128xi32, #tpu.memory_space<vmem>>
    %dma_start3A_205 = arith.constant 0 : i32
    %dma_start3A_206 = arith.constant 0 : i32
    %dma_start3A_207 = tpu.memref_slice %arg2[%dma_start3A_205, %dma_start3A_206] : memref<10240x128xf32, #tpu.memory_space<hbm>> -> memref<10240x128xf32, #tpu.memory_space<hbm>>
    tpu.enqueue_indirect_dma source(%dma_start3A_207 : memref<10240x128xf32, #tpu.memory_space<hbm>>) target(%dma_start3A_201 : memref<128x128xf32, #tpu.memory_space<vmem>>) offsets(%dma_start3A_204 : memref<128xi32, #tpu.memory_space<vmem>>) semaphore(%arg14 : memref<!tpu.dma_semaphore, #tpu.memory_space<semaphore_mem>>)
    %dma_start3A_208 = arith.constant 79 : i32
    %dma_start3A_209 = arith.constant 1 : i32
    %dma_start3A_210 = arith.constant 0 : i32
    %dma_start3A_211 = arith.constant 0 : i32
    %dma_start3A_212 = tpu.memref_slice %arg10[%dma_start3A_209, %dma_start3A_210, %dma_start3A_211] : memref<2x128x128xf32, #tpu.memory_space<vmem>> -> memref<1x128x128xf32, #tpu.memory_space<vmem>>
    %dma_start3A_213 = tpu.memref_squeeze %dma_start3A_212 : memref<1x128x128xf32, #tpu.memory_space<vmem>> -> memref<128x128xf32, #tpu.memory_space<vmem>>
    %dma_start3A_214 = arith.constant 0 : i32
    %dma_start3A_215 = tpu.memref_slice %arg8[%dma_start3A_208, %dma_start3A_214] : memref<80x128xi32, #tpu.memory_space<vmem>> -> memref<1x128xi32, #tpu.memory_space<vmem>>
    %dma_start3A_216 = tpu.memref_squeeze %dma_start3A_215 : memref<1x128xi32, #tpu.memory_space<vmem>> -> memref<128xi32, #tpu.memory_space<vmem>>
    %dma_start3A_217 = arith.constant 0 : i32
    %dma_start3A_218 = arith.constant 0 : i32
    %dma_start3A_219 = tpu.memref_slice %arg3[%dma_start3A_217, %dma_start3A_218] : memref<10240x128xf32, #tpu.memory_space<hbm>> -> memref<10240x128xf32, #tpu.memory_space<hbm>>
    tpu.enqueue_indirect_dma source(%dma_start3A_219 : memref<10240x128xf32, #tpu.memory_space<hbm>>) target(%dma_start3A_213 : memref<128x128xf32, #tpu.memory_space<vmem>>) offsets(%dma_start3A_216 : memref<128xi32, #tpu.memory_space<vmem>>) semaphore(%arg15 : memref<!tpu.dma_semaphore, #tpu.memory_space<semaphore_mem>>)
    %add3A_220 = arith.constant 76 : i32
    %add3A_221 = arith.addi %mul3A_2, %add3A_220 : i32
    %mul3A_222 = arith.constant 128 : i32
    %mul3A_223 = arith.muli %add3A_221, %mul3A_222 : i32
    %dma_wait3A_224 = arith.constant 0 : i32
    %dma_wait3A_225 = arith.constant 0 : i32
    %dma_wait3A_226 = arith.constant 0 : i32
    %dma_wait3A_227 = tpu.memref_slice %arg11[%dma_wait3A_224, %dma_wait3A_225, %dma_wait3A_226] : memref<2x128x128xf32, #tpu.memory_space<vmem>> -> memref<1x128x128xf32, #tpu.memory_space<vmem>>
    %dma_wait3A_228 = tpu.memref_squeeze %dma_wait3A_227 : memref<1x128x128xf32, #tpu.memory_space<vmem>> -> memref<128x128xf32, #tpu.memory_space<vmem>>
    %dma_wait3A_229 = arith.constant 0 : i32
    %dma_wait3A_230 = tpu.memref_slice %arg6[%mul3A_223, %dma_wait3A_229] : memref<327680x128xf32, #tpu.memory_space<hbm>> -> memref<128x128xf32, #tpu.memory_space<hbm>>
    %dma_wait3A_231 = arith.constant 0 : i32
    %dma_wait3A_232 = tpu.memref_slice %arg6[%mul3A_223, %dma_wait3A_231] : memref<327680x128xf32, #tpu.memory_space<hbm>> -> memref<128x128xf32, #tpu.memory_space<hbm>>
    %dma_wait3A_233 = arith.constant 0 : i32
    %dma_wait3A_234 = arith.constant 0 : i32
    %dma_wait3A_235 = tpu.memref_slice %arg11[%dma_wait3A_224, %dma_wait3A_233, %dma_wait3A_234] : memref<2x128x128xf32, #tpu.memory_space<vmem>> -> memref<1x128x128xf32, #tpu.memory_space<vmem>>
    %dma_wait3A_236 = tpu.memref_squeeze %dma_wait3A_235 : memref<1x128x128xf32, #tpu.memory_space<vmem>> -> memref<128x128xf32, #tpu.memory_space<vmem>>
    tpu.wait_dma2 semaphore(%arg16 : memref<!tpu.dma_semaphore, #tpu.memory_space<semaphore_mem>>) src(%dma_wait3A_236 : memref<128x128xf32, #tpu.memory_space<vmem>>) dst(%dma_wait3A_232 : memref<128x128xf32, #tpu.memory_space<hbm>>)
    %scan3A_237 = arith.constant 0 : i32
    %scan3A_238 = arith.constant 0 : i32
    %scan3A_239 = arith.constant 128 : i32
    %scan3A_240 = arith.addi %scan3A_238, %scan3A_239 : i32
    %scan3A_241 = arith.constant 1 : i32
    scf.for %scan3A_358 = %scan3A_238 to %scan3A_240 step %scan3A_241  : i32 {
      %get3A = arith.constant 0 : i32
      %get3A_359 = arith.index_cast %get3A : i32 to index
      %get3A_360 = arith.index_cast %scan3A_358 : i32 to index
      %get3A_361 = arith.constant 0 : index
      %get3A_362 = tpu.vector_load %arg9[%get3A_359, %get3A_360, %get3A_361] {strides = array<i32>} : memref<2x128x128xf32, #tpu.memory_space<vmem>>, vector<1x1x16xf32>,
      %get3A_363 = vector.shape_cast %get3A_362 : vector<1x1x16xf32> to vector<16xf32>
      %get3A_364 = arith.constant 0 : i32
      %get3A_365 = arith.index_cast %get3A_364 : i32 to index
      %get3A_366 = arith.index_cast %scan3A_358 : i32 to index
      %get3A_367 = arith.constant 0 : index
      %get3A_368 = tpu.vector_load %arg10[%get3A_365, %get3A_366, %get3A_367] {strides = array<i32>} : memref<2x128x128xf32, #tpu.memory_space<vmem>>, vector<1x1x16xf32>,
      %get3A_369 = vector.shape_cast %get3A_368 : vector<1x1x16xf32> to vector<16xf32>
      %add3A_370 = arith.addf %get3A_363, %get3A_369 : vector<16xf32>
      %swap3A = arith.constant 0 : i32
      %swap3A_371 = arith.index_cast %swap3A : i32 to index
      %swap3A_372 = arith.index_cast %scan3A_358 : i32 to index
      %swap3A_373 = arith.constant 0 : index
      %swap3A_374 = tpu.vector_load %arg11[%swap3A_371, %swap3A_372, %swap3A_373] {strides = array<i32>} : memref<2x128x128xf32, #tpu.memory_space<vmem>>, vector<1x1x16xf32>,
      %swap3A_375 = vector.shape_cast %swap3A_374 : vector<1x1x16xf32> to vector<16xf32>
      %swap3A_376 = vector.shape_cast %add3A_370 : vector<16xf32> to vector<1x1x16xf32>
      tpu.vector_store %arg11[%swap3A_371, %swap3A_372, %swap3A_373], %swap3A_376 {strides = array<i32>} : memref<2x128x128xf32, #tpu.memory_space<vmem>>, vector<1x1x16xf32>,
      %get3A_377 = arith.constant 0 : i32
      %get3A_378 = arith.index_cast %get3A_377 : i32 to index
      %get3A_379 = arith.index_cast %scan3A_358 : i32 to index
      %get3A_380 = arith.constant 16 : index
      %get3A_381 = tpu.vector_load %arg9[%get3A_378, %get3A_379, %get3A_380] {strides = array<i32>} : memref<2x128x128xf32, #tpu.memory_space<vmem>>, vector<1x1x16xf32>,
      %get3A_382 = vector.shape_cast %get3A_381 : vector<1x1x16xf32> to vector<16xf32>
      %get3A_383 = arith.constant 0 : i32
      %get3A_384 = arith.index_cast %get3A_383 : i32 to index
      %get3A_385 = arith.index_cast %scan3A_358 : i32 to index
      %get3A_386 = arith.constant 16 : index
      %get3A_387 = tpu.vector_load %arg10[%get3A_384, %get3A_385, %get3A_386] {strides = array<i32>} : memref<2x128x128xf32, #tpu.memory_space<vmem>>, vector<1x1x16xf32>,
      %get3A_388 = vector.shape_cast %get3A_387 : vector<1x1x16xf32> to vector<16xf32>
      %add3A_389 = arith.addf %get3A_382, %get3A_388 : vector<16xf32>
      %swap3A_390 = arith.constant 0 : i32
      %swap3A_391 = arith.index_cast %swap3A_390 : i32 to index
      %swap3A_392 = arith.index_cast %scan3A_358 : i32 to index
      %swap3A_393 = arith.constant 16 : index
      %swap3A_394 = tpu.vector_load %arg11[%swap3A_391, %swap3A_392, %swap3A_393] {strides = array<i32>} : memref<2x128x128xf32, #tpu.memory_space<vmem>>, vector<1x1x16xf32>,
      %swap3A_395 = vector.shape_cast %swap3A_394 : vector<1x1x16xf32> to vector<16xf32>
      %swap3A_396 = vector.shape_cast %add3A_389 : vector<16xf32> to vector<1x1x16xf32>
      tpu.vector_store %arg11[%swap3A_391, %swap3A_392, %swap3A_393], %swap3A_396 {strides = array<i32>} : memref<2x128x128xf32, #tpu.memory_space<vmem>>, vector<1x1x16xf32>,
      %get3A_397 = arith.constant 0 : i32
      %get3A_398 = arith.index_cast %get3A_397 : i32 to index
      %get3A_399 = arith.index_cast %scan3A_358 : i32 to index
      %get3A_400 = arith.constant 32 : index
      %get3A_401 = tpu.vector_load %arg9[%get3A_398, %get3A_399, %get3A_400] {strides = array<i32>} : memref<2x128x128xf32, #tpu.memory_space<vmem>>, vector<1x1x16xf32>,
      %get3A_402 = vector.shape_cast %get3A_401 : vector<1x1x16xf32> to vector<16xf32>
      %get3A_403 = arith.constant 0 : i32
      %get3A_404 = arith.index_cast %get3A_403 : i32 to index
      %get3A_405 = arith.index_cast %scan3A_358 : i32 to index
      %get3A_406 = arith.constant 32 : index
      %get3A_407 = tpu.vector_load %arg10[%get3A_404, %get3A_405, %get3A_406] {strides = array<i32>} : memref<2x128x128xf32, #tpu.memory_space<vmem>>, vector<1x1x16xf32>,
      %get3A_408 = vector.shape_cast %get3A_407 : vector<1x1x16xf32> to vector<16xf32>
      %add3A_409 = arith.addf %get3A_402, %get3A_408 : vector<16xf32>
      %swap3A_410 = arith.constant 0 : i32
      %swap3A_411 = arith.index_cast %swap3A_410 : i32 to index
      %swap3A_412 = arith.index_cast %scan3A_358 : i32 to index
      %swap3A_413 = arith.constant 32 : index
      %swap3A_414 = tpu.vector_load %arg11[%swap3A_411, %swap3A_412, %swap3A_413] {strides = array<i32>} : memref<2x128x128xf32, #tpu.memory_space<vmem>>, vector<1x1x16xf32>,
      %swap3A_415 = vector.shape_cast %swap3A_414 : vector<1x1x16xf32> to vector<16xf32>
      %swap3A_416 = vector.shape_cast %add3A_409 : vector<16xf32> to vector<1x1x16xf32>
      tpu.vector_store %arg11[%swap3A_411, %swap3A_412, %swap3A_413], %swap3A_416 {strides = array<i32>} : memref<2x128x128xf32, #tpu.memory_space<vmem>>, vector<1x1x16xf32>,
      %get3A_417 = arith.constant 0 : i32
      %get3A_418 = arith.index_cast %get3A_417 : i32 to index
      %get3A_419 = arith.index_cast %scan3A_358 : i32 to index
      %get3A_420 = arith.constant 48 : index
      %get3A_421 = tpu.vector_load %arg9[%get3A_418, %get3A_419, %get3A_420] {strides = array<i32>} : memref<2x128x128xf32, #tpu.memory_space<vmem>>, vector<1x1x16xf32>,
      %get3A_422 = vector.shape_cast %get3A_421 : vector<1x1x16xf32> to vector<16xf32>
      %get3A_423 = arith.constant 0 : i32
      %get3A_424 = arith.index_cast %get3A_423 : i32 to index
      %get3A_425 = arith.index_cast %scan3A_358 : i32 to index
      %get3A_426 = arith.constant 48 : index
      %get3A_427 = tpu.vector_load %arg10[%get3A_424, %get3A_425, %get3A_426] {strides = array<i32>} : memref<2x128x128xf32, #tpu.memory_space<vmem>>, vector<1x1x16xf32>,
      %get3A_428 = vector.shape_cast %get3A_427 : vector<1x1x16xf32> to vector<16xf32>
      %add3A_429 = arith.addf %get3A_422, %get3A_428 : vector<16xf32>
      %swap3A_430 = arith.constant 0 : i32
      %swap3A_431 = arith.index_cast %swap3A_430 : i32 to index
      %swap3A_432 = arith.index_cast %scan3A_358 : i32 to index
      %swap3A_433 = arith.constant 48 : index
      %swap3A_434 = tpu.vector_load %arg11[%swap3A_431, %swap3A_432, %swap3A_433] {strides = array<i32>} : memref<2x128x128xf32, #tpu.memory_space<vmem>>, vector<1x1x16xf32>,
      %swap3A_435 = vector.shape_cast %swap3A_434 : vector<1x1x16xf32> to vector<16xf32>
      %swap3A_436 = vector.shape_cast %add3A_429 : vector<16xf32> to vector<1x1x16xf32>
      tpu.vector_store %arg11[%swap3A_431, %swap3A_432, %swap3A_433], %swap3A_436 {strides = array<i32>} : memref<2x128x128xf32, #tpu.memory_space<vmem>>, vector<1x1x16xf32>,
      %get3A_437 = arith.constant 0 : i32
      %get3A_438 = arith.index_cast %get3A_437 : i32 to index
      %get3A_439 = arith.index_cast %scan3A_358 : i32 to index
      %get3A_440 = arith.constant 64 : index
      %get3A_441 = tpu.vector_load %arg9[%get3A_438, %get3A_439, %get3A_440] {strides = array<i32>} : memref<2x128x128xf32, #tpu.memory_space<vmem>>, vector<1x1x16xf32>,
      %get3A_442 = vector.shape_cast %get3A_441 : vector<1x1x16xf32> to vector<16xf32>
      %get3A_443 = arith.constant 0 : i32
      %get3A_444 = arith.index_cast %get3A_443 : i32 to index
      %get3A_445 = arith.index_cast %scan3A_358 : i32 to index
      %get3A_446 = arith.constant 64 : index
      %get3A_447 = tpu.vector_load %arg10[%get3A_444, %get3A_445, %get3A_446] {strides = array<i32>} : memref<2x128x128xf32, #tpu.memory_space<vmem>>, vector<1x1x16xf32>,
      %get3A_448 = vector.shape_cast %get3A_447 : vector<1x1x16xf32> to vector<16xf32>
      %add3A_449 = arith.addf %get3A_442, %get3A_448 : vector<16xf32>
      %swap3A_450 = arith.constant 0 : i32
      %swap3A_451 = arith.index_cast %swap3A_450 : i32 to index
      %swap3A_452 = arith.index_cast %scan3A_358 : i32 to index
      %swap3A_453 = arith.constant 64 : index
      %swap3A_454 = tpu.vector_load %arg11[%swap3A_451, %swap3A_452, %swap3A_453] {strides = array<i32>} : memref<2x128x128xf32, #tpu.memory_space<vmem>>, vector<1x1x16xf32>,
      %swap3A_455 = vector.shape_cast %swap3A_454 : vector<1x1x16xf32> to vector<16xf32>
      %swap3A_456 = vector.shape_cast %add3A_449 : vector<16xf32> to vector<1x1x16xf32>
      tpu.vector_store %arg11[%swap3A_451, %swap3A_452, %swap3A_453], %swap3A_456 {strides = array<i32>} : memref<2x128x128xf32, #tpu.memory_space<vmem>>, vector<1x1x16xf32>,
      %get3A_457 = arith.constant 0 : i32
      %get3A_458 = arith.index_cast %get3A_457 : i32 to index
      %get3A_459 = arith.index_cast %scan3A_358 : i32 to index
      %get3A_460 = arith.constant 80 : index
      %get3A_461 = tpu.vector_load %arg9[%get3A_458, %get3A_459, %get3A_460] {strides = array<i32>} : memref<2x128x128xf32, #tpu.memory_space<vmem>>, vector<1x1x16xf32>,
      %get3A_462 = vector.shape_cast %get3A_461 : vector<1x1x16xf32> to vector<16xf32>
      %get3A_463 = arith.constant 0 : i32
      %get3A_464 = arith.index_cast %get3A_463 : i32 to index
      %get3A_465 = arith.index_cast %scan3A_358 : i32 to index
      %get3A_466 = arith.constant 80 : index
      %get3A_467 = tpu.vector_load %arg10[%get3A_464, %get3A_465, %get3A_466] {strides = array<i32>} : memref<2x128x128xf32, #tpu.memory_space<vmem>>, vector<1x1x16xf32>,
      %get3A_468 = vector.shape_cast %get3A_467 : vector<1x1x16xf32> to vector<16xf32>
      %add3A_469 = arith.addf %get3A_462, %get3A_468 : vector<16xf32>
      %swap3A_470 = arith.constant 0 : i32
      %swap3A_471 = arith.index_cast %swap3A_470 : i32 to index
      %swap3A_472 = arith.index_cast %scan3A_358 : i32 to index
      %swap3A_473 = arith.constant 80 : index
      %swap3A_474 = tpu.vector_load %arg11[%swap3A_471, %swap3A_472, %swap3A_473] {strides = array<i32>} : memref<2x128x128xf32, #tpu.memory_space<vmem>>, vector<1x1x16xf32>,
      %swap3A_475 = vector.shape_cast %swap3A_474 : vector<1x1x16xf32> to vector<16xf32>
      %swap3A_476 = vector.shape_cast %add3A_469 : vector<16xf32> to vector<1x1x16xf32>
      tpu.vector_store %arg11[%swap3A_471, %swap3A_472, %swap3A_473], %swap3A_476 {strides = array<i32>} : memref<2x128x128xf32, #tpu.memory_space<vmem>>, vector<1x1x16xf32>,
      %get3A_477 = arith.constant 0 : i32
      %get3A_478 = arith.index_cast %get3A_477 : i32 to index
      %get3A_479 = arith.index_cast %scan3A_358 : i32 to index
      %get3A_480 = arith.constant 96 : index
      %get3A_481 = tpu.vector_load %arg9[%get3A_478, %get3A_479, %get3A_480] {strides = array<i32>} : memref<2x128x128xf32, #tpu.memory_space<vmem>>, vector<1x1x16xf32>,
      %get3A_482 = vector.shape_cast %get3A_481 : vector<1x1x16xf32> to vector<16xf32>
      %get3A_483 = arith.constant 0 : i32
      %get3A_484 = arith.index_cast %get3A_483 : i32 to index
      %get3A_485 = arith.index_cast %scan3A_358 : i32 to index
      %get3A_486 = arith.constant 96 : index
      %get3A_487 = tpu.vector_load %arg10[%get3A_484, %get3A_485, %get3A_486] {strides = array<i32>} : memref<2x128x128xf32, #tpu.memory_space<vmem>>, vector<1x1x16xf32>,
      %get3A_488 = vector.shape_cast %get3A_487 : vector<1x1x16xf32> to vector<16xf32>
      %add3A_489 = arith.addf %get3A_482, %get3A_488 : vector<16xf32>
      %swap3A_490 = arith.constant 0 : i32
      %swap3A_491 = arith.index_cast %swap3A_490 : i32 to index
      %swap3A_492 = arith.index_cast %scan3A_358 : i32 to index
      %swap3A_493 = arith.constant 96 : index
      %swap3A_494 = tpu.vector_load %arg11[%swap3A_491, %swap3A_492, %swap3A_493] {strides = array<i32>} : memref<2x128x128xf32, #tpu.memory_space<vmem>>, vector<1x1x16xf32>,
      %swap3A_495 = vector.shape_cast %swap3A_494 : vector<1x1x16xf32> to vector<16xf32>
      %swap3A_496 = vector.shape_cast %add3A_489 : vector<16xf32> to vector<1x1x16xf32>
      tpu.vector_store %arg11[%swap3A_491, %swap3A_492, %swap3A_493], %swap3A_496 {strides = array<i32>} : memref<2x128x128xf32, #tpu.memory_space<vmem>>, vector<1x1x16xf32>,
      %get3A_497 = arith.constant 0 : i32
      %get3A_498 = arith.index_cast %get3A_497 : i32 to index
      %get3A_499 = arith.index_cast %scan3A_358 : i32 to index
      %get3A_500 = arith.constant 112 : index
      %get3A_501 = tpu.vector_load %arg9[%get3A_498, %get3A_499, %get3A_500] {strides = array<i32>} : memref<2x128x128xf32, #tpu.memory_space<vmem>>, vector<1x1x16xf32>,
      %get3A_502 = vector.shape_cast %get3A_501 : vector<1x1x16xf32> to vector<16xf32>
      %get3A_503 = arith.constant 0 : i32
      %get3A_504 = arith.index_cast %get3A_503 : i32 to index
      %get3A_505 = arith.index_cast %scan3A_358 : i32 to index
      %get3A_506 = arith.constant 112 : index
      %get3A_507 = tpu.vector_load %arg10[%get3A_504, %get3A_505, %get3A_506] {strides = array<i32>} : memref<2x128x128xf32, #tpu.memory_space<vmem>>, vector<1x1x16xf32>,
      %get3A_508 = vector.shape_cast %get3A_507 : vector<1x1x16xf32> to vector<16xf32>
      %add3A_509 = arith.addf %get3A_502, %get3A_508 : vector<16xf32>
      %swap3A_510 = arith.constant 0 : i32
      %swap3A_511 = arith.index_cast %swap3A_510 : i32 to index
      %swap3A_512 = arith.index_cast %scan3A_358 : i32 to index
      %swap3A_513 = arith.constant 112 : index
      %swap3A_514 = tpu.vector_load %arg11[%swap3A_511, %swap3A_512, %swap3A_513] {strides = array<i32>} : memref<2x128x128xf32, #tpu.memory_space<vmem>>, vector<1x1x16xf32>,
      %swap3A_515 = vector.shape_cast %swap3A_514 : vector<1x1x16xf32> to vector<16xf32>
      %swap3A_516 = vector.shape_cast %add3A_509 : vector<16xf32> to vector<1x1x16xf32>
      tpu.vector_store %arg11[%swap3A_511, %swap3A_512, %swap3A_513], %swap3A_516 {strides = array<i32>} : memref<2x128x128xf32, #tpu.memory_space<vmem>>, vector<1x1x16xf32>,
    }
    %scan3A_242 = arith.constant 128 : i32
    %add3A_243 = arith.constant 78 : i32
    %add3A_244 = arith.addi %mul3A_2, %add3A_243 : i32
    %mul3A_245 = arith.constant 128 : i32
    %mul3A_246 = arith.muli %add3A_244, %mul3A_245 : i32
    %dma_start3A_247 = arith.constant 0 : i32
    %dma_start3A_248 = arith.constant 0 : i32
    %dma_start3A_249 = arith.constant 0 : i32
    %dma_start3A_250 = tpu.memref_slice %arg11[%dma_start3A_247, %dma_start3A_248, %dma_start3A_249] : memref<2x128x128xf32, #tpu.memory_space<vmem>> -> memref<1x128x128xf32, #tpu.memory_space<vmem>>
    %dma_start3A_251 = tpu.memref_squeeze %dma_start3A_250 : memref<1x128x128xf32, #tpu.memory_space<vmem>> -> memref<128x128xf32, #tpu.memory_space<vmem>>
    %dma_start3A_252 = arith.constant 0 : i32
    %dma_start3A_253 = tpu.memref_slice %arg6[%mul3A_246, %dma_start3A_252] : memref<327680x128xf32, #tpu.memory_space<hbm>> -> memref<128x128xf32, #tpu.memory_space<hbm>>
    %dma_start3A_254 = arith.constant 0 : i32
    %dma_start3A_255 = tpu.memref_slice %arg6[%mul3A_246, %dma_start3A_254] : memref<327680x128xf32, #tpu.memory_space<hbm>> -> memref<128x128xf32, #tpu.memory_space<hbm>>
    %dma_start3A_256 = arith.constant 0 : i32
    %dma_start3A_257 = arith.constant 0 : i32
    %dma_start3A_258 = tpu.memref_slice %arg11[%dma_start3A_247, %dma_start3A_256, %dma_start3A_257] : memref<2x128x128xf32, #tpu.memory_space<vmem>> -> memref<1x128x128xf32, #tpu.memory_space<vmem>>
    %dma_start3A_259 = tpu.memref_squeeze %dma_start3A_258 : memref<1x128x128xf32, #tpu.memory_space<vmem>> -> memref<128x128xf32, #tpu.memory_space<vmem>>
    tpu.enqueue_dma source(%dma_start3A_259 : memref<128x128xf32, #tpu.memory_space<vmem>>) target(%dma_start3A_255 : memref<128x128xf32, #tpu.memory_space<hbm>>) target_semaphore(%arg16 : memref<!tpu.dma_semaphore, #tpu.memory_space<semaphore_mem>>)
    %dma_wait3A_260 = arith.constant 79 : i32
    %dma_wait3A_261 = arith.constant 1 : i32
    %dma_wait3A_262 = arith.constant 0 : i32
    %dma_wait3A_263 = arith.constant 0 : i32
    %dma_wait3A_264 = tpu.memref_slice %arg9[%dma_wait3A_261, %dma_wait3A_262, %dma_wait3A_263] : memref<2x128x128xf32, #tpu.memory_space<vmem>> -> memref<1x128x128xf32, #tpu.memory_space<vmem>>
    %dma_wait3A_265 = tpu.memref_squeeze %dma_wait3A_264 : memref<1x128x128xf32, #tpu.memory_space<vmem>> -> memref<128x128xf32, #tpu.memory_space<vmem>>
    %dma_wait3A_266 = arith.constant 0 : i32
    %dma_wait3A_267 = tpu.memref_slice %arg7[%dma_wait3A_260, %dma_wait3A_266] : memref<80x128xi32, #tpu.memory_space<vmem>> -> memref<1x128xi32, #tpu.memory_space<vmem>>
    %dma_wait3A_268 = tpu.memref_squeeze %dma_wait3A_267 : memref<1x128xi32, #tpu.memory_space<vmem>> -> memref<128xi32, #tpu.memory_space<vmem>>
    %dma_wait3A_269 = arith.constant 0 : i32
    %dma_wait3A_270 = arith.constant 0 : i32
    %dma_wait3A_271 = tpu.memref_slice %arg2[%dma_wait3A_269, %dma_wait3A_270] : memref<10240x128xf32, #tpu.memory_space<hbm>> -> memref<10240x128xf32, #tpu.memory_space<hbm>>
    tpu.wait_indirect_dma semaphore(%arg14 : memref<!tpu.dma_semaphore, #tpu.memory_space<semaphore_mem>>) src(%dma_wait3A_271 : memref<10240x128xf32, #tpu.memory_space<hbm>>) dst(%dma_wait3A_265 : memref<128x128xf32, #tpu.memory_space<vmem>>)
    %dma_wait3A_272 = arith.constant 79 : i32
    %dma_wait3A_273 = arith.constant 1 : i32
    %dma_wait3A_274 = arith.constant 0 : i32
    %dma_wait3A_275 = arith.constant 0 : i32
    %dma_wait3A_276 = tpu.memref_slice %arg10[%dma_wait3A_273, %dma_wait3A_274, %dma_wait3A_275] : memref<2x128x128xf32, #tpu.memory_space<vmem>> -> memref<1x128x128xf32, #tpu.memory_space<vmem>>
    %dma_wait3A_277 = tpu.memref_squeeze %dma_wait3A_276 : memref<1x128x128xf32, #tpu.memory_space<vmem>> -> memref<128x128xf32, #tpu.memory_space<vmem>>
    %dma_wait3A_278 = arith.constant 0 : i32
    %dma_wait3A_279 = tpu.memref_slice %arg8[%dma_wait3A_272, %dma_wait3A_278] : memref<80x128xi32, #tpu.memory_space<vmem>> -> memref<1x128xi32, #tpu.memory_space<vmem>>
    %dma_wait3A_280 = tpu.memref_squeeze %dma_wait3A_279 : memref<1x128xi32, #tpu.memory_space<vmem>> -> memref<128xi32, #tpu.memory_space<vmem>>
    %dma_wait3A_281 = arith.constant 0 : i32
    %dma_wait3A_282 = arith.constant 0 : i32
    %dma_wait3A_283 = tpu.memref_slice %arg3[%dma_wait3A_281, %dma_wait3A_282] : memref<10240x128xf32, #tpu.memory_space<hbm>> -> memref<10240x128xf32, #tpu.memory_space<hbm>>
    tpu.wait_indirect_dma semaphore(%arg15 : memref<!tpu.dma_semaphore, #tpu.memory_space<semaphore_mem>>) src(%dma_wait3A_283 : memref<10240x128xf32, #tpu.memory_space<hbm>>) dst(%dma_wait3A_277 : memref<128x128xf32, #tpu.memory_space<vmem>>)
    %add3A_284 = arith.constant 77 : i32
    %add3A_285 = arith.addi %mul3A_2, %add3A_284 : i32
    %mul3A_286 = arith.constant 128 : i32
    %mul3A_287 = arith.muli %add3A_285, %mul3A_286 : i32
    %dma_wait3A_288 = arith.constant 1 : i32
    %dma_wait3A_289 = arith.constant 0 : i32
    %dma_wait3A_290 = arith.constant 0 : i32
    %dma_wait3A_291 = tpu.memref_slice %arg11[%dma_wait3A_288, %dma_wait3A_289, %dma_wait3A_290] : memref<2x128x128xf32, #tpu.memory_space<vmem>> -> memref<1x128x128xf32, #tpu.memory_space<vmem>>
    %dma_wait3A_292 = tpu.memref_squeeze %dma_wait3A_291 : memref<1x128x128xf32, #tpu.memory_space<vmem>> -> memref<128x128xf32, #tpu.memory_space<vmem>>
    %dma_wait3A_293 = arith.constant 0 : i32
    %dma_wait3A_294 = tpu.memref_slice %arg6[%mul3A_287, %dma_wait3A_293] : memref<327680x128xf32, #tpu.memory_space<hbm>> -> memref<128x128xf32, #tpu.memory_space<hbm>>
    %dma_wait3A_295 = arith.constant 0 : i32
    %dma_wait3A_296 = tpu.memref_slice %arg6[%mul3A_287, %dma_wait3A_295] : memref<327680x128xf32, #tpu.memory_space<hbm>> -> memref<128x128xf32, #tpu.memory_space<hbm>>
    %dma_wait3A_297 = arith.constant 0 : i32
    %dma_wait3A_298 = arith.constant 0 : i32
    %dma_wait3A_299 = tpu.memref_slice %arg11[%dma_wait3A_288, %dma_wait3A_297, %dma_wait3A_298] : memref<2x128x128xf32, #tpu.memory_space<vmem>> -> memref<1x128x128xf32, #tpu.memory_space<vmem>>
    %dma_wait3A_300 = tpu.memref_squeeze %dma_wait3A_299 : memref<1x128x128xf32, #tpu.memory_space<vmem>> -> memref<128x128xf32, #tpu.memory_space<vmem>>
    tpu.wait_dma2 semaphore(%arg17 : memref<!tpu.dma_semaphore, #tpu.memory_space<semaphore_mem>>) src(%dma_wait3A_300 : memref<128x128xf32, #tpu.memory_space<vmem>>) dst(%dma_wait3A_296 : memref<128x128xf32, #tpu.memory_space<hbm>>)
    %scan3A_301 = arith.constant 0 : i32
    %scan3A_302 = arith.constant 0 : i32
    %scan3A_303 = arith.constant 128 : i32
    %scan3A_304 = arith.addi %scan3A_302, %scan3A_303 : i32
    %scan3A_305 = arith.constant 1 : i32
    scf.for %scan3A_358 = %scan3A_302 to %scan3A_304 step %scan3A_305  : i32 {
      %get3A = arith.constant 1 : i32
      %get3A_359 = arith.index_cast %get3A : i32 to index
      %get3A_360 = arith.index_cast %scan3A_358 : i32 to index
      %get3A_361 = arith.constant 0 : index
      %get3A_362 = tpu.vector_load %arg9[%get3A_359, %get3A_360, %get3A_361] {strides = array<i32>} : memref<2x128x128xf32, #tpu.memory_space<vmem>>, vector<1x1x16xf32>,
      %get3A_363 = vector.shape_cast %get3A_362 : vector<1x1x16xf32> to vector<16xf32>
      %get3A_364 = arith.constant 1 : i32
      %get3A_365 = arith.index_cast %get3A_364 : i32 to index
      %get3A_366 = arith.index_cast %scan3A_358 : i32 to index
      %get3A_367 = arith.constant 0 : index
      %get3A_368 = tpu.vector_load %arg10[%get3A_365, %get3A_366, %get3A_367] {strides = array<i32>} : memref<2x128x128xf32, #tpu.memory_space<vmem>>, vector<1x1x16xf32>,
      %get3A_369 = vector.shape_cast %get3A_368 : vector<1x1x16xf32> to vector<16xf32>
      %add3A_370 = arith.addf %get3A_363, %get3A_369 : vector<16xf32>
      %swap3A = arith.constant 1 : i32
      %swap3A_371 = arith.index_cast %swap3A : i32 to index
      %swap3A_372 = arith.index_cast %scan3A_358 : i32 to index
      %swap3A_373 = arith.constant 0 : index
      %swap3A_374 = tpu.vector_load %arg11[%swap3A_371, %swap3A_372, %swap3A_373] {strides = array<i32>} : memref<2x128x128xf32, #tpu.memory_space<vmem>>, vector<1x1x16xf32>,
      %swap3A_375 = vector.shape_cast %swap3A_374 : vector<1x1x16xf32> to vector<16xf32>
      %swap3A_376 = vector.shape_cast %add3A_370 : vector<16xf32> to vector<1x1x16xf32>
      tpu.vector_store %arg11[%swap3A_371, %swap3A_372, %swap3A_373], %swap3A_376 {strides = array<i32>} : memref<2x128x128xf32, #tpu.memory_space<vmem>>, vector<1x1x16xf32>,
      %get3A_377 = arith.constant 1 : i32
      %get3A_378 = arith.index_cast %get3A_377 : i32 to index
      %get3A_379 = arith.index_cast %scan3A_358 : i32 to index
      %get3A_380 = arith.constant 16 : index
      %get3A_381 = tpu.vector_load %arg9[%get3A_378, %get3A_379, %get3A_380] {strides = array<i32>} : memref<2x128x128xf32, #tpu.memory_space<vmem>>, vector<1x1x16xf32>,
      %get3A_382 = vector.shape_cast %get3A_381 : vector<1x1x16xf32> to vector<16xf32>
      %get3A_383 = arith.constant 1 : i32
      %get3A_384 = arith.index_cast %get3A_383 : i32 to index
      %get3A_385 = arith.index_cast %scan3A_358 : i32 to index
      %get3A_386 = arith.constant 16 : index
      %get3A_387 = tpu.vector_load %arg10[%get3A_384, %get3A_385, %get3A_386] {strides = array<i32>} : memref<2x128x128xf32, #tpu.memory_space<vmem>>, vector<1x1x16xf32>,
      %get3A_388 = vector.shape_cast %get3A_387 : vector<1x1x16xf32> to vector<16xf32>
      %add3A_389 = arith.addf %get3A_382, %get3A_388 : vector<16xf32>
      %swap3A_390 = arith.constant 1 : i32
      %swap3A_391 = arith.index_cast %swap3A_390 : i32 to index
      %swap3A_392 = arith.index_cast %scan3A_358 : i32 to index
      %swap3A_393 = arith.constant 16 : index
      %swap3A_394 = tpu.vector_load %arg11[%swap3A_391, %swap3A_392, %swap3A_393] {strides = array<i32>} : memref<2x128x128xf32, #tpu.memory_space<vmem>>, vector<1x1x16xf32>,
      %swap3A_395 = vector.shape_cast %swap3A_394 : vector<1x1x16xf32> to vector<16xf32>
      %swap3A_396 = vector.shape_cast %add3A_389 : vector<16xf32> to vector<1x1x16xf32>
      tpu.vector_store %arg11[%swap3A_391, %swap3A_392, %swap3A_393], %swap3A_396 {strides = array<i32>} : memref<2x128x128xf32, #tpu.memory_space<vmem>>, vector<1x1x16xf32>,
      %get3A_397 = arith.constant 1 : i32
      %get3A_398 = arith.index_cast %get3A_397 : i32 to index
      %get3A_399 = arith.index_cast %scan3A_358 : i32 to index
      %get3A_400 = arith.constant 32 : index
      %get3A_401 = tpu.vector_load %arg9[%get3A_398, %get3A_399, %get3A_400] {strides = array<i32>} : memref<2x128x128xf32, #tpu.memory_space<vmem>>, vector<1x1x16xf32>,
      %get3A_402 = vector.shape_cast %get3A_401 : vector<1x1x16xf32> to vector<16xf32>
      %get3A_403 = arith.constant 1 : i32
      %get3A_404 = arith.index_cast %get3A_403 : i32 to index
      %get3A_405 = arith.index_cast %scan3A_358 : i32 to index
      %get3A_406 = arith.constant 32 : index
      %get3A_407 = tpu.vector_load %arg10[%get3A_404, %get3A_405, %get3A_406] {strides = array<i32>} : memref<2x128x128xf32, #tpu.memory_space<vmem>>, vector<1x1x16xf32>,
      %get3A_408 = vector.shape_cast %get3A_407 : vector<1x1x16xf32> to vector<16xf32>
      %add3A_409 = arith.addf %get3A_402, %get3A_408 : vector<16xf32>
      %swap3A_410 = arith.constant 1 : i32
      %swap3A_411 = arith.index_cast %swap3A_410 : i32 to index
      %swap3A_412 = arith.index_cast %scan3A_358 : i32 to index
      %swap3A_413 = arith.constant 32 : index
      %swap3A_414 = tpu.vector_load %arg11[%swap3A_411, %swap3A_412, %swap3A_413] {strides = array<i32>} : memref<2x128x128xf32, #tpu.memory_space<vmem>>, vector<1x1x16xf32>,
      %swap3A_415 = vector.shape_cast %swap3A_414 : vector<1x1x16xf32> to vector<16xf32>
      %swap3A_416 = vector.shape_cast %add3A_409 : vector<16xf32> to vector<1x1x16xf32>
      tpu.vector_store %arg11[%swap3A_411, %swap3A_412, %swap3A_413], %swap3A_416 {strides = array<i32>} : memref<2x128x128xf32, #tpu.memory_space<vmem>>, vector<1x1x16xf32>,
      %get3A_417 = arith.constant 1 : i32
      %get3A_418 = arith.index_cast %get3A_417 : i32 to index
      %get3A_419 = arith.index_cast %scan3A_358 : i32 to index
      %get3A_420 = arith.constant 48 : index
      %get3A_421 = tpu.vector_load %arg9[%get3A_418, %get3A_419, %get3A_420] {strides = array<i32>} : memref<2x128x128xf32, #tpu.memory_space<vmem>>, vector<1x1x16xf32>,
      %get3A_422 = vector.shape_cast %get3A_421 : vector<1x1x16xf32> to vector<16xf32>
      %get3A_423 = arith.constant 1 : i32
      %get3A_424 = arith.index_cast %get3A_423 : i32 to index
      %get3A_425 = arith.index_cast %scan3A_358 : i32 to index
      %get3A_426 = arith.constant 48 : index
      %get3A_427 = tpu.vector_load %arg10[%get3A_424, %get3A_425, %get3A_426] {strides = array<i32>} : memref<2x128x128xf32, #tpu.memory_space<vmem>>, vector<1x1x16xf32>,
      %get3A_428 = vector.shape_cast %get3A_427 : vector<1x1x16xf32> to vector<16xf32>
      %add3A_429 = arith.addf %get3A_422, %get3A_428 : vector<16xf32>
      %swap3A_430 = arith.constant 1 : i32
      %swap3A_431 = arith.index_cast %swap3A_430 : i32 to index
      %swap3A_432 = arith.index_cast %scan3A_358 : i32 to index
      %swap3A_433 = arith.constant 48 : index
      %swap3A_434 = tpu.vector_load %arg11[%swap3A_431, %swap3A_432, %swap3A_433] {strides = array<i32>} : memref<2x128x128xf32, #tpu.memory_space<vmem>>, vector<1x1x16xf32>,
      %swap3A_435 = vector.shape_cast %swap3A_434 : vector<1x1x16xf32> to vector<16xf32>
      %swap3A_436 = vector.shape_cast %add3A_429 : vector<16xf32> to vector<1x1x16xf32>
      tpu.vector_store %arg11[%swap3A_431, %swap3A_432, %swap3A_433], %swap3A_436 {strides = array<i32>} : memref<2x128x128xf32, #tpu.memory_space<vmem>>, vector<1x1x16xf32>,
      %get3A_437 = arith.constant 1 : i32
      %get3A_438 = arith.index_cast %get3A_437 : i32 to index
      %get3A_439 = arith.index_cast %scan3A_358 : i32 to index
      %get3A_440 = arith.constant 64 : index
      %get3A_441 = tpu.vector_load %arg9[%get3A_438, %get3A_439, %get3A_440] {strides = array<i32>} : memref<2x128x128xf32, #tpu.memory_space<vmem>>, vector<1x1x16xf32>,
      %get3A_442 = vector.shape_cast %get3A_441 : vector<1x1x16xf32> to vector<16xf32>
      %get3A_443 = arith.constant 1 : i32
      %get3A_444 = arith.index_cast %get3A_443 : i32 to index
      %get3A_445 = arith.index_cast %scan3A_358 : i32 to index
      %get3A_446 = arith.constant 64 : index
      %get3A_447 = tpu.vector_load %arg10[%get3A_444, %get3A_445, %get3A_446] {strides = array<i32>} : memref<2x128x128xf32, #tpu.memory_space<vmem>>, vector<1x1x16xf32>,
      %get3A_448 = vector.shape_cast %get3A_447 : vector<1x1x16xf32> to vector<16xf32>
      %add3A_449 = arith.addf %get3A_442, %get3A_448 : vector<16xf32>
      %swap3A_450 = arith.constant 1 : i32
      %swap3A_451 = arith.index_cast %swap3A_450 : i32 to index
      %swap3A_452 = arith.index_cast %scan3A_358 : i32 to index
      %swap3A_453 = arith.constant 64 : index
      %swap3A_454 = tpu.vector_load %arg11[%swap3A_451, %swap3A_452, %swap3A_453] {strides = array<i32>} : memref<2x128x128xf32, #tpu.memory_space<vmem>>, vector<1x1x16xf32>,
      %swap3A_455 = vector.shape_cast %swap3A_454 : vector<1x1x16xf32> to vector<16xf32>
      %swap3A_456 = vector.shape_cast %add3A_449 : vector<16xf32> to vector<1x1x16xf32>
      tpu.vector_store %arg11[%swap3A_451, %swap3A_452, %swap3A_453], %swap3A_456 {strides = array<i32>} : memref<2x128x128xf32, #tpu.memory_space<vmem>>, vector<1x1x16xf32>,
      %get3A_457 = arith.constant 1 : i32
      %get3A_458 = arith.index_cast %get3A_457 : i32 to index
      %get3A_459 = arith.index_cast %scan3A_358 : i32 to index
      %get3A_460 = arith.constant 80 : index
      %get3A_461 = tpu.vector_load %arg9[%get3A_458, %get3A_459, %get3A_460] {strides = array<i32>} : memref<2x128x128xf32, #tpu.memory_space<vmem>>, vector<1x1x16xf32>,
      %get3A_462 = vector.shape_cast %get3A_461 : vector<1x1x16xf32> to vector<16xf32>
      %get3A_463 = arith.constant 1 : i32
      %get3A_464 = arith.index_cast %get3A_463 : i32 to index
      %get3A_465 = arith.index_cast %scan3A_358 : i32 to index
      %get3A_466 = arith.constant 80 : index
      %get3A_467 = tpu.vector_load %arg10[%get3A_464, %get3A_465, %get3A_466] {strides = array<i32>} : memref<2x128x128xf32, #tpu.memory_space<vmem>>, vector<1x1x16xf32>,
      %get3A_468 = vector.shape_cast %get3A_467 : vector<1x1x16xf32> to vector<16xf32>
      %add3A_469 = arith.addf %get3A_462, %get3A_468 : vector<16xf32>
      %swap3A_470 = arith.constant 1 : i32
      %swap3A_471 = arith.index_cast %swap3A_470 : i32 to index
      %swap3A_472 = arith.index_cast %scan3A_358 : i32 to index
      %swap3A_473 = arith.constant 80 : index
      %swap3A_474 = tpu.vector_load %arg11[%swap3A_471, %swap3A_472, %swap3A_473] {strides = array<i32>} : memref<2x128x128xf32, #tpu.memory_space<vmem>>, vector<1x1x16xf32>,
      %swap3A_475 = vector.shape_cast %swap3A_474 : vector<1x1x16xf32> to vector<16xf32>
      %swap3A_476 = vector.shape_cast %add3A_469 : vector<16xf32> to vector<1x1x16xf32>
      tpu.vector_store %arg11[%swap3A_471, %swap3A_472, %swap3A_473], %swap3A_476 {strides = array<i32>} : memref<2x128x128xf32, #tpu.memory_space<vmem>>, vector<1x1x16xf32>,
      %get3A_477 = arith.constant 1 : i32
      %get3A_478 = arith.index_cast %get3A_477 : i32 to index
      %get3A_479 = arith.index_cast %scan3A_358 : i32 to index
      %get3A_480 = arith.constant 96 : index
      %get3A_481 = tpu.vector_load %arg9[%get3A_478, %get3A_479, %get3A_480] {strides = array<i32>} : memref<2x128x128xf32, #tpu.memory_space<vmem>>, vector<1x1x16xf32>,
      %get3A_482 = vector.shape_cast %get3A_481 : vector<1x1x16xf32> to vector<16xf32>
      %get3A_483 = arith.constant 1 : i32
      %get3A_484 = arith.index_cast %get3A_483 : i32 to index
      %get3A_485 = arith.index_cast %scan3A_358 : i32 to index
      %get3A_486 = arith.constant 96 : index
      %get3A_487 = tpu.vector_load %arg10[%get3A_484, %get3A_485, %get3A_486] {strides = array<i32>} : memref<2x128x128xf32, #tpu.memory_space<vmem>>, vector<1x1x16xf32>,
      %get3A_488 = vector.shape_cast %get3A_487 : vector<1x1x16xf32> to vector<16xf32>
      %add3A_489 = arith.addf %get3A_482, %get3A_488 : vector<16xf32>
      %swap3A_490 = arith.constant 1 : i32
      %swap3A_491 = arith.index_cast %swap3A_490 : i32 to index
      %swap3A_492 = arith.index_cast %scan3A_358 : i32 to index
      %swap3A_493 = arith.constant 96 : index
      %swap3A_494 = tpu.vector_load %arg11[%swap3A_491, %swap3A_492, %swap3A_493] {strides = array<i32>} : memref<2x128x128xf32, #tpu.memory_space<vmem>>, vector<1x1x16xf32>,
      %swap3A_495 = vector.shape_cast %swap3A_494 : vector<1x1x16xf32> to vector<16xf32>
      %swap3A_496 = vector.shape_cast %add3A_489 : vector<16xf32> to vector<1x1x16xf32>
      tpu.vector_store %arg11[%swap3A_491, %swap3A_492, %swap3A_493], %swap3A_496 {strides = array<i32>} : memref<2x128x128xf32, #tpu.memory_space<vmem>>, vector<1x1x16xf32>,
      %get3A_497 = arith.constant 1 : i32
      %get3A_498 = arith.index_cast %get3A_497 : i32 to index
      %get3A_499 = arith.index_cast %scan3A_358 : i32 to index
      %get3A_500 = arith.constant 112 : index
      %get3A_501 = tpu.vector_load %arg9[%get3A_498, %get3A_499, %get3A_500] {strides = array<i32>} : memref<2x128x128xf32, #tpu.memory_space<vmem>>, vector<1x1x16xf32>,
      %get3A_502 = vector.shape_cast %get3A_501 : vector<1x1x16xf32> to vector<16xf32>
      %get3A_503 = arith.constant 1 : i32
      %get3A_504 = arith.index_cast %get3A_503 : i32 to index
      %get3A_505 = arith.index_cast %scan3A_358 : i32 to index
      %get3A_506 = arith.constant 112 : index
      %get3A_507 = tpu.vector_load %arg10[%get3A_504, %get3A_505, %get3A_506] {strides = array<i32>} : memref<2x128x128xf32, #tpu.memory_space<vmem>>, vector<1x1x16xf32>,
      %get3A_508 = vector.shape_cast %get3A_507 : vector<1x1x16xf32> to vector<16xf32>
      %add3A_509 = arith.addf %get3A_502, %get3A_508 : vector<16xf32>
      %swap3A_510 = arith.constant 1 : i32
      %swap3A_511 = arith.index_cast %swap3A_510 : i32 to index
      %swap3A_512 = arith.index_cast %scan3A_358 : i32 to index
      %swap3A_513 = arith.constant 112 : index
      %swap3A_514 = tpu.vector_load %arg11[%swap3A_511, %swap3A_512, %swap3A_513] {strides = array<i32>} : memref<2x128x128xf32, #tpu.memory_space<vmem>>, vector<1x1x16xf32>,
      %swap3A_515 = vector.shape_cast %swap3A_514 : vector<1x1x16xf32> to vector<16xf32>
      %swap3A_516 = vector.shape_cast %add3A_509 : vector<16xf32> to vector<1x1x16xf32>
      tpu.vector_store %arg11[%swap3A_511, %swap3A_512, %swap3A_513], %swap3A_516 {strides = array<i32>} : memref<2x128x128xf32, #tpu.memory_space<vmem>>, vector<1x1x16xf32>,
    }
    %scan3A_306 = arith.constant 128 : i32
    %add3A_307 = arith.constant 79 : i32
    %add3A_308 = arith.addi %mul3A_2, %add3A_307 : i32
    %mul3A_309 = arith.constant 128 : i32
    %mul3A_310 = arith.muli %add3A_308, %mul3A_309 : i32
    %dma_start3A_311 = arith.constant 1 : i32
    %dma_start3A_312 = arith.constant 0 : i32
    %dma_start3A_313 = arith.constant 0 : i32
    %dma_start3A_314 = tpu.memref_slice %arg11[%dma_start3A_311, %dma_start3A_312, %dma_start3A_313] : memref<2x128x128xf32, #tpu.memory_space<vmem>> -> memref<1x128x128xf32, #tpu.memory_space<vmem>>
    %dma_start3A_315 = tpu.memref_squeeze %dma_start3A_314 : memref<1x128x128xf32, #tpu.memory_space<vmem>> -> memref<128x128xf32, #tpu.memory_space<vmem>>
    %dma_start3A_316 = arith.constant 0 : i32
    %dma_start3A_317 = tpu.memref_slice %arg6[%mul3A_310, %dma_start3A_316] : memref<327680x128xf32, #tpu.memory_space<hbm>> -> memref<128x128xf32, #tpu.memory_space<hbm>>
    %dma_start3A_318 = arith.constant 0 : i32
    %dma_start3A_319 = tpu.memref_slice %arg6[%mul3A_310, %dma_start3A_318] : memref<327680x128xf32, #tpu.memory_space<hbm>> -> memref<128x128xf32, #tpu.memory_space<hbm>>
    %dma_start3A_320 = arith.constant 0 : i32
    %dma_start3A_321 = arith.constant 0 : i32
    %dma_start3A_322 = tpu.memref_slice %arg11[%dma_start3A_311, %dma_start3A_320, %dma_start3A_321] : memref<2x128x128xf32, #tpu.memory_space<vmem>> -> memref<1x128x128xf32, #tpu.memory_space<vmem>>
    %dma_start3A_323 = tpu.memref_squeeze %dma_start3A_322 : memref<1x128x128xf32, #tpu.memory_space<vmem>> -> memref<128x128xf32, #tpu.memory_space<vmem>>
    tpu.enqueue_dma source(%dma_start3A_323 : memref<128x128xf32, #tpu.memory_space<vmem>>) target(%dma_start3A_319 : memref<128x128xf32, #tpu.memory_space<hbm>>) target_semaphore(%arg17 : memref<!tpu.dma_semaphore, #tpu.memory_space<semaphore_mem>>)
    %add3A_324 = arith.constant 78 : i32
    %add3A_325 = arith.addi %mul3A_2, %add3A_324 : i32
    %mul3A_326 = arith.constant 128 : i32
    %mul3A_327 = arith.muli %add3A_325, %mul3A_326 : i32
    %dma_wait3A_328 = arith.constant 0 : i32
    %dma_wait3A_329 = arith.constant 0 : i32
    %dma_wait3A_330 = arith.constant 0 : i32
    %dma_wait3A_331 = tpu.memref_slice %arg11[%dma_wait3A_328, %dma_wait3A_329, %dma_wait3A_330] : memref<2x128x128xf32, #tpu.memory_space<vmem>> -> memref<1x128x128xf32, #tpu.memory_space<vmem>>
    %dma_wait3A_332 = tpu.memref_squeeze %dma_wait3A_331 : memref<1x128x128xf32, #tpu.memory_space<vmem>> -> memref<128x128xf32, #tpu.memory_space<vmem>>
    %dma_wait3A_333 = arith.constant 0 : i32
    %dma_wait3A_334 = tpu.memref_slice %arg6[%mul3A_327, %dma_wait3A_333] : memref<327680x128xf32, #tpu.memory_space<hbm>> -> memref<128x128xf32, #tpu.memory_space<hbm>>
    %dma_wait3A_335 = arith.constant 0 : i32
    %dma_wait3A_336 = tpu.memref_slice %arg6[%mul3A_327, %dma_wait3A_335] : memref<327680x128xf32, #tpu.memory_space<hbm>> -> memref<128x128xf32, #tpu.memory_space<hbm>>
    %dma_wait3A_337 = arith.constant 0 : i32
    %dma_wait3A_338 = arith.constant 0 : i32
    %dma_wait3A_339 = tpu.memref_slice %arg11[%dma_wait3A_328, %dma_wait3A_337, %dma_wait3A_338] : memref<2x128x128xf32, #tpu.memory_space<vmem>> -> memref<1x128x128xf32, #tpu.memory_space<vmem>>
    %dma_wait3A_340 = tpu.memref_squeeze %dma_wait3A_339 : memref<1x128x128xf32, #tpu.memory_space<vmem>> -> memref<128x128xf32, #tpu.memory_space<vmem>>
    tpu.wait_dma2 semaphore(%arg16 : memref<!tpu.dma_semaphore, #tpu.memory_space<semaphore_mem>>) src(%dma_wait3A_340 : memref<128x128xf32, #tpu.memory_space<vmem>>) dst(%dma_wait3A_336 : memref<128x128xf32, #tpu.memory_space<hbm>>)
    %add3A_341 = arith.constant 79 : i32
    %add3A_342 = arith.addi %mul3A_2, %add3A_341 : i32
    %mul3A_343 = arith.constant 128 : i32
    %mul3A_344 = arith.muli %add3A_342, %mul3A_343 : i32
    %dma_wait3A_345 = arith.constant 1 : i32
    %dma_wait3A_346 = arith.constant 0 : i32
    %dma_wait3A_347 = arith.constant 0 : i32
    %dma_wait3A_348 = tpu.memref_slice %arg11[%dma_wait3A_345, %dma_wait3A_346, %dma_wait3A_347] : memref<2x128x128xf32, #tpu.memory_space<vmem>> -> memref<1x128x128xf32, #tpu.memory_space<vmem>>
    %dma_wait3A_349 = tpu.memref_squeeze %dma_wait3A_348 : memref<1x128x128xf32, #tpu.memory_space<vmem>> -> memref<128x128xf32, #tpu.memory_space<vmem>>
    %dma_wait3A_350 = arith.constant 0 : i32
    %dma_wait3A_351 = tpu.memref_slice %arg6[%mul3A_344, %dma_wait3A_350] : memref<327680x128xf32, #tpu.memory_space<hbm>> -> memref<128x128xf32, #tpu.memory_space<hbm>>
    %dma_wait3A_352 = arith.constant 0 : i32
    %dma_wait3A_353 = tpu.memref_slice %arg6[%mul3A_344, %dma_wait3A_352] : memref<327680x128xf32, #tpu.memory_space<hbm>> -> memref<128x128xf32, #tpu.memory_space<hbm>>
    %dma_wait3A_354 = arith.constant 0 : i32
    %dma_wait3A_355 = arith.constant 0 : i32
    %dma_wait3A_356 = tpu.memref_slice %arg11[%dma_wait3A_345, %dma_wait3A_354, %dma_wait3A_355] : memref<2x128x128xf32, #tpu.memory_space<vmem>> -> memref<1x128x128xf32, #tpu.memory_space<vmem>>
    %dma_wait3A_357 = tpu.memref_squeeze %dma_wait3A_356 : memref<1x128x128xf32, #tpu.memory_space<vmem>> -> memref<128x128xf32, #tpu.memory_space<vmem>>
    tpu.wait_dma2 semaphore(%arg17 : memref<!tpu.dma_semaphore, #tpu.memory_space<semaphore_mem>>) src(%dma_wait3A_357 : memref<128x128xf32, #tpu.memory_space<vmem>>) dst(%dma_wait3A_353 : memref<128x128xf32, #tpu.memory_space<hbm>>)
    return
  }
}

#map = affine_map<(d0, d1) -> (0, 0)>
#map1 = affine_map<(d0, d1) -> (0, 0, 0)>
module attributes {stable_mosaic.version = 14 : i64} {
  func.func @_scatter_body(%arg0: i32, %arg1: i32, %arg2: memref<327680x128xf32, #tpu.memory_space<hbm>>, %arg3: memref<2560x128xi32, #tpu.memory_space<hbm>>, %arg4: memref<2x5248x128xf32, #tpu.memory_space<hbm>>, %arg5: memref<160x128xi32, #tpu.memory_space<vmem>>, %arg6: memref<128xi32, #tpu.memory_space<vmem>>, %arg7: memref<128x128xf32, #tpu.memory_space<vmem>>, %arg8: memref<128x128xf32, #tpu.memory_space<vmem>>, %arg9: memref<5248x128xf32, #tpu.memory_space<vmem_shared>>) attributes {dimension_semantics = [#tpu.dimension_semantics<core_parallel>, #tpu.dimension_semantics<subcore_parallel>], iteration_bounds = array<i64: 2, 16>, scalar_prefetch = 0 : i64, scratch_operands = 5 : i64, tpu.core_type = #tpu.core_type<sc_vector_subcore>, window_params = [{transform_indices = #map}, {transform_indices = #map}, {transform_indices = #map1}]} {
    %mul3A = arith.constant 5120 : i32
    %mul3A_0 = arith.muli %arg0, %mul3A : i32
    %broadcast_in_dim3A = arith.constant 0.000000e+00 : f32
    %broadcast_in_dim3A_1 = vector.broadcast %broadcast_in_dim3A : f32 to vector<16xf32>
    %scan3A = arith.constant 0 : i32
    %scan3A_2 = arith.constant 0 : i32
    %scan3A_3 = arith.constant 128 : i32
    %scan3A_4 = arith.addi %scan3A_2, %scan3A_3 : i32
    %scan3A_5 = arith.constant 1 : i32
    scf.for %scan3A_49 = %scan3A_2 to %scan3A_4 step %scan3A_5  : i32 {
      %swap3A = arith.index_cast %scan3A_49 : i32 to index
      %swap3A_50 = arith.constant 0 : index
      %swap3A_51 = tpu.vector_load %arg8[%swap3A, %swap3A_50] {strides = array<i32>} : memref<128x128xf32, #tpu.memory_space<vmem>>, vector<1x16xf32>,
      %swap3A_52 = vector.shape_cast %swap3A_51 : vector<1x16xf32> to vector<16xf32>
      %swap3A_53 = vector.shape_cast %broadcast_in_dim3A_1 : vector<16xf32> to vector<1x16xf32>
      tpu.vector_store %arg8[%swap3A, %swap3A_50], %swap3A_53 {strides = array<i32>} : memref<128x128xf32, #tpu.memory_space<vmem>>, vector<1x16xf32>,
      %swap3A_54 = arith.index_cast %scan3A_49 : i32 to index
      %swap3A_55 = arith.constant 16 : index
      %swap3A_56 = tpu.vector_load %arg8[%swap3A_54, %swap3A_55] {strides = array<i32>} : memref<128x128xf32, #tpu.memory_space<vmem>>, vector<1x16xf32>,
      %swap3A_57 = vector.shape_cast %swap3A_56 : vector<1x16xf32> to vector<16xf32>
      %swap3A_58 = vector.shape_cast %broadcast_in_dim3A_1 : vector<16xf32> to vector<1x16xf32>
      tpu.vector_store %arg8[%swap3A_54, %swap3A_55], %swap3A_58 {strides = array<i32>} : memref<128x128xf32, #tpu.memory_space<vmem>>, vector<1x16xf32>,
      %swap3A_59 = arith.index_cast %scan3A_49 : i32 to index
      %swap3A_60 = arith.constant 32 : index
      %swap3A_61 = tpu.vector_load %arg8[%swap3A_59, %swap3A_60] {strides = array<i32>} : memref<128x128xf32, #tpu.memory_space<vmem>>, vector<1x16xf32>,
      %swap3A_62 = vector.shape_cast %swap3A_61 : vector<1x16xf32> to vector<16xf32>
      %swap3A_63 = vector.shape_cast %broadcast_in_dim3A_1 : vector<16xf32> to vector<1x16xf32>
      tpu.vector_store %arg8[%swap3A_59, %swap3A_60], %swap3A_63 {strides = array<i32>} : memref<128x128xf32, #tpu.memory_space<vmem>>, vector<1x16xf32>,
      %swap3A_64 = arith.index_cast %scan3A_49 : i32 to index
      %swap3A_65 = arith.constant 48 : index
      %swap3A_66 = tpu.vector_load %arg8[%swap3A_64, %swap3A_65] {strides = array<i32>} : memref<128x128xf32, #tpu.memory_space<vmem>>, vector<1x16xf32>,
      %swap3A_67 = vector.shape_cast %swap3A_66 : vector<1x16xf32> to vector<16xf32>
      %swap3A_68 = vector.shape_cast %broadcast_in_dim3A_1 : vector<16xf32> to vector<1x16xf32>
      tpu.vector_store %arg8[%swap3A_64, %swap3A_65], %swap3A_68 {strides = array<i32>} : memref<128x128xf32, #tpu.memory_space<vmem>>, vector<1x16xf32>,
      %swap3A_69 = arith.index_cast %scan3A_49 : i32 to index
      %swap3A_70 = arith.constant 64 : index
      %swap3A_71 = tpu.vector_load %arg8[%swap3A_69, %swap3A_70] {strides = array<i32>} : memref<128x128xf32, #tpu.memory_space<vmem>>, vector<1x16xf32>,
      %swap3A_72 = vector.shape_cast %swap3A_71 : vector<1x16xf32> to vector<16xf32>
      %swap3A_73 = vector.shape_cast %broadcast_in_dim3A_1 : vector<16xf32> to vector<1x16xf32>
      tpu.vector_store %arg8[%swap3A_69, %swap3A_70], %swap3A_73 {strides = array<i32>} : memref<128x128xf32, #tpu.memory_space<vmem>>, vector<1x16xf32>,
      %swap3A_74 = arith.index_cast %scan3A_49 : i32 to index
      %swap3A_75 = arith.constant 80 : index
      %swap3A_76 = tpu.vector_load %arg8[%swap3A_74, %swap3A_75] {strides = array<i32>} : memref<128x128xf32, #tpu.memory_space<vmem>>, vector<1x16xf32>,
      %swap3A_77 = vector.shape_cast %swap3A_76 : vector<1x16xf32> to vector<16xf32>
      %swap3A_78 = vector.shape_cast %broadcast_in_dim3A_1 : vector<16xf32> to vector<1x16xf32>
      tpu.vector_store %arg8[%swap3A_74, %swap3A_75], %swap3A_78 {strides = array<i32>} : memref<128x128xf32, #tpu.memory_space<vmem>>, vector<1x16xf32>,
      %swap3A_79 = arith.index_cast %scan3A_49 : i32 to index
      %swap3A_80 = arith.constant 96 : index
      %swap3A_81 = tpu.vector_load %arg8[%swap3A_79, %swap3A_80] {strides = array<i32>} : memref<128x128xf32, #tpu.memory_space<vmem>>, vector<1x16xf32>,
      %swap3A_82 = vector.shape_cast %swap3A_81 : vector<1x16xf32> to vector<16xf32>
      %swap3A_83 = vector.shape_cast %broadcast_in_dim3A_1 : vector<16xf32> to vector<1x16xf32>
      tpu.vector_store %arg8[%swap3A_79, %swap3A_80], %swap3A_83 {strides = array<i32>} : memref<128x128xf32, #tpu.memory_space<vmem>>, vector<1x16xf32>,
      %swap3A_84 = arith.index_cast %scan3A_49 : i32 to index
      %swap3A_85 = arith.constant 112 : index
      %swap3A_86 = tpu.vector_load %arg8[%swap3A_84, %swap3A_85] {strides = array<i32>} : memref<128x128xf32, #tpu.memory_space<vmem>>, vector<1x16xf32>,
      %swap3A_87 = vector.shape_cast %swap3A_86 : vector<1x16xf32> to vector<16xf32>
      %swap3A_88 = vector.shape_cast %broadcast_in_dim3A_1 : vector<16xf32> to vector<1x16xf32>
      tpu.vector_store %arg8[%swap3A_84, %swap3A_85], %swap3A_88 {strides = array<i32>} : memref<128x128xf32, #tpu.memory_space<vmem>>, vector<1x16xf32>,
    }
    %scan3A_6 = arith.constant 128 : i32
    %mul3A_7 = arith.constant 160 : i32
    %mul3A_8 = arith.muli %arg1, %mul3A_7 : i32
    "tpu.region"() ({
      %run_scoped3A = tpu.sem_alloc : memref<!tpu.dma_semaphore, #tpu.memory_space<semaphore_mem>>
      %dma_start3A = arith.constant 0 : i32
      %dma_start3A_49 = tpu.memref_slice %arg3[%mul3A_8, %dma_start3A] : memref<2560x128xi32, #tpu.memory_space<hbm>> -> memref<160x128xi32, #tpu.memory_space<hbm>>
      %dma_start3A_50 = arith.constant 0 : i32
      %dma_start3A_51 = tpu.memref_slice %arg3[%mul3A_8, %dma_start3A_50] : memref<2560x128xi32, #tpu.memory_space<hbm>> -> memref<160x128xi32, #tpu.memory_space<hbm>>
      tpu.enqueue_dma source(%dma_start3A_51 : memref<160x128xi32, #tpu.memory_space<hbm>>) target(%arg5 : memref<160x128xi32, #tpu.memory_space<vmem>>) target_semaphore(%run_scoped3A : memref<!tpu.dma_semaphore, #tpu.memory_space<semaphore_mem>>)
      %dma_wait3A = arith.constant 0 : i32
      %dma_wait3A_52 = tpu.memref_slice %arg3[%mul3A_8, %dma_wait3A] : memref<2560x128xi32, #tpu.memory_space<hbm>> -> memref<160x128xi32, #tpu.memory_space<hbm>>
      %dma_wait3A_53 = arith.constant 0 : i32
      %dma_wait3A_54 = tpu.memref_slice %arg3[%mul3A_8, %dma_wait3A_53] : memref<2560x128xi32, #tpu.memory_space<hbm>> -> memref<160x128xi32, #tpu.memory_space<hbm>>
      tpu.wait_dma2 semaphore(%run_scoped3A : memref<!tpu.dma_semaphore, #tpu.memory_space<semaphore_mem>>) src(%dma_wait3A_54 : memref<160x128xi32, #tpu.memory_space<hbm>>) dst(%arg5 : memref<160x128xi32, #tpu.memory_space<vmem>>)
      tpu.yield
    }) : () -> ()
    %mul3A_9 = arith.constant 328 : i32
    %mul3A_10 = arith.muli %arg1, %mul3A_9 : i32
    "tpu.region"() ({
      %run_scoped3A = tpu.sem_alloc : memref<!tpu.dma_semaphore, #tpu.memory_space<semaphore_mem>>
      %dma_start3A = arith.constant 0 : i32
      %dma_start3A_49 = tpu.memref_slice %arg9[%mul3A_10, %dma_start3A] : memref<5248x128xf32, #tpu.memory_space<vmem_shared>> -> memref<128x128xf32, #tpu.memory_space<vmem_shared>>
      %dma_start3A_50 = arith.constant 0 : i32
      %dma_start3A_51 = tpu.memref_slice %arg9[%mul3A_10, %dma_start3A_50] : memref<5248x128xf32, #tpu.memory_space<vmem_shared>> -> memref<128x128xf32, #tpu.memory_space<vmem_shared>>
      tpu.enqueue_dma source(%arg8 : memref<128x128xf32, #tpu.memory_space<vmem>>) target(%dma_start3A_51 : memref<128x128xf32, #tpu.memory_space<vmem_shared>>) target_semaphore(%run_scoped3A : memref<!tpu.dma_semaphore, #tpu.memory_space<semaphore_mem>>)
      %dma_wait3A = arith.constant 0 : i32
      %dma_wait3A_52 = tpu.memref_slice %arg9[%mul3A_10, %dma_wait3A] : memref<5248x128xf32, #tpu.memory_space<vmem_shared>> -> memref<128x128xf32, #tpu.memory_space<vmem_shared>>
      %dma_wait3A_53 = arith.constant 0 : i32
      %dma_wait3A_54 = tpu.memref_slice %arg9[%mul3A_10, %dma_wait3A_53] : memref<5248x128xf32, #tpu.memory_space<vmem_shared>> -> memref<128x128xf32, #tpu.memory_space<vmem_shared>>
      tpu.wait_dma2 semaphore(%run_scoped3A : memref<!tpu.dma_semaphore, #tpu.memory_space<semaphore_mem>>) src(%arg8 : memref<128x128xf32, #tpu.memory_space<vmem>>) dst(%dma_wait3A_54 : memref<128x128xf32, #tpu.memory_space<vmem_shared>>)
      tpu.yield
    }) : () -> ()
    %mul3A_11 = arith.constant 328 : i32
    %mul3A_12 = arith.muli %arg1, %mul3A_11 : i32
    %add3A = arith.constant 128 : i32
    %add3A_13 = arith.addi %mul3A_12, %add3A : i32
    "tpu.region"() ({
      %run_scoped3A = tpu.sem_alloc : memref<!tpu.dma_semaphore, #tpu.memory_space<semaphore_mem>>
      %dma_start3A = arith.constant 0 : i32
      %dma_start3A_49 = tpu.memref_slice %arg9[%add3A_13, %dma_start3A] : memref<5248x128xf32, #tpu.memory_space<vmem_shared>> -> memref<128x128xf32, #tpu.memory_space<vmem_shared>>
      %dma_start3A_50 = arith.constant 0 : i32
      %dma_start3A_51 = tpu.memref_slice %arg9[%add3A_13, %dma_start3A_50] : memref<5248x128xf32, #tpu.memory_space<vmem_shared>> -> memref<128x128xf32, #tpu.memory_space<vmem_shared>>
      tpu.enqueue_dma source(%arg8 : memref<128x128xf32, #tpu.memory_space<vmem>>) target(%dma_start3A_51 : memref<128x128xf32, #tpu.memory_space<vmem_shared>>) target_semaphore(%run_scoped3A : memref<!tpu.dma_semaphore, #tpu.memory_space<semaphore_mem>>)
      %dma_wait3A = arith.constant 0 : i32
      %dma_wait3A_52 = tpu.memref_slice %arg9[%add3A_13, %dma_wait3A] : memref<5248x128xf32, #tpu.memory_space<vmem_shared>> -> memref<128x128xf32, #tpu.memory_space<vmem_shared>>
      %dma_wait3A_53 = arith.constant 0 : i32
      %dma_wait3A_54 = tpu.memref_slice %arg9[%add3A_13, %dma_wait3A_53] : memref<5248x128xf32, #tpu.memory_space<vmem_shared>> -> memref<128x128xf32, #tpu.memory_space<vmem_shared>>
      tpu.wait_dma2 semaphore(%run_scoped3A : memref<!tpu.dma_semaphore, #tpu.memory_space<semaphore_mem>>) src(%arg8 : memref<128x128xf32, #tpu.memory_space<vmem>>) dst(%dma_wait3A_54 : memref<128x128xf32, #tpu.memory_space<vmem_shared>>)
      tpu.yield
    }) : () -> ()
    %mul3A_14 = arith.constant 328 : i32
    %mul3A_15 = arith.muli %arg1, %mul3A_14 : i32
    %add3A_16 = arith.constant 256 : i32
    %add3A_17 = arith.addi %mul3A_15, %add3A_16 : i32
    "tpu.region"() ({
      %run_scoped3A = tpu.sem_alloc : memref<!tpu.dma_semaphore, #tpu.memory_space<semaphore_mem>>
      %dma_start3A = arith.constant 0 : i32
      %dma_start3A_49 = arith.constant 0 : i32
      %dma_start3A_50 = tpu.memref_slice %arg8[%dma_start3A, %dma_start3A_49] : memref<128x128xf32, #tpu.memory_space<vmem>> -> memref<72x128xf32, #tpu.memory_space<vmem>>
      %dma_start3A_51 = arith.constant 0 : i32
      %dma_start3A_52 = tpu.memref_slice %arg9[%add3A_17, %dma_start3A_51] : memref<5248x128xf32, #tpu.memory_space<vmem_shared>> -> memref<72x128xf32, #tpu.memory_space<vmem_shared>>
      %dma_start3A_53 = arith.constant 0 : i32
      %dma_start3A_54 = tpu.memref_slice %arg9[%add3A_17, %dma_start3A_53] : memref<5248x128xf32, #tpu.memory_space<vmem_shared>> -> memref<72x128xf32, #tpu.memory_space<vmem_shared>>
      %dma_start3A_55 = arith.constant 0 : i32
      %dma_start3A_56 = arith.constant 0 : i32
      %dma_start3A_57 = tpu.memref_slice %arg8[%dma_start3A_55, %dma_start3A_56] : memref<128x128xf32, #tpu.memory_space<vmem>> -> memref<72x128xf32, #tpu.memory_space<vmem>>
      tpu.enqueue_dma source(%dma_start3A_57 : memref<72x128xf32, #tpu.memory_space<vmem>>) target(%dma_start3A_54 : memref<72x128xf32, #tpu.memory_space<vmem_shared>>) target_semaphore(%run_scoped3A : memref<!tpu.dma_semaphore, #tpu.memory_space<semaphore_mem>>)
      %dma_wait3A = arith.constant 0 : i32
      %dma_wait3A_58 = arith.constant 0 : i32
      %dma_wait3A_59 = tpu.memref_slice %arg8[%dma_wait3A, %dma_wait3A_58] : memref<128x128xf32, #tpu.memory_space<vmem>> -> memref<72x128xf32, #tpu.memory_space<vmem>>
      %dma_wait3A_60 = arith.constant 0 : i32
      %dma_wait3A_61 = tpu.memref_slice %arg9[%add3A_17, %dma_wait3A_60] : memref<5248x128xf32, #tpu.memory_space<vmem_shared>> -> memref<72x128xf32, #tpu.memory_space<vmem_shared>>
      %dma_wait3A_62 = arith.constant 0 : i32
      %dma_wait3A_63 = tpu.memref_slice %arg9[%add3A_17, %dma_wait3A_62] : memref<5248x128xf32, #tpu.memory_space<vmem_shared>> -> memref<72x128xf32, #tpu.memory_space<vmem_shared>>
      %dma_wait3A_64 = arith.constant 0 : i32
      %dma_wait3A_65 = arith.constant 0 : i32
      %dma_wait3A_66 = tpu.memref_slice %arg8[%dma_wait3A_64, %dma_wait3A_65] : memref<128x128xf32, #tpu.memory_space<vmem>> -> memref<72x128xf32, #tpu.memory_space<vmem>>
      tpu.wait_dma2 semaphore(%run_scoped3A : memref<!tpu.dma_semaphore, #tpu.memory_space<semaphore_mem>>) src(%dma_wait3A_66 : memref<72x128xf32, #tpu.memory_space<vmem>>) dst(%dma_wait3A_63 : memref<72x128xf32, #tpu.memory_space<vmem_shared>>)
      tpu.yield
    }) : () -> ()
    %barrier3A = arith.constant 0 : index
    tpu.barrier barrier_id(%barrier3A)
    %scan3A_18 = arith.constant 0 : i32
    %scan3A_19 = arith.constant 0 : i32
    %scan3A_20 = arith.constant 160 : i32
    %scan3A_21 = arith.addi %scan3A_19, %scan3A_20 : i32
    %scan3A_22 = arith.constant 1 : i32
    scf.for %scan3A_49 = %scan3A_19 to %scan3A_21 step %scan3A_22  : i32 {
      %mul3A_50 = arith.constant 160 : i32
      %mul3A_51 = arith.muli %arg1, %mul3A_50 : i32
      %add3A_52 = arith.addi %mul3A_51, %scan3A_49 : i32
      %mul3A_53 = arith.constant 128 : i32
      %mul3A_54 = arith.muli %add3A_52, %mul3A_53 : i32
      "tpu.region"() ({
        %run_scoped3A = tpu.sem_alloc : memref<!tpu.dma_semaphore, #tpu.memory_space<semaphore_mem>>
        %dma_start3A = arith.constant 0 : i32
        %dma_start3A_155 = tpu.memref_slice %arg2[%mul3A_54, %dma_start3A] : memref<327680x128xf32, #tpu.memory_space<hbm>> -> memref<128x128xf32, #tpu.memory_space<hbm>>
        %dma_start3A_156 = arith.constant 0 : i32
        %dma_start3A_157 = tpu.memref_slice %arg2[%mul3A_54, %dma_start3A_156] : memref<327680x128xf32, #tpu.memory_space<hbm>> -> memref<128x128xf32, #tpu.memory_space<hbm>>
        tpu.enqueue_dma source(%dma_start3A_157 : memref<128x128xf32, #tpu.memory_space<hbm>>) target(%arg7 : memref<128x128xf32, #tpu.memory_space<vmem>>) target_semaphore(%run_scoped3A : memref<!tpu.dma_semaphore, #tpu.memory_space<semaphore_mem>>)
        %dma_wait3A = arith.constant 0 : i32
        %dma_wait3A_158 = tpu.memref_slice %arg2[%mul3A_54, %dma_wait3A] : memref<327680x128xf32, #tpu.memory_space<hbm>> -> memref<128x128xf32, #tpu.memory_space<hbm>>
        %dma_wait3A_159 = arith.constant 0 : i32
        %dma_wait3A_160 = tpu.memref_slice %arg2[%mul3A_54, %dma_wait3A_159] : memref<327680x128xf32, #tpu.memory_space<hbm>> -> memref<128x128xf32, #tpu.memory_space<hbm>>
        tpu.wait_dma2 semaphore(%run_scoped3A : memref<!tpu.dma_semaphore, #tpu.memory_space<semaphore_mem>>) src(%dma_wait3A_160 : memref<128x128xf32, #tpu.memory_space<hbm>>) dst(%arg7 : memref<128x128xf32, #tpu.memory_space<vmem>>)
        tpu.yield
      }) : () -> ()
      %get3A = arith.index_cast %scan3A_49 : i32 to index
      %get3A_55 = arith.constant 0 : index
      %get3A_56 = tpu.vector_load %arg5[%get3A, %get3A_55] {strides = array<i32>} : memref<160x128xi32, #tpu.memory_space<vmem>>, vector<1x16xi32>,
      %get3A_57 = vector.shape_cast %get3A_56 : vector<1x16xi32> to vector<16xi32>
      %sub3A = vector.broadcast %mul3A_0 : i32 to vector<16xi32>
      %sub3A_58 = arith.subi %get3A_57, %sub3A : vector<16xi32>
      %min3A = arith.constant 5120 : i32
      %min3A_59 = vector.broadcast %min3A : i32 to vector<16xi32>
      %min3A_60 = arith.minui %sub3A_58, %min3A_59 : vector<16xi32>
      %swap3A = arith.constant 0 : index
      %swap3A_61 = tpu.vector_load %arg6[%swap3A] {strides = array<i32>} : memref<128xi32, #tpu.memory_space<vmem>>, vector<16xi32>,
      %swap3A_62 = vector.shape_cast %swap3A_61 : vector<16xi32> to vector<16xi32>
      %swap3A_63 = vector.shape_cast %min3A_60 : vector<16xi32> to vector<16xi32>
      tpu.vector_store %arg6[%swap3A], %swap3A_63 {strides = array<i32>} : memref<128xi32, #tpu.memory_space<vmem>>, vector<16xi32>,
      %get3A_64 = arith.index_cast %scan3A_49 : i32 to index
      %get3A_65 = arith.constant 16 : index
      %get3A_66 = tpu.vector_load %arg5[%get3A_64, %get3A_65] {strides = array<i32>} : memref<160x128xi32, #tpu.memory_space<vmem>>, vector<1x16xi32>,
      %get3A_67 = vector.shape_cast %get3A_66 : vector<1x16xi32> to vector<16xi32>
      %sub3A_68 = vector.broadcast %mul3A_0 : i32 to vector<16xi32>
      %sub3A_69 = arith.subi %get3A_67, %sub3A_68 : vector<16xi32>
      %min3A_70 = arith.constant 5120 : i32
      %min3A_71 = vector.broadcast %min3A_70 : i32 to vector<16xi32>
      %min3A_72 = arith.minui %sub3A_69, %min3A_71 : vector<16xi32>
      %swap3A_73 = arith.constant 16 : index
      %swap3A_74 = tpu.vector_load %arg6[%swap3A_73] {strides = array<i32>} : memref<128xi32, #tpu.memory_space<vmem>>, vector<16xi32>,
      %swap3A_75 = vector.shape_cast %swap3A_74 : vector<16xi32> to vector<16xi32>
      %swap3A_76 = vector.shape_cast %min3A_72 : vector<16xi32> to vector<16xi32>
      tpu.vector_store %arg6[%swap3A_73], %swap3A_76 {strides = array<i32>} : memref<128xi32, #tpu.memory_space<vmem>>, vector<16xi32>,
      %get3A_77 = arith.index_cast %scan3A_49 : i32 to index
      %get3A_78 = arith.constant 32 : index
      %get3A_79 = tpu.vector_load %arg5[%get3A_77, %get3A_78] {strides = array<i32>} : memref<160x128xi32, #tpu.memory_space<vmem>>, vector<1x16xi32>,
      %get3A_80 = vector.shape_cast %get3A_79 : vector<1x16xi32> to vector<16xi32>
      %sub3A_81 = vector.broadcast %mul3A_0 : i32 to vector<16xi32>
      %sub3A_82 = arith.subi %get3A_80, %sub3A_81 : vector<16xi32>
      %min3A_83 = arith.constant 5120 : i32
      %min3A_84 = vector.broadcast %min3A_83 : i32 to vector<16xi32>
      %min3A_85 = arith.minui %sub3A_82, %min3A_84 : vector<16xi32>
      %swap3A_86 = arith.constant 32 : index
      %swap3A_87 = tpu.vector_load %arg6[%swap3A_86] {strides = array<i32>} : memref<128xi32, #tpu.memory_space<vmem>>, vector<16xi32>,
      %swap3A_88 = vector.shape_cast %swap3A_87 : vector<16xi32> to vector<16xi32>
      %swap3A_89 = vector.shape_cast %min3A_85 : vector<16xi32> to vector<16xi32>
      tpu.vector_store %arg6[%swap3A_86], %swap3A_89 {strides = array<i32>} : memref<128xi32, #tpu.memory_space<vmem>>, vector<16xi32>,
      %get3A_90 = arith.index_cast %scan3A_49 : i32 to index
      %get3A_91 = arith.constant 48 : index
      %get3A_92 = tpu.vector_load %arg5[%get3A_90, %get3A_91] {strides = array<i32>} : memref<160x128xi32, #tpu.memory_space<vmem>>, vector<1x16xi32>,
      %get3A_93 = vector.shape_cast %get3A_92 : vector<1x16xi32> to vector<16xi32>
      %sub3A_94 = vector.broadcast %mul3A_0 : i32 to vector<16xi32>
      %sub3A_95 = arith.subi %get3A_93, %sub3A_94 : vector<16xi32>
      %min3A_96 = arith.constant 5120 : i32
      %min3A_97 = vector.broadcast %min3A_96 : i32 to vector<16xi32>
      %min3A_98 = arith.minui %sub3A_95, %min3A_97 : vector<16xi32>
      %swap3A_99 = arith.constant 48 : index
      %swap3A_100 = tpu.vector_load %arg6[%swap3A_99] {strides = array<i32>} : memref<128xi32, #tpu.memory_space<vmem>>, vector<16xi32>,
      %swap3A_101 = vector.shape_cast %swap3A_100 : vector<16xi32> to vector<16xi32>
      %swap3A_102 = vector.shape_cast %min3A_98 : vector<16xi32> to vector<16xi32>
      tpu.vector_store %arg6[%swap3A_99], %swap3A_102 {strides = array<i32>} : memref<128xi32, #tpu.memory_space<vmem>>, vector<16xi32>,
      %get3A_103 = arith.index_cast %scan3A_49 : i32 to index
      %get3A_104 = arith.constant 64 : index
      %get3A_105 = tpu.vector_load %arg5[%get3A_103, %get3A_104] {strides = array<i32>} : memref<160x128xi32, #tpu.memory_space<vmem>>, vector<1x16xi32>,
      %get3A_106 = vector.shape_cast %get3A_105 : vector<1x16xi32> to vector<16xi32>
      %sub3A_107 = vector.broadcast %mul3A_0 : i32 to vector<16xi32>
      %sub3A_108 = arith.subi %get3A_106, %sub3A_107 : vector<16xi32>
      %min3A_109 = arith.constant 5120 : i32
      %min3A_110 = vector.broadcast %min3A_109 : i32 to vector<16xi32>
      %min3A_111 = arith.minui %sub3A_108, %min3A_110 : vector<16xi32>
      %swap3A_112 = arith.constant 64 : index
      %swap3A_113 = tpu.vector_load %arg6[%swap3A_112] {strides = array<i32>} : memref<128xi32, #tpu.memory_space<vmem>>, vector<16xi32>,
      %swap3A_114 = vector.shape_cast %swap3A_113 : vector<16xi32> to vector<16xi32>
      %swap3A_115 = vector.shape_cast %min3A_111 : vector<16xi32> to vector<16xi32>
      tpu.vector_store %arg6[%swap3A_112], %swap3A_115 {strides = array<i32>} : memref<128xi32, #tpu.memory_space<vmem>>, vector<16xi32>,
      %get3A_116 = arith.index_cast %scan3A_49 : i32 to index
      %get3A_117 = arith.constant 80 : index
      %get3A_118 = tpu.vector_load %arg5[%get3A_116, %get3A_117] {strides = array<i32>} : memref<160x128xi32, #tpu.memory_space<vmem>>, vector<1x16xi32>,
      %get3A_119 = vector.shape_cast %get3A_118 : vector<1x16xi32> to vector<16xi32>
      %sub3A_120 = vector.broadcast %mul3A_0 : i32 to vector<16xi32>
      %sub3A_121 = arith.subi %get3A_119, %sub3A_120 : vector<16xi32>
      %min3A_122 = arith.constant 5120 : i32
      %min3A_123 = vector.broadcast %min3A_122 : i32 to vector<16xi32>
      %min3A_124 = arith.minui %sub3A_121, %min3A_123 : vector<16xi32>
      %swap3A_125 = arith.constant 80 : index
      %swap3A_126 = tpu.vector_load %arg6[%swap3A_125] {strides = array<i32>} : memref<128xi32, #tpu.memory_space<vmem>>, vector<16xi32>,
      %swap3A_127 = vector.shape_cast %swap3A_126 : vector<16xi32> to vector<16xi32>
      %swap3A_128 = vector.shape_cast %min3A_124 : vector<16xi32> to vector<16xi32>
      tpu.vector_store %arg6[%swap3A_125], %swap3A_128 {strides = array<i32>} : memref<128xi32, #tpu.memory_space<vmem>>, vector<16xi32>,
      %get3A_129 = arith.index_cast %scan3A_49 : i32 to index
      %get3A_130 = arith.constant 96 : index
      %get3A_131 = tpu.vector_load %arg5[%get3A_129, %get3A_130] {strides = array<i32>} : memref<160x128xi32, #tpu.memory_space<vmem>>, vector<1x16xi32>,
      %get3A_132 = vector.shape_cast %get3A_131 : vector<1x16xi32> to vector<16xi32>
      %sub3A_133 = vector.broadcast %mul3A_0 : i32 to vector<16xi32>
      %sub3A_134 = arith.subi %get3A_132, %sub3A_133 : vector<16xi32>
      %min3A_135 = arith.constant 5120 : i32
      %min3A_136 = vector.broadcast %min3A_135 : i32 to vector<16xi32>
      %min3A_137 = arith.minui %sub3A_134, %min3A_136 : vector<16xi32>
      %swap3A_138 = arith.constant 96 : index
      %swap3A_139 = tpu.vector_load %arg6[%swap3A_138] {strides = array<i32>} : memref<128xi32, #tpu.memory_space<vmem>>, vector<16xi32>,
      %swap3A_140 = vector.shape_cast %swap3A_139 : vector<16xi32> to vector<16xi32>
      %swap3A_141 = vector.shape_cast %min3A_137 : vector<16xi32> to vector<16xi32>
      tpu.vector_store %arg6[%swap3A_138], %swap3A_141 {strides = array<i32>} : memref<128xi32, #tpu.memory_space<vmem>>, vector<16xi32>,
      %get3A_142 = arith.index_cast %scan3A_49 : i32 to index
      %get3A_143 = arith.constant 112 : index
      %get3A_144 = tpu.vector_load %arg5[%get3A_142, %get3A_143] {strides = array<i32>} : memref<160x128xi32, #tpu.memory_space<vmem>>, vector<1x16xi32>,
      %get3A_145 = vector.shape_cast %get3A_144 : vector<1x16xi32> to vector<16xi32>
      %sub3A_146 = vector.broadcast %mul3A_0 : i32 to vector<16xi32>
      %sub3A_147 = arith.subi %get3A_145, %sub3A_146 : vector<16xi32>
      %min3A_148 = arith.constant 5120 : i32
      %min3A_149 = vector.broadcast %min3A_148 : i32 to vector<16xi32>
      %min3A_150 = arith.minui %sub3A_147, %min3A_149 : vector<16xi32>
      %swap3A_151 = arith.constant 112 : index
      %swap3A_152 = tpu.vector_load %arg6[%swap3A_151] {strides = array<i32>} : memref<128xi32, #tpu.memory_space<vmem>>, vector<16xi32>,
      %swap3A_153 = vector.shape_cast %swap3A_152 : vector<16xi32> to vector<16xi32>
      %swap3A_154 = vector.shape_cast %min3A_150 : vector<16xi32> to vector<16xi32>
      tpu.vector_store %arg6[%swap3A_151], %swap3A_154 {strides = array<i32>} : memref<128xi32, #tpu.memory_space<vmem>>, vector<16xi32>,
      "tpu.region"() ({
        %run_scoped3A = tpu.sem_alloc : memref<!tpu.dma_semaphore, #tpu.memory_space<semaphore_mem>>
        %dma_start3A = arith.constant 0 : i32
        %dma_start3A_155 = arith.constant 0 : i32
        %dma_start3A_156 = tpu.memref_slice %arg9[%dma_start3A, %dma_start3A_155] : memref<5248x128xf32, #tpu.memory_space<vmem_shared>> -> memref<5248x128xf32, #tpu.memory_space<vmem_shared>>
        tpu.enqueue_indirect_dma source(%arg7 : memref<128x128xf32, #tpu.memory_space<vmem>>) target(%dma_start3A_156 : memref<5248x128xf32, #tpu.memory_space<vmem_shared>>) offsets(%arg6 : memref<128xi32, #tpu.memory_space<vmem>>) semaphore(%run_scoped3A : memref<!tpu.dma_semaphore, #tpu.memory_space<semaphore_mem>>) {add = true}
        %dma_wait3A = arith.constant 0 : i32
        %dma_wait3A_157 = arith.constant 0 : i32
        %dma_wait3A_158 = tpu.memref_slice %arg9[%dma_wait3A, %dma_wait3A_157] : memref<5248x128xf32, #tpu.memory_space<vmem_shared>> -> memref<5248x128xf32, #tpu.memory_space<vmem_shared>>
        tpu.wait_indirect_dma semaphore(%run_scoped3A : memref<!tpu.dma_semaphore, #tpu.memory_space<semaphore_mem>>) src(%arg7 : memref<128x128xf32, #tpu.memory_space<vmem>>) dst(%dma_wait3A_158 : memref<5248x128xf32, #tpu.memory_space<vmem_shared>>)
        tpu.yield
      }) : () -> ()
    }
    %scan3A_23 = arith.constant 160 : i32
    %barrier3A_24 = arith.constant 0 : index
    tpu.barrier barrier_id(%barrier3A_24)
    %mul3A_25 = arith.constant 328 : i32
    %mul3A_26 = arith.muli %arg1, %mul3A_25 : i32
    %add3A_27 = arith.constant 0 : i32
    %add3A_28 = arith.addi %mul3A_26, %add3A_27 : i32
    "tpu.region"() ({
      %run_scoped3A = tpu.sem_alloc : memref<!tpu.dma_semaphore, #tpu.memory_space<semaphore_mem>>
      %dma_start3A = arith.constant 0 : i32
      %dma_start3A_49 = arith.constant 0 : i32
      %dma_start3A_50 = tpu.memref_slice %arg7[%dma_start3A, %dma_start3A_49] : memref<128x128xf32, #tpu.memory_space<vmem>> -> memref<128x128xf32, #tpu.memory_space<vmem>>
      %dma_start3A_51 = arith.constant 0 : i32
      %dma_start3A_52 = tpu.memref_slice %arg9[%add3A_28, %dma_start3A_51] : memref<5248x128xf32, #tpu.memory_space<vmem_shared>> -> memref<128x128xf32, #tpu.memory_space<vmem_shared>>
      %dma_start3A_53 = arith.constant 0 : i32
      %dma_start3A_54 = arith.constant 0 : i32
      %dma_start3A_55 = tpu.memref_slice %arg7[%dma_start3A_53, %dma_start3A_54] : memref<128x128xf32, #tpu.memory_space<vmem>> -> memref<128x128xf32, #tpu.memory_space<vmem>>
      %dma_start3A_56 = arith.constant 0 : i32
      %dma_start3A_57 = tpu.memref_slice %arg9[%add3A_28, %dma_start3A_56] : memref<5248x128xf32, #tpu.memory_space<vmem_shared>> -> memref<128x128xf32, #tpu.memory_space<vmem_shared>>
      tpu.enqueue_dma source(%dma_start3A_57 : memref<128x128xf32, #tpu.memory_space<vmem_shared>>) target(%dma_start3A_55 : memref<128x128xf32, #tpu.memory_space<vmem>>) target_semaphore(%run_scoped3A : memref<!tpu.dma_semaphore, #tpu.memory_space<semaphore_mem>>)
      %dma_wait3A = arith.constant 0 : i32
      %dma_wait3A_58 = arith.constant 0 : i32
      %dma_wait3A_59 = tpu.memref_slice %arg7[%dma_wait3A, %dma_wait3A_58] : memref<128x128xf32, #tpu.memory_space<vmem>> -> memref<128x128xf32, #tpu.memory_space<vmem>>
      %dma_wait3A_60 = arith.constant 0 : i32
      %dma_wait3A_61 = tpu.memref_slice %arg9[%add3A_28, %dma_wait3A_60] : memref<5248x128xf32, #tpu.memory_space<vmem_shared>> -> memref<128x128xf32, #tpu.memory_space<vmem_shared>>
      %dma_wait3A_62 = arith.constant 0 : i32
      %dma_wait3A_63 = arith.constant 0 : i32
      %dma_wait3A_64 = tpu.memref_slice %arg7[%dma_wait3A_62, %dma_wait3A_63] : memref<128x128xf32, #tpu.memory_space<vmem>> -> memref<128x128xf32, #tpu.memory_space<vmem>>
      %dma_wait3A_65 = arith.constant 0 : i32
      %dma_wait3A_66 = tpu.memref_slice %arg9[%add3A_28, %dma_wait3A_65] : memref<5248x128xf32, #tpu.memory_space<vmem_shared>> -> memref<128x128xf32, #tpu.memory_space<vmem_shared>>
      tpu.wait_dma2 semaphore(%run_scoped3A : memref<!tpu.dma_semaphore, #tpu.memory_space<semaphore_mem>>) src(%dma_wait3A_66 : memref<128x128xf32, #tpu.memory_space<vmem_shared>>) dst(%dma_wait3A_64 : memref<128x128xf32, #tpu.memory_space<vmem>>)
      tpu.yield
    }) : () -> ()
    %mul3A_29 = arith.constant 328 : i32
    %mul3A_30 = arith.muli %arg1, %mul3A_29 : i32
    %add3A_31 = arith.constant 0 : i32
    %add3A_32 = arith.addi %mul3A_30, %add3A_31 : i32
    "tpu.region"() ({
      %run_scoped3A = tpu.sem_alloc : memref<!tpu.dma_semaphore, #tpu.memory_space<semaphore_mem>>
      %dma_start3A = arith.constant 0 : i32
      %dma_start3A_49 = arith.constant 0 : i32
      %dma_start3A_50 = tpu.memref_slice %arg7[%dma_start3A, %dma_start3A_49] : memref<128x128xf32, #tpu.memory_space<vmem>> -> memref<128x128xf32, #tpu.memory_space<vmem>>
      %dma_start3A_51 = arith.constant 0 : i32
      %dma_start3A_52 = tpu.memref_slice %arg4[%arg0, %add3A_32, %dma_start3A_51] : memref<2x5248x128xf32, #tpu.memory_space<hbm>> -> memref<1x128x128xf32, #tpu.memory_space<hbm>>
      %dma_start3A_53 = tpu.memref_squeeze %dma_start3A_52 : memref<1x128x128xf32, #tpu.memory_space<hbm>> -> memref<128x128xf32, #tpu.memory_space<hbm>>
      %dma_start3A_54 = arith.constant 0 : i32
      %dma_start3A_55 = tpu.memref_slice %arg4[%arg0, %add3A_32, %dma_start3A_54] : memref<2x5248x128xf32, #tpu.memory_space<hbm>> -> memref<1x128x128xf32, #tpu.memory_space<hbm>>
      %dma_start3A_56 = tpu.memref_squeeze %dma_start3A_55 : memref<1x128x128xf32, #tpu.memory_space<hbm>> -> memref<128x128xf32, #tpu.memory_space<hbm>>
      %dma_start3A_57 = arith.constant 0 : i32
      %dma_start3A_58 = arith.constant 0 : i32
      %dma_start3A_59 = tpu.memref_slice %arg7[%dma_start3A_57, %dma_start3A_58] : memref<128x128xf32, #tpu.memory_space<vmem>> -> memref<128x128xf32, #tpu.memory_space<vmem>>
      tpu.enqueue_dma source(%dma_start3A_59 : memref<128x128xf32, #tpu.memory_space<vmem>>) target(%dma_start3A_56 : memref<128x128xf32, #tpu.memory_space<hbm>>) target_semaphore(%run_scoped3A : memref<!tpu.dma_semaphore, #tpu.memory_space<semaphore_mem>>)
      %dma_wait3A = arith.constant 0 : i32
      %dma_wait3A_60 = arith.constant 0 : i32
      %dma_wait3A_61 = tpu.memref_slice %arg7[%dma_wait3A, %dma_wait3A_60] : memref<128x128xf32, #tpu.memory_space<vmem>> -> memref<128x128xf32, #tpu.memory_space<vmem>>
      %dma_wait3A_62 = arith.constant 0 : i32
      %dma_wait3A_63 = tpu.memref_slice %arg4[%arg0, %add3A_32, %dma_wait3A_62] : memref<2x5248x128xf32, #tpu.memory_space<hbm>> -> memref<1x128x128xf32, #tpu.memory_space<hbm>>
      %dma_wait3A_64 = tpu.memref_squeeze %dma_wait3A_63 : memref<1x128x128xf32, #tpu.memory_space<hbm>> -> memref<128x128xf32, #tpu.memory_space<hbm>>
      %dma_wait3A_65 = arith.constant 0 : i32
      %dma_wait3A_66 = tpu.memref_slice %arg4[%arg0, %add3A_32, %dma_wait3A_65] : memref<2x5248x128xf32, #tpu.memory_space<hbm>> -> memref<1x128x128xf32, #tpu.memory_space<hbm>>
      %dma_wait3A_67 = tpu.memref_squeeze %dma_wait3A_66 : memref<1x128x128xf32, #tpu.memory_space<hbm>> -> memref<128x128xf32, #tpu.memory_space<hbm>>
      %dma_wait3A_68 = arith.constant 0 : i32
      %dma_wait3A_69 = arith.constant 0 : i32
      %dma_wait3A_70 = tpu.memref_slice %arg7[%dma_wait3A_68, %dma_wait3A_69] : memref<128x128xf32, #tpu.memory_space<vmem>> -> memref<128x128xf32, #tpu.memory_space<vmem>>
      tpu.wait_dma2 semaphore(%run_scoped3A : memref<!tpu.dma_semaphore, #tpu.memory_space<semaphore_mem>>) src(%dma_wait3A_70 : memref<128x128xf32, #tpu.memory_space<vmem>>) dst(%dma_wait3A_67 : memref<128x128xf32, #tpu.memory_space<hbm>>)
      tpu.yield
    }) : () -> ()
    %mul3A_33 = arith.constant 328 : i32
    %mul3A_34 = arith.muli %arg1, %mul3A_33 : i32
    %add3A_35 = arith.constant 128 : i32
    %add3A_36 = arith.addi %mul3A_34, %add3A_35 : i32
    "tpu.region"() ({
      %run_scoped3A = tpu.sem_alloc : memref<!tpu.dma_semaphore, #tpu.memory_space<semaphore_mem>>
      %dma_start3A = arith.constant 0 : i32
      %dma_start3A_49 = arith.constant 0 : i32
      %dma_start3A_50 = tpu.memref_slice %arg7[%dma_start3A, %dma_start3A_49] : memref<128x128xf32, #tpu.memory_space<vmem>> -> memref<128x128xf32, #tpu.memory_space<vmem>>
      %dma_start3A_51 = arith.constant 0 : i32
      %dma_start3A_52 = tpu.memref_slice %arg9[%add3A_36, %dma_start3A_51] : memref<5248x128xf32, #tpu.memory_space<vmem_shared>> -> memref<128x128xf32, #tpu.memory_space<vmem_shared>>
      %dma_start3A_53 = arith.constant 0 : i32
      %dma_start3A_54 = arith.constant 0 : i32
      %dma_start3A_55 = tpu.memref_slice %arg7[%dma_start3A_53, %dma_start3A_54] : memref<128x128xf32, #tpu.memory_space<vmem>> -> memref<128x128xf32, #tpu.memory_space<vmem>>
      %dma_start3A_56 = arith.constant 0 : i32
      %dma_start3A_57 = tpu.memref_slice %arg9[%add3A_36, %dma_start3A_56] : memref<5248x128xf32, #tpu.memory_space<vmem_shared>> -> memref<128x128xf32, #tpu.memory_space<vmem_shared>>
      tpu.enqueue_dma source(%dma_start3A_57 : memref<128x128xf32, #tpu.memory_space<vmem_shared>>) target(%dma_start3A_55 : memref<128x128xf32, #tpu.memory_space<vmem>>) target_semaphore(%run_scoped3A : memref<!tpu.dma_semaphore, #tpu.memory_space<semaphore_mem>>)
      %dma_wait3A = arith.constant 0 : i32
      %dma_wait3A_58 = arith.constant 0 : i32
      %dma_wait3A_59 = tpu.memref_slice %arg7[%dma_wait3A, %dma_wait3A_58] : memref<128x128xf32, #tpu.memory_space<vmem>> -> memref<128x128xf32, #tpu.memory_space<vmem>>
      %dma_wait3A_60 = arith.constant 0 : i32
      %dma_wait3A_61 = tpu.memref_slice %arg9[%add3A_36, %dma_wait3A_60] : memref<5248x128xf32, #tpu.memory_space<vmem_shared>> -> memref<128x128xf32, #tpu.memory_space<vmem_shared>>
      %dma_wait3A_62 = arith.constant 0 : i32
      %dma_wait3A_63 = arith.constant 0 : i32
      %dma_wait3A_64 = tpu.memref_slice %arg7[%dma_wait3A_62, %dma_wait3A_63] : memref<128x128xf32, #tpu.memory_space<vmem>> -> memref<128x128xf32, #tpu.memory_space<vmem>>
      %dma_wait3A_65 = arith.constant 0 : i32
      %dma_wait3A_66 = tpu.memref_slice %arg9[%add3A_36, %dma_wait3A_65] : memref<5248x128xf32, #tpu.memory_space<vmem_shared>> -> memref<128x128xf32, #tpu.memory_space<vmem_shared>>
      tpu.wait_dma2 semaphore(%run_scoped3A : memref<!tpu.dma_semaphore, #tpu.memory_space<semaphore_mem>>) src(%dma_wait3A_66 : memref<128x128xf32, #tpu.memory_space<vmem_shared>>) dst(%dma_wait3A_64 : memref<128x128xf32, #tpu.memory_space<vmem>>)
      tpu.yield
    }) : () -> ()
    %mul3A_37 = arith.constant 328 : i32
    %mul3A_38 = arith.muli %arg1, %mul3A_37 : i32
    %add3A_39 = arith.constant 128 : i32
    %add3A_40 = arith.addi %mul3A_38, %add3A_39 : i32
    "tpu.region"() ({
      %run_scoped3A = tpu.sem_alloc : memref<!tpu.dma_semaphore, #tpu.memory_space<semaphore_mem>>
      %dma_start3A = arith.constant 0 : i32
      %dma_start3A_49 = arith.constant 0 : i32
      %dma_start3A_50 = tpu.memref_slice %arg7[%dma_start3A, %dma_start3A_49] : memref<128x128xf32, #tpu.memory_space<vmem>> -> memref<128x128xf32, #tpu.memory_space<vmem>>
      %dma_start3A_51 = arith.constant 0 : i32
      %dma_start3A_52 = tpu.memref_slice %arg4[%arg0, %add3A_40, %dma_start3A_51] : memref<2x5248x128xf32, #tpu.memory_space<hbm>> -> memref<1x128x128xf32, #tpu.memory_space<hbm>>
      %dma_start3A_53 = tpu.memref_squeeze %dma_start3A_52 : memref<1x128x128xf32, #tpu.memory_space<hbm>> -> memref<128x128xf32, #tpu.memory_space<hbm>>
      %dma_start3A_54 = arith.constant 0 : i32
      %dma_start3A_55 = tpu.memref_slice %arg4[%arg0, %add3A_40, %dma_start3A_54] : memref<2x5248x128xf32, #tpu.memory_space<hbm>> -> memref<1x128x128xf32, #tpu.memory_space<hbm>>
      %dma_start3A_56 = tpu.memref_squeeze %dma_start3A_55 : memref<1x128x128xf32, #tpu.memory_space<hbm>> -> memref<128x128xf32, #tpu.memory_space<hbm>>
      %dma_start3A_57 = arith.constant 0 : i32
      %dma_start3A_58 = arith.constant 0 : i32
      %dma_start3A_59 = tpu.memref_slice %arg7[%dma_start3A_57, %dma_start3A_58] : memref<128x128xf32, #tpu.memory_space<vmem>> -> memref<128x128xf32, #tpu.memory_space<vmem>>
      tpu.enqueue_dma source(%dma_start3A_59 : memref<128x128xf32, #tpu.memory_space<vmem>>) target(%dma_start3A_56 : memref<128x128xf32, #tpu.memory_space<hbm>>) target_semaphore(%run_scoped3A : memref<!tpu.dma_semaphore, #tpu.memory_space<semaphore_mem>>)
      %dma_wait3A = arith.constant 0 : i32
      %dma_wait3A_60 = arith.constant 0 : i32
      %dma_wait3A_61 = tpu.memref_slice %arg7[%dma_wait3A, %dma_wait3A_60] : memref<128x128xf32, #tpu.memory_space<vmem>> -> memref<128x128xf32, #tpu.memory_space<vmem>>
      %dma_wait3A_62 = arith.constant 0 : i32
      %dma_wait3A_63 = tpu.memref_slice %arg4[%arg0, %add3A_40, %dma_wait3A_62] : memref<2x5248x128xf32, #tpu.memory_space<hbm>> -> memref<1x128x128xf32, #tpu.memory_space<hbm>>
      %dma_wait3A_64 = tpu.memref_squeeze %dma_wait3A_63 : memref<1x128x128xf32, #tpu.memory_space<hbm>> -> memref<128x128xf32, #tpu.memory_space<hbm>>
      %dma_wait3A_65 = arith.constant 0 : i32
      %dma_wait3A_66 = tpu.memref_slice %arg4[%arg0, %add3A_40, %dma_wait3A_65] : memref<2x5248x128xf32, #tpu.memory_space<hbm>> -> memref<1x128x128xf32, #tpu.memory_space<hbm>>
      %dma_wait3A_67 = tpu.memref_squeeze %dma_wait3A_66 : memref<1x128x128xf32, #tpu.memory_space<hbm>> -> memref<128x128xf32, #tpu.memory_space<hbm>>
      %dma_wait3A_68 = arith.constant 0 : i32
      %dma_wait3A_69 = arith.constant 0 : i32
      %dma_wait3A_70 = tpu.memref_slice %arg7[%dma_wait3A_68, %dma_wait3A_69] : memref<128x128xf32, #tpu.memory_space<vmem>> -> memref<128x128xf32, #tpu.memory_space<vmem>>
      tpu.wait_dma2 semaphore(%run_scoped3A : memref<!tpu.dma_semaphore, #tpu.memory_space<semaphore_mem>>) src(%dma_wait3A_70 : memref<128x128xf32, #tpu.memory_space<vmem>>) dst(%dma_wait3A_67 : memref<128x128xf32, #tpu.memory_space<hbm>>)
      tpu.yield
    }) : () -> ()
    %mul3A_41 = arith.constant 328 : i32
    %mul3A_42 = arith.muli %arg1, %mul3A_41 : i32
    %add3A_43 = arith.constant 256 : i32
    %add3A_44 = arith.addi %mul3A_42, %add3A_43 : i32
    "tpu.region"() ({
      %run_scoped3A = tpu.sem_alloc : memref<!tpu.dma_semaphore, #tpu.memory_space<semaphore_mem>>
      %dma_start3A = arith.constant 0 : i32
      %dma_start3A_49 = arith.constant 0 : i32
      %dma_start3A_50 = tpu.memref_slice %arg7[%dma_start3A, %dma_start3A_49] : memref<128x128xf32, #tpu.memory_space<vmem>> -> memref<72x128xf32, #tpu.memory_space<vmem>>
      %dma_start3A_51 = arith.constant 0 : i32
      %dma_start3A_52 = tpu.memref_slice %arg9[%add3A_44, %dma_start3A_51] : memref<5248x128xf32, #tpu.memory_space<vmem_shared>> -> memref<72x128xf32, #tpu.memory_space<vmem_shared>>
      %dma_start3A_53 = arith.constant 0 : i32
      %dma_start3A_54 = arith.constant 0 : i32
      %dma_start3A_55 = tpu.memref_slice %arg7[%dma_start3A_53, %dma_start3A_54] : memref<128x128xf32, #tpu.memory_space<vmem>> -> memref<72x128xf32, #tpu.memory_space<vmem>>
      %dma_start3A_56 = arith.constant 0 : i32
      %dma_start3A_57 = tpu.memref_slice %arg9[%add3A_44, %dma_start3A_56] : memref<5248x128xf32, #tpu.memory_space<vmem_shared>> -> memref<72x128xf32, #tpu.memory_space<vmem_shared>>
      tpu.enqueue_dma source(%dma_start3A_57 : memref<72x128xf32, #tpu.memory_space<vmem_shared>>) target(%dma_start3A_55 : memref<72x128xf32, #tpu.memory_space<vmem>>) target_semaphore(%run_scoped3A : memref<!tpu.dma_semaphore, #tpu.memory_space<semaphore_mem>>)
      %dma_wait3A = arith.constant 0 : i32
      %dma_wait3A_58 = arith.constant 0 : i32
      %dma_wait3A_59 = tpu.memref_slice %arg7[%dma_wait3A, %dma_wait3A_58] : memref<128x128xf32, #tpu.memory_space<vmem>> -> memref<72x128xf32, #tpu.memory_space<vmem>>
      %dma_wait3A_60 = arith.constant 0 : i32
      %dma_wait3A_61 = tpu.memref_slice %arg9[%add3A_44, %dma_wait3A_60] : memref<5248x128xf32, #tpu.memory_space<vmem_shared>> -> memref<72x128xf32, #tpu.memory_space<vmem_shared>>
      %dma_wait3A_62 = arith.constant 0 : i32
      %dma_wait3A_63 = arith.constant 0 : i32
      %dma_wait3A_64 = tpu.memref_slice %arg7[%dma_wait3A_62, %dma_wait3A_63] : memref<128x128xf32, #tpu.memory_space<vmem>> -> memref<72x128xf32, #tpu.memory_space<vmem>>
      %dma_wait3A_65 = arith.constant 0 : i32
      %dma_wait3A_66 = tpu.memref_slice %arg9[%add3A_44, %dma_wait3A_65] : memref<5248x128xf32, #tpu.memory_space<vmem_shared>> -> memref<72x128xf32, #tpu.memory_space<vmem_shared>>
      tpu.wait_dma2 semaphore(%run_scoped3A : memref<!tpu.dma_semaphore, #tpu.memory_space<semaphore_mem>>) src(%dma_wait3A_66 : memref<72x128xf32, #tpu.memory_space<vmem_shared>>) dst(%dma_wait3A_64 : memref<72x128xf32, #tpu.memory_space<vmem>>)
      tpu.yield
    }) : () -> ()
    %mul3A_45 = arith.constant 328 : i32
    %mul3A_46 = arith.muli %arg1, %mul3A_45 : i32
    %add3A_47 = arith.constant 256 : i32
    %add3A_48 = arith.addi %mul3A_46, %add3A_47 : i32
    "tpu.region"() ({
      %run_scoped3A = tpu.sem_alloc : memref<!tpu.dma_semaphore, #tpu.memory_space<semaphore_mem>>
      %dma_start3A = arith.constant 0 : i32
      %dma_start3A_49 = arith.constant 0 : i32
      %dma_start3A_50 = tpu.memref_slice %arg7[%dma_start3A, %dma_start3A_49] : memref<128x128xf32, #tpu.memory_space<vmem>> -> memref<72x128xf32, #tpu.memory_space<vmem>>
      %dma_start3A_51 = arith.constant 0 : i32
      %dma_start3A_52 = tpu.memref_slice %arg4[%arg0, %add3A_48, %dma_start3A_51] : memref<2x5248x128xf32, #tpu.memory_space<hbm>> -> memref<1x72x128xf32, #tpu.memory_space<hbm>>
      %dma_start3A_53 = tpu.memref_squeeze %dma_start3A_52 : memref<1x72x128xf32, #tpu.memory_space<hbm>> -> memref<72x128xf32, #tpu.memory_space<hbm>>
      %dma_start3A_54 = arith.constant 0 : i32
      %dma_start3A_55 = tpu.memref_slice %arg4[%arg0, %add3A_48, %dma_start3A_54] : memref<2x5248x128xf32, #tpu.memory_space<hbm>> -> memref<1x72x128xf32, #tpu.memory_space<hbm>>
      %dma_start3A_56 = tpu.memref_squeeze %dma_start3A_55 : memref<1x72x128xf32, #tpu.memory_space<hbm>> -> memref<72x128xf32, #tpu.memory_space<hbm>>
      %dma_start3A_57 = arith.constant 0 : i32
      %dma_start3A_58 = arith.constant 0 : i32
      %dma_start3A_59 = tpu.memref_slice %arg7[%dma_start3A_57, %dma_start3A_58] : memref<128x128xf32, #tpu.memory_space<vmem>> -> memref<72x128xf32, #tpu.memory_space<vmem>>
      tpu.enqueue_dma source(%dma_start3A_59 : memref<72x128xf32, #tpu.memory_space<vmem>>) target(%dma_start3A_56 : memref<72x128xf32, #tpu.memory_space<hbm>>) target_semaphore(%run_scoped3A : memref<!tpu.dma_semaphore, #tpu.memory_space<semaphore_mem>>)
      %dma_wait3A = arith.constant 0 : i32
      %dma_wait3A_60 = arith.constant 0 : i32
      %dma_wait3A_61 = tpu.memref_slice %arg7[%dma_wait3A, %dma_wait3A_60] : memref<128x128xf32, #tpu.memory_space<vmem>> -> memref<72x128xf32, #tpu.memory_space<vmem>>
      %dma_wait3A_62 = arith.constant 0 : i32
      %dma_wait3A_63 = tpu.memref_slice %arg4[%arg0, %add3A_48, %dma_wait3A_62] : memref<2x5248x128xf32, #tpu.memory_space<hbm>> -> memref<1x72x128xf32, #tpu.memory_space<hbm>>
      %dma_wait3A_64 = tpu.memref_squeeze %dma_wait3A_63 : memref<1x72x128xf32, #tpu.memory_space<hbm>> -> memref<72x128xf32, #tpu.memory_space<hbm>>
      %dma_wait3A_65 = arith.constant 0 : i32
      %dma_wait3A_66 = tpu.memref_slice %arg4[%arg0, %add3A_48, %dma_wait3A_65] : memref<2x5248x128xf32, #tpu.memory_space<hbm>> -> memref<1x72x128xf32, #tpu.memory_space<hbm>>
      %dma_wait3A_67 = tpu.memref_squeeze %dma_wait3A_66 : memref<1x72x128xf32, #tpu.memory_space<hbm>> -> memref<72x128xf32, #tpu.memory_space<hbm>>
      %dma_wait3A_68 = arith.constant 0 : i32
      %dma_wait3A_69 = arith.constant 0 : i32
      %dma_wait3A_70 = tpu.memref_slice %arg7[%dma_wait3A_68, %dma_wait3A_69] : memref<128x128xf32, #tpu.memory_space<vmem>> -> memref<72x128xf32, #tpu.memory_space<vmem>>
      tpu.wait_dma2 semaphore(%run_scoped3A : memref<!tpu.dma_semaphore, #tpu.memory_space<semaphore_mem>>) src(%dma_wait3A_70 : memref<72x128xf32, #tpu.memory_space<vmem>>) dst(%dma_wait3A_67 : memref<72x128xf32, #tpu.memory_space<hbm>>)
      tpu.yield
    }) : () -> ()
    return
  }
}

module attributes {stable_mosaic.version = 14 : i64} {
  func.func @_proj_body(%arg0: i32, %arg1: memref<2048x128xf32, #tpu.memory_space<vmem>>, %arg2: memref<128x128xf32, #tpu.memory_space<vmem>>, %arg3: memref<128x128xf32, #tpu.memory_space<vmem>>, %arg4: memref<128x6xf32, #tpu.memory_space<vmem>>, %arg5: memref<6x128xf32, #tpu.memory_space<vmem>>, %arg6: memref<1x128xf32, #tpu.memory_space<vmem>>, %arg7: memref<2048x128xf32, #tpu.memory_space<vmem>>, %arg8: memref<2048x128xf32, #tpu.memory_space<vmem>>, %arg9: memref<128x128xf32, #tpu.memory_space<vmem>>) attributes {dimension_semantics = [#tpu.dimension_semantics<arbitrary>], iteration_bounds = array<i64: 5>, scalar_prefetch = 0 : i64, scratch_operands = 0 : i64, tpu.core_type = #tpu.core_type<tc>, window_params = [{transform_indices = @transform_0, window_bounds = array<i64: 2048, 128>}, {pipeline_mode = #tpu.pipeline_mode<synchronous>, transform_indices = @transform_1, window_bounds = array<i64: 128, 128>}, {pipeline_mode = #tpu.pipeline_mode<synchronous>, transform_indices = @transform_2, window_bounds = array<i64: 128, 128>}, {pipeline_mode = #tpu.pipeline_mode<synchronous>, transform_indices = @transform_3, window_bounds = array<i64: 128, 6>}, {pipeline_mode = #tpu.pipeline_mode<synchronous>, transform_indices = @transform_4, window_bounds = array<i64: 6, 128>}, {pipeline_mode = #tpu.pipeline_mode<synchronous>, transform_indices = @transform_5, window_bounds = array<i64: 1, 128>}, {transform_indices = @transform_6, window_bounds = array<i64: 2048, 128>}, {transform_indices = @transform_7, window_bounds = array<i64: 2048, 128>}, {pipeline_mode = #tpu.pipeline_mode<synchronous>, transform_indices = @transform_8, window_bounds = array<i64: 128, 128>}]} {
    %get3A = arith.constant 0 : index
    %get3A_0 = arith.constant 0 : index
    %get3A_1 = vector.load %arg1[%get3A, %get3A_0] : memref<2048x128xf32, #tpu.memory_space<vmem>>, vector<2048x128xf32>
    %get3A_2 = arith.constant 0 : index
    %get3A_3 = arith.constant 0 : index
    %get3A_4 = vector.load %arg2[%get3A_2, %get3A_3] : memref<128x128xf32, #tpu.memory_space<vmem>>, vector<128x128xf32>
    %dot_general3A = arith.constant dense<0.000000e+00> : vector<2048x128xf32>
    %dot_general3A_5 = tpu.matmul %get3A_1, %get3A_4, %dot_general3A {dimension_numbers = #tpu.dot_dimension_numbers<[1], [0], [0], [1], [0, 0, 1, 1], [], []>, transpose_lhs_hint = false} : vector<2048x128xf32>, vector<128x128xf32>, vector<2048x128xf32> -> vector<2048x128xf32>
    %swap3A = arith.constant 0 : index
    %swap3A_6 = arith.constant 0 : index
    %swap3A_7 = vector.load %arg7[%swap3A, %swap3A_6] : memref<2048x128xf32, #tpu.memory_space<vmem>>, vector<2048x128xf32>
    tpu.vector_store %arg7[%swap3A, %swap3A_6], %dot_general3A_5 {strides = array<i32>} : memref<2048x128xf32, #tpu.memory_space<vmem>>, vector<2048x128xf32>,
    %get3A_8 = arith.constant 0 : index
    %get3A_9 = arith.constant 0 : index
    %get3A_10 = vector.load %arg3[%get3A_8, %get3A_9] : memref<128x128xf32, #tpu.memory_space<vmem>>, vector<128x128xf32>
    %dot_general3A_11 = arith.constant dense<0.000000e+00> : vector<2048x128xf32>
    %dot_general3A_12 = tpu.matmul %get3A_1, %get3A_10, %dot_general3A_11 {dimension_numbers = #tpu.dot_dimension_numbers<[1], [0], [0], [1], [0, 0, 1, 1], [], []>, transpose_lhs_hint = false} : vector<2048x128xf32>, vector<128x128xf32>, vector<2048x128xf32> -> vector<2048x128xf32>
    %swap3A_13 = arith.constant 0 : index
    %swap3A_14 = arith.constant 0 : index
    %swap3A_15 = vector.load %arg8[%swap3A_13, %swap3A_14] : memref<2048x128xf32, #tpu.memory_space<vmem>>, vector<2048x128xf32>
    tpu.vector_store %arg8[%swap3A_13, %swap3A_14], %dot_general3A_12 {strides = array<i32>} : memref<2048x128xf32, #tpu.memory_space<vmem>>, vector<2048x128xf32>,
    %get3A_16 = arith.constant 0 : index
    %get3A_17 = arith.constant 0 : index
    %get3A_18 = vector.load %arg4[%get3A_16, %get3A_17] : memref<128x6xf32, #tpu.memory_space<vmem>>, vector<128x6xf32>
    %get3A_19 = arith.constant 0 : index
    %get3A_20 = arith.constant 0 : index
    %get3A_21 = vector.load %arg5[%get3A_19, %get3A_20] : memref<6x128xf32, #tpu.memory_space<vmem>>, vector<6x128xf32>
    %dot_general3A_22 = arith.constant dense<0.000000e+00> : vector<128x128xf32>
    %dot_general3A_23 = tpu.matmul %get3A_18, %get3A_21, %dot_general3A_22 {dimension_numbers = #tpu.dot_dimension_numbers<[1], [0], [0], [1], [0, 0, 1, 1], [], []>, transpose_lhs_hint = false} : vector<128x6xf32>, vector<6x128xf32>, vector<128x128xf32> -> vector<128x128xf32>
    %get3A_24 = arith.constant 0 : index
    %get3A_25 = arith.constant 0 : index
    %get3A_26 = vector.load %arg6[%get3A_24, %get3A_25] : memref<1x128xf32, #tpu.memory_space<vmem>>, vector<1x128xf32>
    %add3A = vector.broadcast %get3A_26 : vector<1x128xf32> to vector<128x128xf32>
    %add3A_27 = arith.addf %dot_general3A_23, %add3A : vector<128x128xf32>
    %swap3A_28 = arith.constant 0 : index
    %swap3A_29 = arith.constant 0 : index
    %swap3A_30 = vector.load %arg9[%swap3A_28, %swap3A_29] : memref<128x128xf32, #tpu.memory_space<vmem>>, vector<128x128xf32>
    tpu.vector_store %arg9[%swap3A_28, %swap3A_29], %add3A_27 {strides = array<i32>} : memref<128x128xf32, #tpu.memory_space<vmem>>, vector<128x128xf32>,
    return
  }
  func.func @transform_0(%arg0: i32) -> (i32, i32) {
    %c0_i32 = arith.constant 0 : i32
    %c0_i32_0 = arith.constant 0 : i32
    return %arg0, %c0_i32 : i32, i32
  }
  func.func @transform_1(%arg0: i32) -> (i32, i32) {
    %c0_i32 = arith.constant 0 : i32
    %c0_i32_0 = arith.constant 0 : i32
    %c0_i32_1 = arith.constant 0 : i32
    return %c0_i32, %c0_i32_0 : i32, i32
  }
  func.func @transform_2(%arg0: i32) -> (i32, i32) {
    %c0_i32 = arith.constant 0 : i32
    %c0_i32_0 = arith.constant 0 : i32
    %c0_i32_1 = arith.constant 0 : i32
    return %c0_i32, %c0_i32_0 : i32, i32
  }
  func.func @transform_3(%arg0: i32) -> (i32, i32) {
    %c0_i32 = arith.constant 0 : i32
    %c0_i32_0 = arith.constant 0 : i32
    %c0_i32_1 = arith.constant 0 : i32
    return %c0_i32, %c0_i32_0 : i32, i32
  }
  func.func @transform_4(%arg0: i32) -> (i32, i32) {
    %c0_i32 = arith.constant 0 : i32
    %c0_i32_0 = arith.constant 0 : i32
    %c0_i32_1 = arith.constant 0 : i32
    return %c0_i32, %c0_i32_0 : i32, i32
  }
  func.func @transform_5(%arg0: i32) -> (i32, i32) {
    %c0_i32 = arith.constant 0 : i32
    %c0_i32_0 = arith.constant 0 : i32
    %c0_i32_1 = arith.constant 0 : i32
    return %c0_i32, %c0_i32_0 : i32, i32
  }
  func.func @transform_6(%arg0: i32) -> (i32, i32) {
    %c0_i32 = arith.constant 0 : i32
    %c0_i32_0 = arith.constant 0 : i32
    return %arg0, %c0_i32 : i32, i32
  }
  func.func @transform_7(%arg0: i32) -> (i32, i32) {
    %c0_i32 = arith.constant 0 : i32
    %c0_i32_0 = arith.constant 0 : i32
    return %arg0, %c0_i32 : i32, i32
  }
  func.func @transform_8(%arg0: i32) -> (i32, i32) {
    %c0_i32 = arith.constant 0 : i32
    %c0_i32_0 = arith.constant 0 : i32
    %c0_i32_1 = arith.constant 0 : i32
    return %c0_i32, %c0_i32_0 : i32, i32
  }
}

module attributes {stable_mosaic.version = 14 : i64} {
  func.func @_edge_mlp_body(%arg0: i32, %arg1: memref<1024x128xf32, #tpu.memory_space<vmem>>, %arg2: memref<1024x1xi32, #tpu.memory_space<vmem>>, %arg3: memref<1024x8xf32, #tpu.memory_space<vmem>>, %arg4: memref<1024x1xi32, #tpu.memory_space<vmem>>, %arg5: memref<128x128xf32, #tpu.memory_space<vmem>>, %arg6: memref<8x128xf32, #tpu.memory_space<vmem>>, %arg7: memref<128x128xf32, #tpu.memory_space<vmem>>, %arg8: memref<1x128xf32, #tpu.memory_space<vmem>>, %arg9: memref<1024x128xf32, #tpu.memory_space<vmem>>, %arg10: memref<80x128xf32, #tpu.memory_space<vmem>>) attributes {dimension_semantics = [#tpu.dimension_semantics<arbitrary>], iteration_bounds = array<i64: 320>, scalar_prefetch = 0 : i64, scratch_operands = 0 : i64, tpu.core_type = #tpu.core_type<tc>, window_params = [{transform_indices = @transform_0, window_bounds = array<i64: 1024, 128>}, {transform_indices = @transform_1, window_bounds = array<i64: 1024, 1>}, {transform_indices = @transform_2, window_bounds = array<i64: 1024, 8>}, {transform_indices = @transform_3, window_bounds = array<i64: 1024, 1>}, {pipeline_mode = #tpu.pipeline_mode<synchronous>, transform_indices = @transform_4, window_bounds = array<i64: 128, 128>}, {pipeline_mode = #tpu.pipeline_mode<synchronous>, transform_indices = @transform_5, window_bounds = array<i64: 8, 128>}, {pipeline_mode = #tpu.pipeline_mode<synchronous>, transform_indices = @transform_6, window_bounds = array<i64: 128, 128>}, {pipeline_mode = #tpu.pipeline_mode<synchronous>, transform_indices = @transform_7, window_bounds = array<i64: 1, 128>}, {transform_indices = @transform_8, window_bounds = array<i64: 1024, 128>}, {pipeline_mode = #tpu.pipeline_mode<synchronous>, transform_indices = @transform_9, window_bounds = array<i64: 80, 128>}]} {
    %get3A = arith.constant 0 : index
    %get3A_0 = arith.constant 0 : index
    %get3A_1 = vector.load %arg2[%get3A, %get3A_0] : memref<1024x1xi32, #tpu.memory_space<vmem>>, vector<1024x1xi32>
    %iota3A = tpu.iota {dimensions = array<i32: 1>} : vector<1x128xi32>
    %eq3A = vector.broadcast %get3A_1 : vector<1024x1xi32> to vector<1024x128xi32>
    %eq3A_2 = vector.broadcast %iota3A : vector<1x128xi32> to vector<1024x128xi32>
    %eq3A_3 = arith.cmpi eq, %eq3A, %eq3A_2 : vector<1024x128xi32>
    %convert_element_type3A = arith.extui %eq3A_3 : vector<1024x128xi1> to vector<1024x128xi32>
    %convert_element_type3A_4 = arith.sitofp %convert_element_type3A : vector<1024x128xi32> to vector<1024x128xf32>
    %get3A_5 = arith.constant 0 : index
    %get3A_6 = arith.constant 0 : index
    %get3A_7 = vector.load %arg4[%get3A_5, %get3A_6] : memref<1024x1xi32, #tpu.memory_space<vmem>>, vector<1024x1xi32>
    %shift_right_logical3A = arith.constant 7 : i32
    %shift_right_logical3A_8 = vector.broadcast %shift_right_logical3A : i32 to vector<1024x1xi32>
    %shift_right_logical3A_9 = arith.shrui %get3A_7, %shift_right_logical3A_8 : vector<1024x1xi32>
    %iota3A_10 = tpu.iota {dimensions = array<i32: 1>} : vector<1x80xi32>
    %eq3A_11 = vector.broadcast %shift_right_logical3A_9 : vector<1024x1xi32> to vector<1024x80xi32>
    %eq3A_12 = vector.broadcast %iota3A_10 : vector<1x80xi32> to vector<1024x80xi32>
    %eq3A_13 = arith.cmpi eq, %eq3A_11, %eq3A_12 : vector<1024x80xi32>
    %convert_element_type3A_14 = arith.extui %eq3A_13 : vector<1024x80xi1> to vector<1024x80xi32>
    %convert_element_type3A_15 = arith.sitofp %convert_element_type3A_14 : vector<1024x80xi32> to vector<1024x80xf32>
    %and3A = arith.constant 127 : i32
    %and3A_16 = vector.broadcast %and3A : i32 to vector<1024x1xi32>
    %and3A_17 = arith.andi %get3A_7, %and3A_16 : vector<1024x1xi32>
    %iota3A_18 = tpu.iota {dimensions = array<i32: 1>} : vector<1x128xi32>
    %eq3A_19 = vector.broadcast %and3A_17 : vector<1024x1xi32> to vector<1024x128xi32>
    %eq3A_20 = vector.broadcast %iota3A_18 : vector<1x128xi32> to vector<1024x128xi32>
    %eq3A_21 = arith.cmpi eq, %eq3A_19, %eq3A_20 : vector<1024x128xi32>
    %convert_element_type3A_22 = arith.extui %eq3A_21 : vector<1024x128xi1> to vector<1024x128xi32>
    %convert_element_type3A_23 = arith.sitofp %convert_element_type3A_22 : vector<1024x128xi32> to vector<1024x128xf32>
    %dot_general3A = arith.constant dense<0.000000e+00> : vector<80x128xf32>
    %dot_general3A_24 = tpu.matmul %convert_element_type3A_15, %convert_element_type3A_23, %dot_general3A {dimension_numbers = #tpu.dot_dimension_numbers<[0], [0], [1], [1], [0, 1, 1, 1], [], []>, transpose_lhs_hint = false} : vector<1024x80xf32>, vector<1024x128xf32>, vector<80x128xf32> -> vector<80x128xf32>
    %eq3A_25 = arith.constant 0 : i32
    %eq3A_26 = arith.cmpi eq, %arg0, %eq3A_25 : i32
    %convert_element_type3A_27 = arith.extui %eq3A_26 : i1 to i32
    %cond3A = arith.constant 0 : i32
    %cond3A_28 = arith.cmpi ne, %convert_element_type3A_27, %cond3A : i32
    scf.if %cond3A_28 {
      %broadcast_in_dim3A = arith.constant 0.000000e+00 : f32
      %broadcast_in_dim3A_77 = vector.broadcast %broadcast_in_dim3A : f32 to vector<80x128xf32>
      %swap3A_78 = arith.constant 0 : index
      %swap3A_79 = arith.constant 0 : index
      %swap3A_80 = vector.load %arg10[%swap3A_78, %swap3A_79] : memref<80x128xf32, #tpu.memory_space<vmem>>, vector<80x128xf32>
      tpu.vector_store %arg10[%swap3A_78, %swap3A_79], %broadcast_in_dim3A_77 {strides = array<i32>} : memref<80x128xf32, #tpu.memory_space<vmem>>, vector<80x128xf32>,
    } else {
    }
    %get3A_29 = arith.constant 0 : index
    %get3A_30 = arith.constant 0 : index
    %get3A_31 = vector.load %arg10[%get3A_29, %get3A_30] : memref<80x128xf32, #tpu.memory_space<vmem>>, vector<80x128xf32>
    %add3A = arith.addf %get3A_31, %dot_general3A_24 : vector<80x128xf32>
    %swap3A = arith.constant 0 : index
    %swap3A_32 = arith.constant 0 : index
    %swap3A_33 = vector.load %arg10[%swap3A, %swap3A_32] : memref<80x128xf32, #tpu.memory_space<vmem>>, vector<80x128xf32>
    tpu.vector_store %arg10[%swap3A, %swap3A_32], %add3A {strides = array<i32>} : memref<80x128xf32, #tpu.memory_space<vmem>>, vector<80x128xf32>,
    %get3A_34 = arith.constant 0 : index
    %get3A_35 = arith.constant 0 : index
    %get3A_36 = vector.load %arg1[%get3A_34, %get3A_35] : memref<1024x128xf32, #tpu.memory_space<vmem>>, vector<1024x128xf32>
    %get3A_37 = arith.constant 0 : index
    %get3A_38 = arith.constant 0 : index
    %get3A_39 = vector.load %arg5[%get3A_37, %get3A_38] : memref<128x128xf32, #tpu.memory_space<vmem>>, vector<128x128xf32>
    %dot_general3A_40 = arith.constant dense<0.000000e+00> : vector<1024x128xf32>
    %dot_general3A_41 = tpu.matmul %convert_element_type3A_4, %get3A_39, %dot_general3A_40 {dimension_numbers = #tpu.dot_dimension_numbers<[1], [0], [0], [1], [0, 0, 1, 1], [], []>, transpose_lhs_hint = false} : vector<1024x128xf32>, vector<128x128xf32>, vector<1024x128xf32> -> vector<1024x128xf32>
    %add3A_42 = arith.addf %get3A_36, %dot_general3A_41 : vector<1024x128xf32>
    %get3A_43 = arith.constant 0 : index
    %get3A_44 = arith.constant 0 : index
    %get3A_45 = vector.load %arg3[%get3A_43, %get3A_44] : memref<1024x8xf32, #tpu.memory_space<vmem>>, vector<1024x8xf32>
    %get3A_46 = arith.constant 0 : index
    %get3A_47 = arith.constant 0 : index
    %get3A_48 = vector.load %arg6[%get3A_46, %get3A_47] : memref<8x128xf32, #tpu.memory_space<vmem>>, vector<8x128xf32>
    %dot_general3A_49 = arith.constant dense<0.000000e+00> : vector<1024x128xf32>
    %dot_general3A_50 = tpu.matmul %get3A_45, %get3A_48, %dot_general3A_49 {dimension_numbers = #tpu.dot_dimension_numbers<[1], [0], [0], [1], [0, 0, 1, 1], [], []>, transpose_lhs_hint = false} : vector<1024x8xf32>, vector<8x128xf32>, vector<1024x128xf32> -> vector<1024x128xf32>
    %add3A_51 = arith.addf %add3A_42, %dot_general3A_50 : vector<1024x128xf32>
    %logistic3A = arith.negf %add3A_51 : vector<1024x128xf32>
    %logistic3A_52 = math.exp %logistic3A : vector<1024x128xf32>
    %logistic3A_53 = arith.constant 1.000000e+00 : f32
    %logistic3A_54 = vector.broadcast %logistic3A_53 : f32 to vector<1024x128xf32>
    %logistic3A_55 = arith.addf %logistic3A_54, %logistic3A_52 : vector<1024x128xf32>
    %logistic3A_56 = arith.divf %logistic3A_54, %logistic3A_55 : vector<1024x128xf32>
    %mul3A = arith.mulf %add3A_51, %logistic3A_56 : vector<1024x128xf32>
    %get3A_57 = arith.constant 0 : index
    %get3A_58 = arith.constant 0 : index
    %get3A_59 = vector.load %arg7[%get3A_57, %get3A_58] : memref<128x128xf32, #tpu.memory_space<vmem>>, vector<128x128xf32>
    %dot_general3A_60 = arith.constant dense<0.000000e+00> : vector<1024x128xf32>
    %dot_general3A_61 = tpu.matmul %mul3A, %get3A_59, %dot_general3A_60 {dimension_numbers = #tpu.dot_dimension_numbers<[1], [0], [0], [1], [0, 0, 1, 1], [], []>, transpose_lhs_hint = false} : vector<1024x128xf32>, vector<128x128xf32>, vector<1024x128xf32> -> vector<1024x128xf32>
    %get3A_62 = arith.constant 0 : index
    %get3A_63 = arith.constant 0 : index
    %get3A_64 = vector.load %arg8[%get3A_62, %get3A_63] : memref<1x128xf32, #tpu.memory_space<vmem>>, vector<1x128xf32>
    %add3A_65 = vector.broadcast %get3A_64 : vector<1x128xf32> to vector<1024x128xf32>
    %add3A_66 = arith.addf %dot_general3A_61, %add3A_65 : vector<1024x128xf32>
    %logistic3A_67 = arith.negf %add3A_66 : vector<1024x128xf32>
    %logistic3A_68 = math.exp %logistic3A_67 : vector<1024x128xf32>
    %logistic3A_69 = arith.constant 1.000000e+00 : f32
    %logistic3A_70 = vector.broadcast %logistic3A_69 : f32 to vector<1024x128xf32>
    %logistic3A_71 = arith.addf %logistic3A_70, %logistic3A_68 : vector<1024x128xf32>
    %logistic3A_72 = arith.divf %logistic3A_70, %logistic3A_71 : vector<1024x128xf32>
    %mul3A_73 = arith.mulf %add3A_66, %logistic3A_72 : vector<1024x128xf32>
    %swap3A_74 = arith.constant 0 : index
    %swap3A_75 = arith.constant 0 : index
    %swap3A_76 = vector.load %arg9[%swap3A_74, %swap3A_75] : memref<1024x128xf32, #tpu.memory_space<vmem>>, vector<1024x128xf32>
    tpu.vector_store %arg9[%swap3A_74, %swap3A_75], %mul3A_73 {strides = array<i32>} : memref<1024x128xf32, #tpu.memory_space<vmem>>, vector<1024x128xf32>,
    return
  }
  func.func @transform_0(%arg0: i32) -> (i32, i32) {
    %c0_i32 = arith.constant 0 : i32
    %c0_i32_0 = arith.constant 0 : i32
    return %arg0, %c0_i32 : i32, i32
  }
  func.func @transform_1(%arg0: i32) -> (i32, i32) {
    %c0_i32 = arith.constant 0 : i32
    %c0_i32_0 = arith.constant 0 : i32
    return %arg0, %c0_i32 : i32, i32
  }
  func.func @transform_2(%arg0: i32) -> (i32, i32) {
    %c0_i32 = arith.constant 0 : i32
    %c0_i32_0 = arith.constant 0 : i32
    return %arg0, %c0_i32 : i32, i32
  }
  func.func @transform_3(%arg0: i32) -> (i32, i32) {
    %c0_i32 = arith.constant 0 : i32
    %c0_i32_0 = arith.constant 0 : i32
    return %arg0, %c0_i32 : i32, i32
  }
  func.func @transform_4(%arg0: i32) -> (i32, i32) {
    %c0_i32 = arith.constant 0 : i32
    %c0_i32_0 = arith.constant 0 : i32
    %c0_i32_1 = arith.constant 0 : i32
    return %c0_i32, %c0_i32_0 : i32, i32
  }
  func.func @transform_5(%arg0: i32) -> (i32, i32) {
    %c0_i32 = arith.constant 0 : i32
    %c0_i32_0 = arith.constant 0 : i32
    %c0_i32_1 = arith.constant 0 : i32
    return %c0_i32, %c0_i32_0 : i32, i32
  }
  func.func @transform_6(%arg0: i32) -> (i32, i32) {
    %c0_i32 = arith.constant 0 : i32
    %c0_i32_0 = arith.constant 0 : i32
    %c0_i32_1 = arith.constant 0 : i32
    return %c0_i32, %c0_i32_0 : i32, i32
  }
  func.func @transform_7(%arg0: i32) -> (i32, i32) {
    %c0_i32 = arith.constant 0 : i32
    %c0_i32_0 = arith.constant 0 : i32
    %c0_i32_1 = arith.constant 0 : i32
    return %c0_i32, %c0_i32_0 : i32, i32
  }
  func.func @transform_8(%arg0: i32) -> (i32, i32) {
    %c0_i32 = arith.constant 0 : i32
    %c0_i32_0 = arith.constant 0 : i32
    return %arg0, %c0_i32 : i32, i32
  }
  func.func @transform_9(%arg0: i32) -> (i32, i32) {
    %c0_i32 = arith.constant 0 : i32
    %c0_i32_0 = arith.constant 0 : i32
    %c0_i32_1 = arith.constant 0 : i32
    return %c0_i32, %c0_i32_0 : i32, i32
  }
}

module attributes {stable_mosaic.version = 14 : i64} {
  func.func @_node_mlp_body(%arg0: i32, %arg1: memref<2000x128xf32, #tpu.memory_space<vmem>>, %arg2: memref<2000x128xf32, #tpu.memory_space<vmem>>, %arg3: memref<2000x1xf32, #tpu.memory_space<vmem>>, %arg4: memref<128x128xf32, #tpu.memory_space<vmem>>, %arg5: memref<128x128xf32, #tpu.memory_space<vmem>>, %arg6: memref<1x128xf32, #tpu.memory_space<vmem>>, %arg7: memref<128x128xf32, #tpu.memory_space<vmem>>, %arg8: memref<1x128xf32, #tpu.memory_space<vmem>>, %arg9: memref<2000x128xf32, #tpu.memory_space<vmem>>) attributes {dimension_semantics = [#tpu.dimension_semantics<arbitrary>], iteration_bounds = array<i64: 5>, scalar_prefetch = 0 : i64, scratch_operands = 0 : i64, tpu.core_type = #tpu.core_type<tc>, window_params = [{transform_indices = @transform_0, window_bounds = array<i64: 2000, 128>}, {transform_indices = @transform_1, window_bounds = array<i64: 2000, 128>}, {transform_indices = @transform_2, window_bounds = array<i64: 2000, 1>}, {pipeline_mode = #tpu.pipeline_mode<synchronous>, transform_indices = @transform_3, window_bounds = array<i64: 128, 128>}, {pipeline_mode = #tpu.pipeline_mode<synchronous>, transform_indices = @transform_4, window_bounds = array<i64: 128, 128>}, {pipeline_mode = #tpu.pipeline_mode<synchronous>, transform_indices = @transform_5, window_bounds = array<i64: 1, 128>}, {pipeline_mode = #tpu.pipeline_mode<synchronous>, transform_indices = @transform_6, window_bounds = array<i64: 128, 128>}, {pipeline_mode = #tpu.pipeline_mode<synchronous>, transform_indices = @transform_7, window_bounds = array<i64: 1, 128>}, {transform_indices = @transform_8, window_bounds = array<i64: 2000, 128>}]} {
    %get3A = arith.constant 0 : index
    %get3A_0 = arith.constant 0 : index
    %get3A_1 = vector.load %arg1[%get3A, %get3A_0] : memref<2000x128xf32, #tpu.memory_space<vmem>>, vector<2000x128xf32>
    %get3A_2 = arith.constant 0 : index
    %get3A_3 = arith.constant 0 : index
    %get3A_4 = vector.load %arg3[%get3A_2, %get3A_3] : memref<2000x1xf32, #tpu.memory_space<vmem>>, vector<2000x1xf32>
    %max3A = arith.constant 1.000000e+00 : f32
    %max3A_5 = vector.broadcast %max3A : f32 to vector<2000x1xf32>
    %max3A_6 = arith.maximumf %get3A_4, %max3A_5 : vector<2000x1xf32>
    %div3A = arith.constant 1.000000e+00 : f32
    %div3A_7 = vector.broadcast %div3A : f32 to vector<2000x1xf32>
    %div3A_8 = arith.divf %div3A_7, %max3A_6 : vector<2000x1xf32>
    %get3A_9 = arith.constant 0 : index
    %get3A_10 = arith.constant 0 : index
    %get3A_11 = vector.load %arg2[%get3A_9, %get3A_10] : memref<2000x128xf32, #tpu.memory_space<vmem>>, vector<2000x128xf32>
    %mul3A = vector.broadcast %div3A_8 : vector<2000x1xf32> to vector<2000x128xf32>
    %mul3A_12 = arith.mulf %get3A_11, %mul3A : vector<2000x128xf32>
    %get3A_13 = arith.constant 0 : index
    %get3A_14 = arith.constant 0 : index
    %get3A_15 = vector.load %arg4[%get3A_13, %get3A_14] : memref<128x128xf32, #tpu.memory_space<vmem>>, vector<128x128xf32>
    %dot_general3A = arith.constant dense<0.000000e+00> : vector<2000x128xf32>
    %dot_general3A_16 = tpu.matmul %get3A_1, %get3A_15, %dot_general3A {dimension_numbers = #tpu.dot_dimension_numbers<[1], [0], [0], [1], [0, 0, 1, 1], [], []>, transpose_lhs_hint = false} : vector<2000x128xf32>, vector<128x128xf32>, vector<2000x128xf32> -> vector<2000x128xf32>
    %get3A_17 = arith.constant 0 : index
    %get3A_18 = arith.constant 0 : index
    %get3A_19 = vector.load %arg5[%get3A_17, %get3A_18] : memref<128x128xf32, #tpu.memory_space<vmem>>, vector<128x128xf32>
    %dot_general3A_20 = arith.constant dense<0.000000e+00> : vector<2000x128xf32>
    %dot_general3A_21 = tpu.matmul %mul3A_12, %get3A_19, %dot_general3A_20 {dimension_numbers = #tpu.dot_dimension_numbers<[1], [0], [0], [1], [0, 0, 1, 1], [], []>, transpose_lhs_hint = false} : vector<2000x128xf32>, vector<128x128xf32>, vector<2000x128xf32> -> vector<2000x128xf32>
    %add3A = arith.addf %dot_general3A_16, %dot_general3A_21 : vector<2000x128xf32>
    %get3A_22 = arith.constant 0 : index
    %get3A_23 = arith.constant 0 : index
    %get3A_24 = vector.load %arg6[%get3A_22, %get3A_23] : memref<1x128xf32, #tpu.memory_space<vmem>>, vector<1x128xf32>
    %add3A_25 = vector.broadcast %get3A_24 : vector<1x128xf32> to vector<2000x128xf32>
    %add3A_26 = arith.addf %add3A, %add3A_25 : vector<2000x128xf32>
    %logistic3A = arith.negf %add3A_26 : vector<2000x128xf32>
    %logistic3A_27 = math.exp %logistic3A : vector<2000x128xf32>
    %logistic3A_28 = arith.constant 1.000000e+00 : f32
    %logistic3A_29 = vector.broadcast %logistic3A_28 : f32 to vector<2000x128xf32>
    %logistic3A_30 = arith.addf %logistic3A_29, %logistic3A_27 : vector<2000x128xf32>
    %logistic3A_31 = arith.divf %logistic3A_29, %logistic3A_30 : vector<2000x128xf32>
    %mul3A_32 = arith.mulf %add3A_26, %logistic3A_31 : vector<2000x128xf32>
    %get3A_33 = arith.constant 0 : index
    %get3A_34 = arith.constant 0 : index
    %get3A_35 = vector.load %arg7[%get3A_33, %get3A_34] : memref<128x128xf32, #tpu.memory_space<vmem>>, vector<128x128xf32>
    %dot_general3A_36 = arith.constant dense<0.000000e+00> : vector<2000x128xf32>
    %dot_general3A_37 = tpu.matmul %mul3A_32, %get3A_35, %dot_general3A_36 {dimension_numbers = #tpu.dot_dimension_numbers<[1], [0], [0], [1], [0, 0, 1, 1], [], []>, transpose_lhs_hint = false} : vector<2000x128xf32>, vector<128x128xf32>, vector<2000x128xf32> -> vector<2000x128xf32>
    %get3A_38 = arith.constant 0 : index
    %get3A_39 = arith.constant 0 : index
    %get3A_40 = vector.load %arg8[%get3A_38, %get3A_39] : memref<1x128xf32, #tpu.memory_space<vmem>>, vector<1x128xf32>
    %add3A_41 = vector.broadcast %get3A_40 : vector<1x128xf32> to vector<2000x128xf32>
    %add3A_42 = arith.addf %dot_general3A_37, %add3A_41 : vector<2000x128xf32>
    %logistic3A_43 = arith.negf %add3A_42 : vector<2000x128xf32>
    %logistic3A_44 = math.exp %logistic3A_43 : vector<2000x128xf32>
    %logistic3A_45 = arith.constant 1.000000e+00 : f32
    %logistic3A_46 = vector.broadcast %logistic3A_45 : f32 to vector<2000x128xf32>
    %logistic3A_47 = arith.addf %logistic3A_46, %logistic3A_44 : vector<2000x128xf32>
    %logistic3A_48 = arith.divf %logistic3A_46, %logistic3A_47 : vector<2000x128xf32>
    %mul3A_49 = arith.mulf %add3A_42, %logistic3A_48 : vector<2000x128xf32>
    %add3A_50 = arith.addf %get3A_1, %mul3A_49 : vector<2000x128xf32>
    %swap3A = arith.constant 0 : index
    %swap3A_51 = arith.constant 0 : index
    %swap3A_52 = vector.load %arg9[%swap3A, %swap3A_51] : memref<2000x128xf32, #tpu.memory_space<vmem>>, vector<2000x128xf32>
    tpu.vector_store %arg9[%swap3A, %swap3A_51], %add3A_50 {strides = array<i32>} : memref<2000x128xf32, #tpu.memory_space<vmem>>, vector<2000x128xf32>,
    return
  }
  func.func @transform_0(%arg0: i32) -> (i32, i32) {
    %c0_i32 = arith.constant 0 : i32
    %c0_i32_0 = arith.constant 0 : i32
    return %arg0, %c0_i32 : i32, i32
  }
  func.func @transform_1(%arg0: i32) -> (i32, i32) {
    %c0_i32 = arith.constant 0 : i32
    %c0_i32_0 = arith.constant 0 : i32
    return %arg0, %c0_i32 : i32, i32
  }
  func.func @transform_2(%arg0: i32) -> (i32, i32) {
    %c0_i32 = arith.constant 0 : i32
    %c0_i32_0 = arith.constant 0 : i32
    return %arg0, %c0_i32 : i32, i32
  }
  func.func @transform_3(%arg0: i32) -> (i32, i32) {
    %c0_i32 = arith.constant 0 : i32
    %c0_i32_0 = arith.constant 0 : i32
    %c0_i32_1 = arith.constant 0 : i32
    return %c0_i32, %c0_i32_0 : i32, i32
  }
  func.func @transform_4(%arg0: i32) -> (i32, i32) {
    %c0_i32 = arith.constant 0 : i32
    %c0_i32_0 = arith.constant 0 : i32
    %c0_i32_1 = arith.constant 0 : i32
    return %c0_i32, %c0_i32_0 : i32, i32
  }
  func.func @transform_5(%arg0: i32) -> (i32, i32) {
    %c0_i32 = arith.constant 0 : i32
    %c0_i32_0 = arith.constant 0 : i32
    %c0_i32_1 = arith.constant 0 : i32
    return %c0_i32, %c0_i32_0 : i32, i32
  }
  func.func @transform_6(%arg0: i32) -> (i32, i32) {
    %c0_i32 = arith.constant 0 : i32
    %c0_i32_0 = arith.constant 0 : i32
    %c0_i32_1 = arith.constant 0 : i32
    return %c0_i32, %c0_i32_0 : i32, i32
  }
  func.func @transform_7(%arg0: i32) -> (i32, i32) {
    %c0_i32 = arith.constant 0 : i32
    %c0_i32_0 = arith.constant 0 : i32
    %c0_i32_1 = arith.constant 0 : i32
    return %c0_i32, %c0_i32_0 : i32, i32
  }
  func.func @transform_8(%arg0: i32) -> (i32, i32) {
    %c0_i32 = arith.constant 0 : i32
    %c0_i32_0 = arith.constant 0 : i32
    return %arg0, %c0_i32 : i32, i32
  }
}

</mosaic_0001>

<sc_bundles>
// kernel: kernel.10.cloned.1.call-start
scs
__scs_entry_jumppad:
0x0: {  	(pc) =	sbr.rel $0x88, $3  }
0x1: {  	(tag) =	ssettag $0x0;
	lr =	simm.s32 $0x1  }
0x2: {  	[smem:$0x3F93] =	sst lr;
	_ =	strace $0xD0000000  }
0x3: {  	_ = 	snop  }
0x4: {  	_ = 	snop  }
0x5: {  	_ = 	snop  }
0x6: {  	_ = 	snop  }
0x7: {  	_ = 	snop  }
__scs_overlays_trampoline_lowered:
0x8: {  	[smem:$0x3FA2] =	sst s0  }
0x9: {  	[smem:$0x3FA3] =	sst s1  }
0xa: {  	[smem:$0x3FA4] =	sst s2  }
0xb: {  	[smem:$0x3FA5] =	sst s3  }
0xc: {  	[smem:$0x3FA6] =	sst s4  }
0xd: {  	[smem:$0x3FA7] =	sst s5  }
0xe: {  	[smem:$0x3FA8] =	sst s6  }
0xf: {  	[smem:$0x3FA9] =	sst s7  }
0x10: {  	[smem:$0x3FAA] =	sst s8  }
0x11: {  	[smem:$0x3FAB] =	sst s9;
	s0 =	simm.s32 @!p0 $0x0  }
0x12: {  	s1 =	sld [smem:$0x3F91];
	s0 =	simm.s32 @p0 $0x1  }
0x13: {  	[smem:$0x3FAC] =	sst s0;
	s0 =	simm.s32 @!p1 $0x0  }
0x14: {  	s2 =	sld [smem:$0x3F90];
	s0 =	simm.s32 @p1 $0x1  }
0x15: {  	[smem:$0x3FAD] =	sst s0;
	s0 =	simm.s32 @!p2 $0x0  }
0x16: {  	s3 =	sld [smem:$0x3FDB];
	s0 =	simm.s32 @p2 $0x1  }
0x17: {  	s4 =	simm.s32 $0x1BF5;
	[smem:$0x3FAF] =	sst s0  }
0x18: {  	s0 =	sld [smem:$0x3F92];
	_ =	swait.ge [sflag:s4], $0x0  }
0x19: {  	s7 =	sld [smem:$0x3F93]  }
0x1a: {  	s8 =	sadd.s32 $0xFFFFE003, lr  }
0x1b: {  	s9 =	sadd.s32 $0xFFFFFEF7, lr;
	s5 =	simm.s32 $0xFFFFFFFF;
	p2 =	slt.u32 s8, $0xFFFFF086  }
0x1c: {  	p1 =	slt.u32 s9, $0xF7A;
	s5 =	simm.s32 @!p2 $0x0  }
0x1d: {  	s5 =	simm.s32 @p1 $0x1;
	p0 =	seq.s32 s7, s2  }
0x1e: {  	s7 =	smul.u32 @!p0 $0xF7A, s2;
	p2 =	seq.s32 @!p0 s5, $0x0  }
0x1f: {  	s9 =	smul.u32 $0xF7A, s1;
	s8 =	simm.s32 @!p0 $0x1BF5;
	p2 =	por !p2, p0  }
0x20: {  	[sflag:s8] =	ssyncset.s32 @!p0 $0xFFFFF086;
	s6 =	sadd.s32 @!p0 s3, s7;
	s7 =	simm.s32 @!p0 $0x108  }
0x21: {  	s3 =	sadd.s32 s3, s9;
	s6 =	sadd.s32 @!p0 $0x88, s6;
	s7 =	simm.s32 @p2 $0x1082  }
0x22: {  	[simem:s7], [sflag:s8] =	dma.local @!p0 [hbm:s6], $0xF7A  }
0x23: {  	s9 =	sor.u32 $0xD0000000, s2;
	s6 =	simm.s32 $0x108;
	_ =	swait.ge @!p0 [sflag:s8], $0x0  }
0x24: {  	s3 =	sadd.s32 $0x88, s3;
	s6 =	simm.s32 @!p1 $0x1082;
	[sflag:s4] =	ssyncset.s32 $0xFFFFF086  }
0x25: {  	[simem:s6], [sflag:s4] =	dma.local [hbm:s3], $0xF7A  }
0x26: {  	[smem:$0x3F93] =	sst s1;
	(tag) =	ssettag s2;
	_ =	strace s9  }
0x27: {  	s1 =	sld [smem:$0x3FA3]  }
0x28: {  	s2 =	sld [smem:$0x3FA4]  }
0x29: {  	s4 =	sld [smem:$0x3FA6]  }
0x2a: {  	p0 =	seq.s32 s5, $0x0;
	s5 =	sld [smem:$0x3FA7]  }
0x2b: {  	s6 =	sld [smem:$0x3FA8]  }
0x2c: {  	s7 =	sld [smem:$0x3FA9]  }
0x2d: {  	s3 =	simm.s32 $0x108;
	s8 =	sld [smem:$0x3FAA]  }
0x2e: {  	s3 =	simm.s32 @!p0 $0x1082;
	s9 =	sld [smem:$0x3FAB]  }
0x2f: {  	lr =	sadd.s32 s0, s3;
	s0 =	sld [smem:$0x3FA2]  }
0x30: {  	s3 =	sld [smem:$0x3FA5]  }
0x31: {  	[smem:$0x3FAE] =	sst s10  }
0x32: {  	s10 =	sld [smem:$0x3FAC];
	_ =	sdelay $0x3  }
0x33: {  	p0 =	seq.s32 s10, $0x1;
	s10 =	sld [smem:$0x3FAE];
	_ =	sdelay $0x3  }
0x34: {  	[smem:$0x3FAE] =	sst s10  }
0x35: {  	s10 =	sld [smem:$0x3FAD];
	_ =	sdelay $0x3  }
0x36: {  	p1 =	seq.s32 s10, $0x1;
	s10 =	sld [smem:$0x3FAE];
	_ =	sdelay $0x3  }
0x37: {  	[smem:$0x3FAE] =	sst s10  }
0x38: {  	s10 =	sld [smem:$0x3FAF]  }
0x39: {  	_ = 	snop;
	(pc) =	sbr.ind lr, $3  }
0x3a: {  	_ = 	snop  }
0x3b: {  	_ = 	snop  }
0x3c: {  	p2 =	seq.s32 s10, $0x1;
	s10 =	sld [smem:$0x3FAE]  }
0x3d: {  	_ =	shalt  }
0x3e: {  	_ =	shalt  }
0x3f: {  	_ =	shalt  }
0x40: {  	_ =	shalt  }
0x41: {  	_ =	shalt  }
0x42: {  	_ =	shalt  }
0x43: {  	_ =	shalt  }
0x44: {  	_ =	shalt  }
0x45: {  	_ =	shalt  }
0x46: {  	_ =	shalt  }
0x47: {  	_ =	shalt  }
0x48: {  	_ =	shalt  }
0x49: {  	_ =	shalt  }
0x4a: {  	_ =	shalt  }
0x4b: {  	_ =	shalt  }
0x4c: {  	_ =	shalt  }
0x4d: {  	_ =	shalt  }
0x4e: {  	_ =	shalt  }
0x4f: {  	_ =	shalt  }
0x50: {  	_ =	shalt  }
0x51: {  	_ =	shalt  }
0x52: {  	_ =	shalt  }
0x53: {  	_ =	shalt  }
0x54: {  	_ =	shalt  }
0x55: {  	_ =	shalt  }
0x56: {  	_ =	shalt  }
0x57: {  	_ =	shalt  }
0x58: {  	_ =	shalt  }
0x59: {  	_ =	shalt  }
0x5a: {  	_ =	shalt  }
0x5b: {  	_ =	shalt  }
0x5c: {  	_ =	shalt  }
0x5d: {  	_ =	shalt  }
0x5e: {  	_ =	shalt  }
0x5f: {  	_ =	shalt  }
0x60: {  	_ =	shalt  }
0x61: {  	_ =	shalt  }
0x62: {  	_ =	shalt  }
0x63: {  	_ =	shalt  }
0x64: {  	_ =	shalt  }
0x65: {  	_ =	shalt  }
0x66: {  	_ =	shalt  }
0x67: {  	_ =	shalt  }
0x68: {  	_ =	shalt  }
0x69: {  	_ =	shalt  }
0x6a: {  	_ =	shalt  }
0x6b: {  	_ =	shalt  }
0x6c: {  	_ =	shalt  }
0x6d: {  	_ =	shalt  }
0x6e: {  	_ =	shalt  }
0x6f: {  	_ =	shalt  }
0x70: {  	_ =	shalt  }
0x71: {  	_ =	shalt  }
0x72: {  	_ =	shalt  }
0x73: {  	_ =	shalt  }
0x74: {  	_ =	shalt  }
0x75: {  	_ =	shalt  }
0x76: {  	_ =	shalt  }
0x77: {  	_ =	shalt  }
0x78: {  	_ =	shalt  }
0x79: {  	_ =	shalt  }
0x7a: {  	_ =	shalt  }
0x7b: {  	_ =	shalt  }
0x7c: {  	_ =	shalt  }
0x7d: {  	_ =	shalt  }
0x7e: {  	_ =	shalt  }
0x7f: {  	_ =	shalt  }
0x80: {  	_ =	shalt  }
0x81: {  	_ =	shalt  }
0x82: {  	_ =	shalt  }
0x83: {  	_ =	shalt  }
0x84: {  	_ =	shalt  }
0x85: {  	_ =	shalt  }
0x86: {  	_ =	shalt  }
0x87: {  	_ =	shalt  }
.Lfunc_end0:
.L_simem_size_0:
called_computation.1_lowered:
.L_overlay_start_0:
0x88: {  	s2 =	sld [smem:$0x3FD9]  }
0x89: {  	s3 =	sld [smem:$0x3FFE];
	_ =	sdelay $0x1  }
0x8a: {  	s1 =	srdreg.scid  }
0x8b: {  	s0 =	sand.u32 $0x1, s1  }
0x8c: {  	s16 =	sshll.u32 s0, $0xA;
	s2 =	sadd.s32 s3, s2  }
0x8d: {  	s2 =	sadd.s32 s2, s16  }
0x8e: {  	[smem:$0x3FBA] =	sst s2  }
0x8f: {  	_ = 	snop  }
0x90: {  	(tm) =	ssettm $0x1  }
0x91: {  	s17 =	sld [smem:$0x3FFB];
	_ =	sdelay $0x3  }
0x92: {  	_ =	strace s17  }
0x93: {  	s2 =	sld [smem:$0x3FFC];
	_ =	sdelay $0x3  }
0x94: {  	_ =	strace s2  }
0x95: {  	s2 =	sld [smem:$0x3FFD];
	_ =	sdelay $0x3  }
0x96: {  	_ =	strace s2  }
0x97: {  	_ =	strace $0x8FFFFFFF  }
0x98: {  	s18 =	sld [smem:$0x3FDB];
	_ =	sdelay $0x1  }
0x99: {  	s19 =	simm.s32 $_scs_section_size  }
0x9a: {  	s4 =	simm.s32 $_size__tile_overlayer_lowered;
	s5 =	simm.s32 $_tile_overlayer_lowered  }
0x9b: {  	s22 =	simm.s32 $0x1BFF;
	s21 =	sshll.u32 s5, $0x1;
	s2 =	sadd.s32 s19, s18  }
0x9c: {  	s6 =	simm.s32 $0x0;
	s20 =	sshll.u32 s4, $0x1;
	s4 =	sadd.s32 s21, s2  }
0x9d: {  	[timem:s6], [sflag:s22] =	dma.local [hbm:s4], s20  }
0x9e: {  	_ =	swait.ge [sflag:s22], s20  }
0x9f: {  	s3 =	ssub.s32 $0x0, s20;
	[sflag:s22] =	ssyncset.done $0x0  }
0xa0: {  	[sflag:s22] =	ssyncadd.s32 s3;
	_ =	sdelay $0x1  }
0xa1: {  	s23 =	simm.s32 $0x1B8B  }
0xa2: {  	_ =	swait.ge [sflag:s23], $0x1  }
0xa3: {  	[sflag:s23] =	ssyncset.done $0x0  }
0xa4: {  	s25 =	simm.s32 $0x1B8E;
	s24 =	sld [smem:$0x3FFE];
	[sflag:s23] =	ssyncadd.s32 $0xFFFFFFFF  }
0xa5: {  	s26 =	simm.s32 $execute0_lowered;
	[smem:$0x3FD2] =	sst s25  }
0xa6: {  	s4 =	sshll.u32 s26, $0x1;
	_ =	strace $0x80000049;
	[dreg:$0x1] =	wrdreg $0xFFFFFFFF  }
0xa7: {  	s28 =	simm.s32 $_size_execute0_lowered;
	s2 =	sadd.s32 s2, s4;
	[dreg:$0x0] =	wrdreg $0x0  }
0xa8: {  	s4 =	sshll.u32 s28, $0x1;
	[dreg:$0x2] =	wrdreg s2  }
0xa9: {  	[dreg:$0x3] =	wrdreg s4  }
0xaa: {  	[dreg:$0x4] =	wrdreg $0xC0  }
0xab: {  	_ =	task [dreg:s6], $0x5FFFF  }
0xac: {  	[dreg:$0x1] =	wrdreg $0xFFFFFFFF  }
0xad: {  	[dreg:$0x0] =	wrdreg $0x60  }
0xae: {  	[dreg:$0x2] =	wrdreg s24  }
0xaf: {  	[dreg:$0x3] =	wrdreg $0xD0800  }
0xb0: {  	[dreg:$0x4] =	wrdreg $0x9  }
0xb1: {  	_ =	task.clear_ibuf [dreg:s6], $0x5FFFF;
	_ =	strace $0x90000049  }
0xb2: {  	s29 =	simm.s32 $0x9;
	_ =	strace $0x8000004B  }
0xb3: {  	_ =	swait.ge [sflag:s29], $0x1  }
0xb4: {  	[sflag:s29] =	ssyncadd.s32 $0xFFFFFFFF  }
0xb5: {  	_ =	strace $0x9000004B  }
0xb6: {  	_ =	sfence  }
0xb7: {  	s30 =	sld [smem:$0x0];
	_ =	sdelay $0x2  }
0xb8: {  	s31 =	sshll.u32 s1, $0xD;
	s1 =	sshrl.u32 s1, $0x2  }
0xb9: {  	s3 =	sand.u32 $0x4000, s31;
	s1 =	sadd.s32 s1, s30  }
0xba: {  	s0 =	sor.u32 s3, s0;
	s1 =	sshll.u32 s1, $0x11  }
0xbb: {  	s0 =	sor.u32 s1, s0  }
0xbc: {  	s0 =	sadd.s32 $0x8F2B, s0  }
0xbd: {  	[sflag:s0] =	ssyncadd.remote.s32 $0x1  }
0xbe: {  	_ =	sfence.sel $0xFFFF  }
0xbf: {  	[dreg:$0x0] =	wrdreg $0xFFFFFFFF;
	(pc) =	sbr.abs _section_cstart, $3  }
0xc0: {  	[dreg:$0x1] =	wrdreg $0xFFFFFFFF  }
0xc1: {  	_ =	task.clear_ibuf [dreg:s6], $0x2FFFF;
	_ =	strace $0x9FFFFFFF  }
0xc2: {  	(tm) =	ssettm $0x7FFFFFFF  }
0xc3: {  	_ =	shalt  }
tec
execute0_lowered:
.L_overlay_start_1:
0x0: {  	(tag) =	ssettag $0x1  }
0x1: {  	s4 =	rddreg [dreg:$0x0]  }
0x2: {  	s2 =	rddreg [dreg:$0x1];
	s1 =	stileid.u32  }
0x3: {  	s0 =	rddreg [dreg:$0x2];
	s3 =	simm.s32 $0x0;
	s5 =	smul.u32 $0x50000, s1  }
0x4: {  	s7 =	srdreg.scid;
	s17 =	simm.s32 $0x5000;
	s6 =	smul.u32 $0xA00, s1  }
0x5: {  	s18 =	simm.s32 $0x0;
	[smem:$0x7FF] =	sst s3;
	s8 =	smul.u32 $0x29000, s1  }
0x6: {  	s28 =	sand.u32 $0x1, s7;
	s10 =	sadd.s32 $0xDC00, s4;
	s9 =	smul.u32 $0xA400, s1  }
0x7: {  	_ =	strace $0x8000004A;
	s7 =	ssub.s32 $0x2, s28;
	s16 =	smul.u32 $0x1400, s28  }
0x8: {  	s13 =	smul.u32 $0xA4000, s28;
	s12 =	sadd.s32 s5, s4;
	s6 =	sadd.s32 s6, s4  }
0x9: {  	s29 =	sshrl.u32 s7, $0x1;
	s30 =	sshrl.u32 s8, $0x2;
	s31 =	sadd.s32 $0x4000, s9  }
0xa: {  	s14 =	sadd.s32 $0x8000, s9;
	s11 =	ssub.s32 s7, s29;
	s4 =	sadd.s32 $0x3C00, s6  }
0xb: {  	s5 =	sadd.s32 s30, s2;
	s6 =	sadd.s32 s31, s2;
	s7 =	sadd.s32 s14, s2  }
0xc: {  	s9 =	sadd.s32 s9, s13;
	s8 =	sadd.s32 s13, s31;
	s13 =	sadd.s32 s13, s14  }
0xd: {  	s12 =	sadd.s32 $0x194A400, s12;
	s14 =	simm.s32 $0x9080;
	v0 =	vmov s16;
	s16 =	simm.s32 $0x80  }
0xe: {  	s9 =	sshrl.u32 s9, $0x3;
	s15 =	sshrl.u32 s8, $0x3;
	s13 =	sshrl.u32 s13, $0x3  }
0xf: {  	s11 =	smax.u32 s11, $0x1;
	s8 =	sadd.s32 s10, s9;
	s9 =	sadd.s32 s10, s15  }
0x10: {  	v1 =	vimm.f32 $0.0e+00;
	s10 =	sadd.s32 s10, s13;
	s13 =	simm.s32 $0x1;
	s15 =	simm.s32 $0x5080  }
.LBB2_1:
0x11: {  	s19 =	simm.s32 $0x0;
	s20 =	simm.s32 $0x200  }
.LBB2_2:
0x12: {  	p0 =	sne.s32 s20, $0xFE00;
	[tilespmem:s19+$0x90F0] =	vst v1  }
0x13: {  	[tilespmem:s19+$0x9080] =	vst v1  }
0x14: {  	[tilespmem:s19+$0x9090] =	vst v1  }
.Ltmp0:
0x15: {  	[tilespmem:s19+$0x90A0] =	vst v1;
	(pc) =	sbr.rel @p0 .LBB2_2-.Ltmp0, $4  }
0x16: {  	[tilespmem:s19+$0x90B0] =	vst v1  }
0x17: {  	[tilespmem:s19+$0x90C0] =	vst v1  }
0x18: {  	[tilespmem:s19+$0x90D0] =	vst v1  }
0x19: {  	[tilespmem:s19+$0x90E0] =	vst v1;
	s19 =	sshra.s32 s20, $0x2;
	s20 =	sadd.s32 $0x200, s20  }
0x1a: {  	[tilespmem:s19+$0x90F0] =	vst v1  }
0x1b: {  	[tilespmem:s19+$0x9080] =	vst v1  }
0x1c: {  	[tilespmem:s19+$0x9090] =	vst v1  }
0x1d: {  	[tilespmem:s19+$0x90A0] =	vst v1  }
0x1e: {  	[tilespmem:s19+$0x90B0] =	vst v1  }
0x1f: {  	[tilespmem:s19+$0x90C0] =	vst v1  }
0x20: {  	[tilespmem:s19+$0x90D0] =	vst v1  }
0x21: {  	[tilespmem:s19+$0x90E0] =	vst v1;
	s29 =	simm.s32 $0x0  }
0x22: {  	[tilespmem:s29], [sflag:$0x1] =	stream.linear.gather [hbm4b:s4+s29], $0x5000, $0x38;
	[tilespmem:$0x17480] =	vst v63  }
0x23: {  	_ =	swait.ge [sflag:s13], $0x5000  }
0x24: {  	[sflag:s13] =	ssyncset.done $0x0  }
0x25: {  	[sflag:s13] =	ssyncadd.s32 $0xFFFFB000  }
0x26: {  	[spmem:s5] =	stream.linear.scatter [tilespmem:s14], [sflag:$0x1], $0x4000, $0x38;
	[tilespmem:$0x17480] =	vst v63  }
0x27: {  	_ =	swait.ge [sflag:s13], $0x4000  }
0x28: {  	[sflag:s13] =	ssyncset.done $0x0  }
0x29: {  	[sflag:s13] =	ssyncadd.s32 $0xFFFFC000  }
0x2a: {  	[spmem:s6] =	stream.linear.scatter [tilespmem:s14], [sflag:$0x1], $0x4000, $0x38;
	[tilespmem:$0x17480] =	vst v63  }
0x2b: {  	_ =	swait.ge [sflag:s13], $0x4000  }
0x2c: {  	[sflag:s13] =	ssyncset.done $0x0  }
0x2d: {  	[sflag:s13] =	ssyncadd.s32 $0xFFFFC000  }
0x2e: {  	[spmem:s7] =	stream.linear.scatter [tilespmem:s14], [sflag:$0x1], $0x2400, $0x38;
	[tilespmem:$0x17480] =	vst v63  }
0x2f: {  	_ =	swait.ge [sflag:s13], $0x2400  }
0x30: {  	[sflag:s13] =	ssyncset.done $0x0  }
0x31: {  	[sflag:s13] =	ssyncadd.s32 $0xFFFFDC00  }
0x32: {  	s30 =	sadd.s32 $0x0, s12;
	[bflag:$0x0] =	sbarrier.arrive $0xFFFF  }
0x33: {  	[tilespmem:s15], [sflag:$0x1] =	stream.linear.gather [hbm4b:s30+s3], $0x4000, $0x38;
	[tilespmem:$0x17480] =	vst v63  }
0x34: {  	_ =	swait.ge [sflag:s13], $0x4000  }
0x35: {  	[sflag:s13] =	ssyncset.done $0x0  }
0x36: {  	s31 =	simm.s32 $0x40;
	[sflag:s13] =	ssyncadd.s32 $0xFFFFC000  }
0x37: {  	v2 =	vld [tilespmem:s31+$0xFFFFFFC0];
	_ =	sdelay $0x4  }
0x38: {  	v2 =	vsub.s32 v2, v0  }
0x39: {  	v2 =	vmin.u32 v2, $0x1400  }
0x3a: {  	[tilespmem:$0x5000] =	vst v2  }
0x3b: {  	v2 =	vld [tilespmem:s31+$0xFFFFFFD0];
	_ =	sdelay $0x4  }
0x3c: {  	v2 =	vsub.s32 v2, v0  }
0x3d: {  	v2 =	vmin.u32 v2, $0x1400  }
0x3e: {  	[tilespmem:$0x5010] =	vst v2  }
0x3f: {  	v2 =	vld [tilespmem:s31+$0xFFFFFFE0];
	_ =	sdelay $0x4  }
0x40: {  	v2 =	vsub.s32 v2, v0  }
0x41: {  	v2 =	vmin.u32 v2, $0x1400  }
0x42: {  	[tilespmem:$0x5020] =	vst v2  }
0x43: {  	v2 =	vld [tilespmem:s31+$0xFFFFFFF0];
	_ =	sdelay $0x4  }
0x44: {  	v2 =	vsub.s32 v2, v0  }
0x45: {  	v2 =	vmin.u32 v2, $0x1400  }
0x46: {  	[tilespmem:$0x5030] =	vst v2  }
0x47: {  	v2 =	vld [tilespmem:s31+$0x0];
	_ =	sdelay $0x4  }
0x48: {  	v2 =	vsub.s32 v2, v0  }
0x49: {  	v2 =	vmin.u32 v2, $0x1400  }
0x4a: {  	[tilespmem:$0x5040] =	vst v2  }
0x4b: {  	v2 =	vld [tilespmem:s31+$0x10];
	_ =	sdelay $0x4  }
0x4c: {  	v2 =	vsub.s32 v2, v0  }
0x4d: {  	v2 =	vmin.u32 v2, $0x1400  }
0x4e: {  	[tilespmem:$0x5050] =	vst v2  }
0x4f: {  	v2 =	vld [tilespmem:s31+$0x20];
	_ =	sdelay $0x4  }
0x50: {  	v2 =	vsub.s32 v2, v0  }
0x51: {  	v2 =	vmin.u32 v2, $0x1400  }
0x52: {  	[tilespmem:$0x5060] =	vst v2  }
0x53: {  	v2 =	vld [tilespmem:s31+$0x30];
	_ =	sdelay $0x4  }
0x54: {  	v2 =	vsub.s32 v2, v0  }
0x55: {  	v2 =	vmin.u32 v2, $0x1400  }
0x56: {  	[tilespmem:$0x5070] =	vst v2  }
0x57: {  	[spmem:s2] =	stream.indirect.scatter.add.f32 [tilespmem:s15], [sflag:$0x1], $0x80, s17, s16, $0xb8;
	[tilespmem:$0x17480] =	vst v63  }
0x58: {  	s20 =	simm.s32 $0x800;
	_ =	swait.ge [sflag:s13], $0x4000  }
0x59: {  	s22 =	simm.s32 $0x1000;
	s19 =	simm.s32 $0xC0;
	[sflag:s13] =	ssyncset.done $0x0  }
.LBB2_4:
0x5a: {  	s23 =	sadd.s32 s20, s12  }
0x5b: {  	[sflag:s13] =	ssyncadd.s32 $0xFFFFC000;
	s20 =	smov.u32 s22;
	s21 =	sadd.s32 $0x800, s22  }
0x5c: {  	[tilespmem:s15], [sflag:$0x1] =	stream.linear.gather [hbm4b:s23+s3], $0x4000, $0x38;
	[tilespmem:$0x17480] =	vst v63  }
0x5d: {  	p0 =	sne.s32 s22, $0x4F800;
	_ =	swait.ge [sflag:s13], $0x4000  }
0x5e: {  	[sflag:s13] =	ssyncset.done $0x0  }
0x5f: {  	[sflag:s13] =	ssyncadd.s32 $0xFFFFC000  }
0x60: {  	v2 =	vld [tilespmem:s19+$0xFFFFFFC0];
	_ =	sdelay $0x4  }
0x61: {  	v2 =	vsub.s32 v2, v0  }
0x62: {  	v2 =	vmin.u32 v2, $0x1400  }
0x63: {  	[tilespmem:$0x5000] =	vst v2  }
0x64: {  	v2 =	vld [tilespmem:s19+$0xFFFFFFD0];
	_ =	sdelay $0x4  }
0x65: {  	v2 =	vsub.s32 v2, v0  }
0x66: {  	v2 =	vmin.u32 v2, $0x1400  }
0x67: {  	[tilespmem:$0x5010] =	vst v2  }
0x68: {  	v2 =	vld [tilespmem:s19+$0xFFFFFFE0];
	_ =	sdelay $0x4  }
0x69: {  	v2 =	vsub.s32 v2, v0  }
0x6a: {  	v2 =	vmin.u32 v2, $0x1400  }
0x6b: {  	[tilespmem:$0x5020] =	vst v2  }
0x6c: {  	v2 =	vld [tilespmem:s19+$0xFFFFFFF0];
	_ =	sdelay $0x4  }
0x6d: {  	v2 =	vsub.s32 v2, v0  }
0x6e: {  	v2 =	vmin.u32 v2, $0x1400  }
0x6f: {  	[tilespmem:$0x5030] =	vst v2  }
0x70: {  	v2 =	vld [tilespmem:s19+$0x0];
	_ =	sdelay $0x4  }
0x71: {  	v2 =	vsub.s32 v2, v0  }
0x72: {  	v2 =	vmin.u32 v2, $0x1400  }
0x73: {  	[tilespmem:$0x5040] =	vst v2  }
0x74: {  	v2 =	vld [tilespmem:s19+$0x10];
	_ =	sdelay $0x4  }
0x75: {  	v2 =	vsub.s32 v2, v0  }
0x76: {  	v2 =	vmin.u32 v2, $0x1400  }
0x77: {  	[tilespmem:$0x5050] =	vst v2  }
0x78: {  	v2 =	vld [tilespmem:s19+$0x20];
	_ =	sdelay $0x4  }
0x79: {  	v2 =	vsub.s32 v2, v0  }
0x7a: {  	v2 =	vmin.u32 v2, $0x1400  }
0x7b: {  	[tilespmem:$0x5060] =	vst v2  }
0x7c: {  	v2 =	vld [tilespmem:s19+$0x30];
	_ =	sdelay $0x4  }
0x7d: {  	v2 =	vsub.s32 v2, v0  }
.Ltmp1:
0x7e: {  	v2 =	vmin.u32 v2, $0x1400;
	(pc) =	sbr.rel @p0 .LBB2_4-.Ltmp1, $4  }
0x7f: {  	[tilespmem:$0x5070] =	vst v2  }
0x80: {  	[spmem:s2] =	stream.indirect.scatter.add.f32 [tilespmem:s15], [sflag:$0x1], $0x80, s17, s16, $0xb8;
	[tilespmem:$0x17480] =	vst v63  }
0x81: {  	_ =	swait.ge [sflag:s13], $0x4000  }
0x82: {  	s22 =	smov.u32 s21;
	s19 =	sadd.s32 $0x80, s19;
	[sflag:s13] =	ssyncset.done $0x0  }
0x83: {  	s20 =	sadd.s32 s20, s12;
	[sflag:s13] =	ssyncadd.s32 $0xFFFFC000  }
0x84: {  	[tilespmem:s15], [sflag:$0x1] =	stream.linear.gather [hbm4b:s20+s3], $0x4000, $0x38;
	[tilespmem:$0x17480] =	vst v63  }
0x85: {  	_ =	swait.ge [sflag:s13], $0x4000  }
0x86: {  	[sflag:s13] =	ssyncset.done $0x0  }
0x87: {  	[sflag:s13] =	ssyncadd.s32 $0xFFFFC000  }
0x88: {  	v2 =	vld [tilespmem:s19+$0xFFFFFFC0];
	_ =	sdelay $0x4  }
0x89: {  	v2 =	vsub.s32 v2, v0  }
0x8a: {  	v2 =	vmin.u32 v2, $0x1400  }
0x8b: {  	[tilespmem:$0x5000] =	vst v2  }
0x8c: {  	v2 =	vld [tilespmem:s19+$0xFFFFFFD0];
	_ =	sdelay $0x4  }
0x8d: {  	v2 =	vsub.s32 v2, v0  }
0x8e: {  	v2 =	vmin.u32 v2, $0x1400  }
0x8f: {  	[tilespmem:$0x5010] =	vst v2  }
0x90: {  	v2 =	vld [tilespmem:s19+$0xFFFFFFE0];
	_ =	sdelay $0x4  }
0x91: {  	v2 =	vsub.s32 v2, v0  }
0x92: {  	v2 =	vmin.u32 v2, $0x1400  }
0x93: {  	[tilespmem:$0x5020] =	vst v2  }
0x94: {  	v2 =	vld [tilespmem:s19+$0xFFFFFFF0];
	_ =	sdelay $0x4  }
0x95: {  	v2 =	vsub.s32 v2, v0  }
0x96: {  	v2 =	vmin.u32 v2, $0x1400  }
0x97: {  	[tilespmem:$0x5030] =	vst v2  }
0x98: {  	v2 =	vld [tilespmem:s19+$0x0];
	_ =	sdelay $0x4  }
0x99: {  	v2 =	vsub.s32 v2, v0  }
0x9a: {  	v2 =	vmin.u32 v2, $0x1400  }
0x9b: {  	[tilespmem:$0x5040] =	vst v2  }
0x9c: {  	v2 =	vld [tilespmem:s19+$0x10];
	_ =	sdelay $0x4  }
0x9d: {  	v2 =	vsub.s32 v2, v0  }
0x9e: {  	v2 =	vmin.u32 v2, $0x1400  }
0x9f: {  	[tilespmem:$0x5050] =	vst v2  }
0xa0: {  	v2 =	vld [tilespmem:s19+$0x20];
	_ =	sdelay $0x4  }
0xa1: {  	v2 =	vsub.s32 v2, v0  }
0xa2: {  	v2 =	vmin.u32 v2, $0x1400  }
0xa3: {  	[tilespmem:$0x5060] =	vst v2  }
0xa4: {  	v2 =	vld [tilespmem:s19+$0x30];
	_ =	sdelay $0x4  }
0xa5: {  	v2 =	vsub.s32 v2, v0  }
0xa6: {  	v2 =	vmin.u32 v2, $0x1400  }
0xa7: {  	[tilespmem:$0x5070] =	vst v2  }
0xa8: {  	[spmem:s2] =	stream.indirect.scatter.add.f32 [tilespmem:s15], [sflag:$0x1], $0x80, s17, s16, $0xb8;
	[tilespmem:$0x17480] =	vst v63  }
0xa9: {  	_ =	swait.ge [sflag:s13], $0x4000  }
0xaa: {  	[sflag:s13] =	ssyncset.done $0x0  }
0xab: {  	[sflag:s13] =	ssyncadd.s32 $0xFFFFC000  }
0xac: {  	[bflag:$0x0] =	sbarrier.arrive $0xFFFF  }
0xad: {  	[tilespmem:s15], [sflag:$0x1] =	stream.linear.gather [spmem:s5], $0x4000, $0x38;
	[tilespmem:$0x17480] =	vst v63  }
0xae: {  	_ =	swait.ge [sflag:s13], $0x4000  }
0xaf: {  	[sflag:s13] =	ssyncset.done $0x0  }
0xb0: {  	[sflag:s13] =	ssyncadd.s32 $0xFFFFC000  }
0xb1: {  	[hbm4b:s8+s3] =	stream.linear.scatter [tilespmem:s15], [sflag:$0x1], $0x4000, $0x38;
	[tilespmem:$0x17480] =	vst v63  }
0xb2: {  	_ =	swait.ge [sflag:s13], $0x4000  }
0xb3: {  	[sflag:s13] =	ssyncset.done $0x0  }
0xb4: {  	[sflag:s13] =	ssyncadd.s32 $0xFFFFC000  }
0xb5: {  	[tilespmem:s15], [sflag:$0x1] =	stream.linear.gather [spmem:s6], $0x4000, $0x38;
	[tilespmem:$0x17480] =	vst v63  }
0xb6: {  	_ =	swait.ge [sflag:s13], $0x4000  }
0xb7: {  	[sflag:s13] =	ssyncset.done $0x0  }
0xb8: {  	[sflag:s13] =	ssyncadd.s32 $0xFFFFC000  }
0xb9: {  	[hbm4b:s9+s3] =	stream.linear.scatter [tilespmem:s15], [sflag:$0x1], $0x4000, $0x38;
	[tilespmem:$0x17480] =	vst v63  }
0xba: {  	_ =	swait.ge [sflag:s13], $0x4000  }
0xbb: {  	[sflag:s13] =	ssyncset.done $0x0  }
0xbc: {  	[sflag:s13] =	ssyncadd.s32 $0xFFFFC000  }
0xbd: {  	[tilespmem:s15], [sflag:$0x1] =	stream.linear.gather [spmem:s7], $0x2400, $0x38;
	[tilespmem:$0x17480] =	vst v63  }
0xbe: {  	s18 =	sadd.s32 $0x1, s18;
	_ =	swait.ge [sflag:s13], $0x2400  }
0xbf: {  	p0 =	sne.s32 s18, s11;
	[sflag:s13] =	ssyncset.done $0x0  }
.Ltmp2:
0xc0: {  	[sflag:s13] =	ssyncadd.s32 $0xFFFFDC00;
	(pc) =	sbr.rel @p0 .LBB2_1-.Ltmp2, $4  }
0xc1: {  	[hbm4b:s10+s3] =	stream.linear.scatter [tilespmem:s15], [sflag:$0x1], $0x2400, $0x38;
	[tilespmem:$0x17480] =	vst v63  }
0xc2: {  	_ =	swait.ge [sflag:s13], $0x2400  }
0xc3: {  	[sflag:s13] =	ssyncset.done $0x0  }
0xc4: {  	[sflag:s13] =	ssyncadd.s32 $0xFFFFDC00  }
0xc5: {  	_ =	sfence.sel $0x180000  }
0xc6: {  	[bflag:$0x0] =	sbarrier.arrive $0xFFFF  }
0xc7: {  	p0 =	sne.s32 s1, $0x0;
	_ =	strace $0x9000004A  }
0xc8: {  	s0 =	sadd.s32 @!p0 $0x100000, s0;
	[bflag:$0x2] =	sbarrier.arrive $0xFFFF  }
0xc9: {  	[sflag:s0] =	ssyncadd.tile.s32 @!p0 $0x1;
	_ =	shalt  }
.Lfunc_end2:
_tile_overlayer_lowered:
.L_overlay_start_2:
0xca: {  	(tag) =	ssettag $0x2  }
0xcb: {  	s0 =	rddreg [dreg:$0x0];
	s2 =	stileid.u32  }
0xcc: {  	s1 =	rddreg [dreg:$0x1];
	p0 =	sne.s32 s2, $0x0  }
0xcd: {  	s3 =	rddreg [dreg:$0x2];
	[bflag:$0x3] =	sbarrier.arrive $0xFFFF;
	s2 =	simm.s32 @!p0 $0x1C01  }
0xce: {  	[timem:s3], [sflag:s2] =	dma.local @!p0 [hbm:s0], s1  }
0xcf: {  	s0 =	simm.s32 @!p0 $0x1  }
0xd0: {  	_ =	swait.ge @!p0 [sflag:s0], s1  }
0xd1: {  	s1 =	ssub.s32 @!p0 $0x0, s1;
	[sflag:s0] =	ssyncset.done @!p0 $0x0  }
0xd2: {  	[sflag:s0] =	ssyncadd.s32 @!p0 s1  }
0xd3: {  	[bflag:$0x3] =	sbarrier.arrive $0xFFFF  }
0xd4: {  	_ =	shalt  }

// kernel: kernel.7.cloned.1.call-start
scs
__scs_entry_jumppad:
0x0: {  	(pc) =	sbr.rel $0x88, $3  }
0x1: {  	(tag) =	ssettag $0x0;
	lr =	simm.s32 $0x1  }
0x2: {  	[smem:$0x3F93] =	sst lr;
	_ =	strace $0xD0000000  }
0x3: {  	_ = 	snop  }
0x4: {  	_ = 	snop  }
0x5: {  	_ = 	snop  }
0x6: {  	_ = 	snop  }
0x7: {  	_ = 	snop  }
__scs_overlays_trampoline_lowered:
0x8: {  	[smem:$0x3FA2] =	sst s0  }
0x9: {  	[smem:$0x3FA3] =	sst s1  }
0xa: {  	[smem:$0x3FA4] =	sst s2  }
0xb: {  	[smem:$0x3FA5] =	sst s3  }
0xc: {  	[smem:$0x3FA6] =	sst s4  }
0xd: {  	[smem:$0x3FA7] =	sst s5  }
0xe: {  	[smem:$0x3FA8] =	sst s6  }
0xf: {  	[smem:$0x3FA9] =	sst s7  }
0x10: {  	[smem:$0x3FAA] =	sst s8  }
0x11: {  	[smem:$0x3FAB] =	sst s9;
	s0 =	simm.s32 @!p0 $0x0  }
0x12: {  	s1 =	sld [smem:$0x3F91];
	s0 =	simm.s32 @p0 $0x1  }
0x13: {  	[smem:$0x3FAC] =	sst s0;
	s0 =	simm.s32 @!p1 $0x0  }
0x14: {  	s2 =	sld [smem:$0x3F90];
	s0 =	simm.s32 @p1 $0x1  }
0x15: {  	[smem:$0x3FAD] =	sst s0;
	s0 =	simm.s32 @!p2 $0x0  }
0x16: {  	s3 =	sld [smem:$0x3FDB];
	s0 =	simm.s32 @p2 $0x1  }
0x17: {  	s4 =	simm.s32 $0x1BF5;
	[smem:$0x3FAF] =	sst s0  }
0x18: {  	s0 =	sld [smem:$0x3F92];
	_ =	swait.ge [sflag:s4], $0x0  }
0x19: {  	s7 =	sld [smem:$0x3F93]  }
0x1a: {  	s8 =	sadd.s32 $0xFFFFE003, lr  }
0x1b: {  	s9 =	sadd.s32 $0xFFFFFEF7, lr;
	s5 =	simm.s32 $0xFFFFFFFF;
	p2 =	slt.u32 s8, $0xFFFFF086  }
0x1c: {  	p1 =	slt.u32 s9, $0xF7A;
	s5 =	simm.s32 @!p2 $0x0  }
0x1d: {  	s5 =	simm.s32 @p1 $0x1;
	p0 =	seq.s32 s7, s2  }
0x1e: {  	s7 =	smul.u32 @!p0 $0xF7A, s2;
	p2 =	seq.s32 @!p0 s5, $0x0  }
0x1f: {  	s9 =	smul.u32 $0xF7A, s1;
	s8 =	simm.s32 @!p0 $0x1BF5;
	p2 =	por !p2, p0  }
0x20: {  	[sflag:s8] =	ssyncset.s32 @!p0 $0xFFFFF086;
	s6 =	sadd.s32 @!p0 s3, s7;
	s7 =	simm.s32 @!p0 $0x108  }
0x21: {  	s3 =	sadd.s32 s3, s9;
	s6 =	sadd.s32 @!p0 $0x88, s6;
	s7 =	simm.s32 @p2 $0x1082  }
0x22: {  	[simem:s7], [sflag:s8] =	dma.local @!p0 [hbm:s6], $0xF7A  }
0x23: {  	s9 =	sor.u32 $0xD0000000, s2;
	s6 =	simm.s32 $0x108;
	_ =	swait.ge @!p0 [sflag:s8], $0x0  }
0x24: {  	s3 =	sadd.s32 $0x88, s3;
	s6 =	simm.s32 @!p1 $0x1082;
	[sflag:s4] =	ssyncset.s32 $0xFFFFF086  }
0x25: {  	[simem:s6], [sflag:s4] =	dma.local [hbm:s3], $0xF7A  }
0x26: {  	[smem:$0x3F93] =	sst s1;
	(tag) =	ssettag s2;
	_ =	strace s9  }
0x27: {  	s1 =	sld [smem:$0x3FA3]  }
0x28: {  	s2 =	sld [smem:$0x3FA4]  }
0x29: {  	s4 =	sld [smem:$0x3FA6]  }
0x2a: {  	p0 =	seq.s32 s5, $0x0;
	s5 =	sld [smem:$0x3FA7]  }
0x2b: {  	s6 =	sld [smem:$0x3FA8]  }
0x2c: {  	s7 =	sld [smem:$0x3FA9]  }
0x2d: {  	s3 =	simm.s32 $0x108;
	s8 =	sld [smem:$0x3FAA]  }
0x2e: {  	s3 =	simm.s32 @!p0 $0x1082;
	s9 =	sld [smem:$0x3FAB]  }
0x2f: {  	lr =	sadd.s32 s0, s3;
	s0 =	sld [smem:$0x3FA2]  }
0x30: {  	s3 =	sld [smem:$0x3FA5]  }
0x31: {  	[smem:$0x3FAE] =	sst s10  }
0x32: {  	s10 =	sld [smem:$0x3FAC];
	_ =	sdelay $0x3  }
0x33: {  	p0 =	seq.s32 s10, $0x1;
	s10 =	sld [smem:$0x3FAE];
	_ =	sdelay $0x3  }
0x34: {  	[smem:$0x3FAE] =	sst s10  }
0x35: {  	s10 =	sld [smem:$0x3FAD];
	_ =	sdelay $0x3  }
0x36: {  	p1 =	seq.s32 s10, $0x1;
	s10 =	sld [smem:$0x3FAE];
	_ =	sdelay $0x3  }
0x37: {  	[smem:$0x3FAE] =	sst s10  }
0x38: {  	s10 =	sld [smem:$0x3FAF]  }
0x39: {  	_ = 	snop;
	(pc) =	sbr.ind lr, $3  }
0x3a: {  	_ = 	snop  }
0x3b: {  	_ = 	snop  }
0x3c: {  	p2 =	seq.s32 s10, $0x1;
	s10 =	sld [smem:$0x3FAE]  }
0x3d: {  	_ =	shalt  }
0x3e: {  	_ =	shalt  }
0x3f: {  	_ =	shalt  }
0x40: {  	_ =	shalt  }
0x41: {  	_ =	shalt  }
0x42: {  	_ =	shalt  }
0x43: {  	_ =	shalt  }
0x44: {  	_ =	shalt  }
0x45: {  	_ =	shalt  }
0x46: {  	_ =	shalt  }
0x47: {  	_ =	shalt  }
0x48: {  	_ =	shalt  }
0x49: {  	_ =	shalt  }
0x4a: {  	_ =	shalt  }
0x4b: {  	_ =	shalt  }
0x4c: {  	_ =	shalt  }
0x4d: {  	_ =	shalt  }
0x4e: {  	_ =	shalt  }
0x4f: {  	_ =	shalt  }
0x50: {  	_ =	shalt  }
0x51: {  	_ =	shalt  }
0x52: {  	_ =	shalt  }
0x53: {  	_ =	shalt  }
0x54: {  	_ =	shalt  }
0x55: {  	_ =	shalt  }
0x56: {  	_ =	shalt  }
0x57: {  	_ =	shalt  }
0x58: {  	_ =	shalt  }
0x59: {  	_ =	shalt  }
0x5a: {  	_ =	shalt  }
0x5b: {  	_ =	shalt  }
0x5c: {  	_ =	shalt  }
0x5d: {  	_ =	shalt  }
0x5e: {  	_ =	shalt  }
0x5f: {  	_ =	shalt  }
0x60: {  	_ =	shalt  }
0x61: {  	_ =	shalt  }
0x62: {  	_ =	shalt  }
0x63: {  	_ =	shalt  }
0x64: {  	_ =	shalt  }
0x65: {  	_ =	shalt  }
0x66: {  	_ =	shalt  }
0x67: {  	_ =	shalt  }
0x68: {  	_ =	shalt  }
0x69: {  	_ =	shalt  }
0x6a: {  	_ =	shalt  }
0x6b: {  	_ =	shalt  }
0x6c: {  	_ =	shalt  }
0x6d: {  	_ =	shalt  }
0x6e: {  	_ =	shalt  }
0x6f: {  	_ =	shalt  }
0x70: {  	_ =	shalt  }
0x71: {  	_ =	shalt  }
0x72: {  	_ =	shalt  }
0x73: {  	_ =	shalt  }
0x74: {  	_ =	shalt  }
0x75: {  	_ =	shalt  }
0x76: {  	_ =	shalt  }
0x77: {  	_ =	shalt  }
0x78: {  	_ =	shalt  }
0x79: {  	_ =	shalt  }
0x7a: {  	_ =	shalt  }
0x7b: {  	_ =	shalt  }
0x7c: {  	_ =	shalt  }
0x7d: {  	_ =	shalt  }
0x7e: {  	_ =	shalt  }
0x7f: {  	_ =	shalt  }
0x80: {  	_ =	shalt  }
0x81: {  	_ =	shalt  }
0x82: {  	_ =	shalt  }
0x83: {  	_ =	shalt  }
0x84: {  	_ =	shalt  }
0x85: {  	_ =	shalt  }
0x86: {  	_ =	shalt  }
0x87: {  	_ =	shalt  }
.Lfunc_end0:
.L_simem_size_0:
called_computation_lowered:
.L_overlay_start_0:
0x88: {  	s2 =	sld [smem:$0x3FD9]  }
0x89: {  	s3 =	sld [smem:$0x3FFE];
	_ =	sdelay $0x1  }
0x8a: {  	s1 =	srdreg.scid  }
0x8b: {  	s0 =	sand.u32 $0x1, s1  }
0x8c: {  	s16 =	sshll.u32 s0, $0xA;
	s2 =	sadd.s32 s3, s2  }
0x8d: {  	s2 =	sadd.s32 s2, s16  }
0x8e: {  	[smem:$0x3FBA] =	sst s2  }
0x8f: {  	_ = 	snop  }
0x90: {  	(tm) =	ssettm $0x1  }
0x91: {  	s17 =	sld [smem:$0x3FFB];
	_ =	sdelay $0x3  }
0x92: {  	_ =	strace s17  }
0x93: {  	s2 =	sld [smem:$0x3FFC];
	_ =	sdelay $0x3  }
0x94: {  	_ =	strace s2  }
0x95: {  	s2 =	sld [smem:$0x3FFD];
	_ =	sdelay $0x3  }
0x96: {  	_ =	strace s2  }
0x97: {  	_ =	strace $0x8FFFFFFF  }
0x98: {  	s18 =	sld [smem:$0x3FDB];
	_ =	sdelay $0x1  }
0x99: {  	s19 =	simm.s32 $_scs_section_size  }
0x9a: {  	s4 =	simm.s32 $_size__tile_overlayer_lowered;
	s5 =	simm.s32 $_tile_overlayer_lowered  }
0x9b: {  	s22 =	simm.s32 $0x1BFF;
	s21 =	sshll.u32 s5, $0x1;
	s2 =	sadd.s32 s19, s18  }
0x9c: {  	s6 =	simm.s32 $0x0;
	s20 =	sshll.u32 s4, $0x1;
	s4 =	sadd.s32 s21, s2  }
0x9d: {  	[timem:s6], [sflag:s22] =	dma.local [hbm:s4], s20  }
0x9e: {  	_ =	swait.ge [sflag:s22], s20  }
0x9f: {  	s3 =	ssub.s32 $0x0, s20;
	[sflag:s22] =	ssyncset.done $0x0  }
0xa0: {  	[sflag:s22] =	ssyncadd.s32 s3;
	_ =	sdelay $0x1  }
0xa1: {  	s23 =	simm.s32 $0x1B8B  }
0xa2: {  	_ =	swait.ge [sflag:s23], $0x1  }
0xa3: {  	[sflag:s23] =	ssyncset.done $0x0  }
0xa4: {  	s25 =	simm.s32 $0x1B8E;
	s24 =	sld [smem:$0x3FFE];
	[sflag:s23] =	ssyncadd.s32 $0xFFFFFFFF  }
0xa5: {  	s26 =	simm.s32 $execute0_lowered;
	[smem:$0x3FD2] =	sst s25  }
0xa6: {  	s4 =	sshll.u32 s26, $0x1;
	_ =	strace $0x80000046;
	[dreg:$0x1] =	wrdreg $0xFFFFFFFF  }
0xa7: {  	s28 =	simm.s32 $_size_execute0_lowered;
	s2 =	sadd.s32 s2, s4;
	[dreg:$0x0] =	wrdreg $0x0  }
0xa8: {  	s4 =	sshll.u32 s28, $0x1;
	[dreg:$0x2] =	wrdreg s2  }
0xa9: {  	[dreg:$0x3] =	wrdreg s4  }
0xaa: {  	[dreg:$0x4] =	wrdreg $0xC0  }
0xab: {  	_ =	task [dreg:s6], $0x5FFFF  }
0xac: {  	[dreg:$0x1] =	wrdreg $0xFFFFFFFF  }
0xad: {  	[dreg:$0x0] =	wrdreg $0x60  }
0xae: {  	[dreg:$0x2] =	wrdreg s24  }
0xaf: {  	[dreg:$0x3] =	wrdreg $0x9  }
0xb0: {  	_ =	task.clear_ibuf [dreg:s6], $0x4FFFF;
	_ =	strace $0x90000046  }
0xb1: {  	s29 =	simm.s32 $0x9;
	_ =	strace $0x80000048  }
0xb2: {  	_ =	swait.ge [sflag:s29], $0x1  }
0xb3: {  	[sflag:s29] =	ssyncadd.s32 $0xFFFFFFFF  }
0xb4: {  	_ =	strace $0x90000048  }
0xb5: {  	_ =	sfence  }
0xb6: {  	s30 =	sld [smem:$0x0];
	_ =	sdelay $0x2  }
0xb7: {  	s31 =	sshll.u32 s1, $0xD;
	s1 =	sshrl.u32 s1, $0x2  }
0xb8: {  	s3 =	sand.u32 $0x4000, s31;
	s1 =	sadd.s32 s1, s30  }
0xb9: {  	s0 =	sor.u32 s3, s0;
	s1 =	sshll.u32 s1, $0x11  }
0xba: {  	s0 =	sor.u32 s1, s0  }
0xbb: {  	s0 =	sadd.s32 $0x8F2B, s0  }
0xbc: {  	[sflag:s0] =	ssyncadd.remote.s32 $0x1  }
0xbd: {  	_ =	sfence.sel $0xFFFF  }
0xbe: {  	[dreg:$0x0] =	wrdreg $0xFFFFFFFF;
	(pc) =	sbr.abs _section_cstart, $3  }
0xbf: {  	[dreg:$0x1] =	wrdreg $0xFFFFFFFF  }
0xc0: {  	_ =	task.clear_ibuf [dreg:s6], $0x2FFFF;
	_ =	strace $0x9FFFFFFF  }
0xc1: {  	(tm) =	ssettm $0x7FFFFFFF  }
tec
execute0_lowered:
.L_overlay_start_1:
0x0: {  	(tag) =	ssettag $0x1  }
0x1: {  	s0 =	rddreg [dreg:$0x0]  }
0x2: {  	s1 =	srdreg.scid;
	s3 =	stileid.u32;
	s2 =	simm.s32 $0x0  }
0x3: {  	s14 =	simm.s32 $0x7;
	s16 =	simm.s32 $0x80;
	s17 =	simm.s32 $0x5000  }
0x4: {  	s18 =	simm.s32 $0xD000;
	s19 =	simm.s32 $0x1;
	s20 =	simm.s32 $0x2  }
0x5: {  	s21 =	simm.s32 $0x9000;
	s1 =	sand.u32 $0x1, s1;
	s3 =	sshll.u32 s3, $0x1  }
0x6: {  	s23 =	simm.s32 $0x11000;
	s30 =	simm.s32 $0x19000;
	s6 =	sor.u32 s1, s3  }
0x7: {  	s31 =	simm.s32 $0x5;
	s28 =	simm.s32 $0x0;
	s5 =	smul.u32 $0x500, s6  }
0x8: {  	[smem:$0x7FF] =	sst s2;
	s4 =	sadd.s32 $0x3FC00, s0;
	s7 =	smul.u32 $0x28000, s6  }
0x9: {  	_ =	strace $0x80000047;
	s1 =	ssub.s32 $0x2, s1;
	s10 =	smul.u32 $0x140000, s6  }
0xa: {  	s3 =	sadd.s32 $0x17C00, s0;
	s8 =	sshrl.u32 s1, $0x1;
	s6 =	smul.u32 $0x50, s6  }
0xb: {  	s24 =	ssub.s32 s1, s8;
	s9 =	sadd.s32 s5, s0;
	s5 =	sadd.s32 $0x68400, s0  }
0xc: {  	s26 =	sshrl.u32 s10, $0x3;
	s13 =	smax.u32 s24, $0x1;
	s24 =	simm.s32 $0x15000  }
0xd: {  	s0 =	simm.s32 $0x6;
	s25 =	sadd.s32 $0x3C00, s9;
	s8 =	sadd.s32 s5, s7  }
0xe: {  	s29 =	sadd.s32 $0xDC00, s9;
	s1 =	sadd.s32 s5, s26;
	[dreg:$0x2] =	wrdreg s25  }
0xf: {  	s26 =	simm.s32 $0x4;
	[dreg:$0x3] =	wrdreg s29;
	s10 =	sadd.s32 $0x800, s8  }
0x10: {  	s11 =	sadd.s32 $0x27000, s1;
	s12 =	sadd.s32 $0x27800, s1;
	s25 =	simm.s32 $0x3  }
.LBB2_1:
0x11: {  	s1 =	rddreg [dreg:$0x2]  }
0x12: {  	[tilespmem:s2], [sflag:$0x7] =	stream.linear.gather [hbm4b:s1+s2], $0x2800, $0x38;
	[tilespmem:$0x1D000] =	vst v63  }
0x13: {  	_ =	swait.ge [sflag:s14], $0x2800  }
0x14: {  	[sflag:s14] =	ssyncset.done $0x0  }
0x15: {  	s7 =	simm.s32 $0x2800;
	s22 =	rddreg [dreg:$0x3];
	[sflag:s14] =	ssyncadd.s32 $0xFFFFD800  }
0x16: {  	[tilespmem:s7], [sflag:$0x7] =	stream.linear.gather [hbm4b:s22+s2], $0x2800, $0x38;
	[tilespmem:$0x1D000] =	vst v63  }
0x17: {  	_ =	swait.ge [sflag:s14], $0x2800  }
0x18: {  	[sflag:s14] =	ssyncset.done $0x0  }
0x19: {  	[sflag:s14] =	ssyncadd.s32 $0xFFFFD800  }
0x1a: {  	[tilespmem:s17], [sflag:$0x1] =	stream.indirect.gather [hbm4b:s3+s16], $0x80, s2, s16, $0xb8;
	[tilespmem:$0x1D000] =	vst v63  }
0x1b: {  	_ = 	snop  }
0x1c: {  	[tilespmem:s18], [sflag:$0x2] =	stream.indirect.gather [hbm4b:s4+s16], $0x80, s7, s16, $0xb8;
	[tilespmem:$0x1D000] =	vst v63  }
0x1d: {  	_ =	swait.ge [sflag:s19], $0x4000  }
0x1e: {  	[sflag:s19] =	ssyncset.done $0x0  }
0x1f: {  	[sflag:s19] =	ssyncadd.s32 $0xFFFFC000  }
0x20: {  	_ =	swait.ge [sflag:s20], $0x4000  }
0x21: {  	[sflag:s20] =	ssyncset.done $0x0  }
0x22: {  	[sflag:s20] =	ssyncadd.s32 $0xFFFFC000  }
0x23: {  	[tilespmem:s21], [sflag:$0x3] =	stream.indirect.gather [hbm4b:s3+s16], $0x80, s16, s16, $0xb8;
	[tilespmem:$0x1D000] =	vst v63  }
0x24: {  	s29 =	simm.s32 $0x2880;
	s1 =	simm.s32 $0x0  }
0x25: {  	[tilespmem:s23], [sflag:$0x4] =	stream.indirect.gather [hbm4b:s4+s16], $0x80, s29, s16, $0xb8;
	[tilespmem:$0x1D000] =	vst v63  }
0x26: {  	v0 =	vld [tilespmem:s1+$0x5070]  }
0x27: {  	v1 =	vld [tilespmem:s1+$0xD070]  }
0x28: {  	v2 =	vld [tilespmem:s1+$0x5000]  }
0x29: {  	v3 =	vld [tilespmem:s1+$0xD000]  }
0x2a: {  	v4 =	vld [tilespmem:s1+$0x5010]  }
0x2b: {  	v5 =	vld [tilespmem:s1+$0xD010]  }
0x2c: {  	v6 =	vld [tilespmem:s1+$0x5020]  }
0x2d: {  	v7 =	vld [tilespmem:s1+$0x5030]  }
0x2e: {  	v0 =	vadd.f32 v1, v0;
	v1 =	vld [tilespmem:s1+$0xD020]  }
0x2f: {  	v8 =	vld [tilespmem:s1+$0xD030]  }
0x30: {  	v9 =	vld [tilespmem:s1+$0xD040];
	v2 =	vadd.f32 v3, v2  }
0x31: {  	[tilespmem:s1+$0x15070] =	vst v0;
	v0 =	vadd.f32 v5, v4;
	v5 =	vld [tilespmem:s1+$0x5040]  }
0x32: {  	v3 =	vld [tilespmem:s1+$0xD050];
	[tilespmem:s1+$0x15000] =	vst v2  }
0x33: {  	v2 =	vld [tilespmem:s1+$0x5050];
	[tilespmem:s1+$0x15010] =	vst v0;
	v0 =	vadd.f32 v1, v6  }
0x34: {  	v4 =	vld [tilespmem:s1+$0xD060];
	v6 =	vadd.f32 v8, v7  }
0x35: {  	s7 =	simm.s32 $0x80;
	[tilespmem:s1+$0x15020] =	vst v0;
	v0 =	vld [tilespmem:s1+$0x5060]  }
0x36: {  	s15 =	simm.s32 $0x400;
	v5 =	vadd.f32 v9, v5;
	v1 =	vld [tilespmem:s7+$0x5070];
	[tilespmem:s1+$0x15030] =	vst v6  }
.LBB2_2:
0x37: {  	p0 =	sne.s32 s15, $0xFE00;
	v6 =	vld [tilespmem:s7+$0xD070]  }
0x38: {  	v7 =	vld [tilespmem:s7+$0x5000];
	[tilespmem:s1+$0x15040] =	vst v5;
	v2 =	vadd.f32 v3, v2  }
0x39: {  	v3 =	vld [tilespmem:s7+$0xD000]  }
0x3a: {  	v5 =	vld [tilespmem:s7+$0x5010];
	[tilespmem:s1+$0x15050] =	vst v2;
	v0 =	vadd.f32 v4, v0  }
0x3b: {  	v2 =	vld [tilespmem:s7+$0xD010]  }
0x3c: {  	v4 =	vld [tilespmem:s7+$0x5020];
	v1 =	vadd.f32 v6, v1;
	[tilespmem:s1+$0x15060] =	vst v0;
	s1 =	smov.u32 s7  }
0x3d: {  	v0 =	vld [tilespmem:s1+$0xD020]  }
0x3e: {  	v3 =	vadd.f32 v3, v7;
	v6 =	vld [tilespmem:s1+$0x5030];
	[tilespmem:s1+$0x15070] =	vst v1  }
0x3f: {  	v1 =	vld [tilespmem:s1+$0xD030]  }
0x40: {  	[tilespmem:s1+$0x15000] =	vst v3;
	v2 =	vadd.f32 v2, v5;
	v5 =	vld [tilespmem:s1+$0x5040]  }
0x41: {  	v7 =	vld [tilespmem:s1+$0xD040]  }
.Ltmp0:
0x42: {  	[tilespmem:s1+$0x15010] =	vst v2;
	v0 =	vadd.f32 v0, v4;
	v2 =	vld [tilespmem:s1+$0x5050];
	(pc) =	sbr.rel @p0 .LBB2_2-.Ltmp0, $4  }
0x43: {  	v3 =	vld [tilespmem:s1+$0xD050]  }
0x44: {  	[tilespmem:s1+$0x15020] =	vst v0;
	v6 =	vadd.f32 v1, v6;
	v0 =	vld [tilespmem:s1+$0x5060]  }
0x45: {  	s7 =	sshra.s32 s15, $0x2;
	v4 =	vld [tilespmem:s1+$0xD060]  }
0x46: {  	s15 =	sadd.s32 $0x200, s15;
	v1 =	vld [tilespmem:s7+$0x5070];
	[tilespmem:s1+$0x15030] =	vst v6;
	v5 =	vadd.f32 v7, v5  }
0x47: {  	v6 =	vld [tilespmem:s7+$0xD070]  }
0x48: {  	v7 =	vld [tilespmem:s7+$0x5000];
	[tilespmem:s1+$0x15040] =	vst v5;
	v2 =	vadd.f32 v3, v2  }
0x49: {  	v3 =	vld [tilespmem:s7+$0xD000]  }
0x4a: {  	v5 =	vld [tilespmem:s7+$0x5010];
	[tilespmem:s1+$0x15050] =	vst v2;
	v0 =	vadd.f32 v4, v0  }
0x4b: {  	v2 =	vld [tilespmem:s7+$0xD010]  }
0x4c: {  	v4 =	vld [tilespmem:s7+$0x5020];
	[tilespmem:s1+$0x15060] =	vst v0  }
0x4d: {  	v0 =	vadd.f32 v6, v1;
	v1 =	vld [tilespmem:s7+$0xD020]  }
0x4e: {  	v6 =	vld [tilespmem:s7+$0x5030]  }
0x4f: {  	v3 =	vadd.f32 v3, v7;
	[tilespmem:s7+$0x15070] =	vst v0;
	v0 =	vld [tilespmem:s7+$0xD030]  }
0x50: {  	v7 =	vld [tilespmem:s7+$0xD060]  }
0x51: {  	[tilespmem:s7+$0x15000] =	vst v3;
	v2 =	vadd.f32 v2, v5;
	v3 =	vld [tilespmem:s7+$0x5040]  }
0x52: {  	v5 =	vld [tilespmem:s7+$0xD040]  }
0x53: {  	[tilespmem:s7+$0x15010] =	vst v2;
	v1 =	vadd.f32 v1, v4;
	v2 =	vld [tilespmem:s7+$0x5050]  }
0x54: {  	v4 =	vld [tilespmem:s7+$0xD050]  }
0x55: {  	[tilespmem:s7+$0x15020] =	vst v1;
	v1 =	vld [tilespmem:s7+$0x5060];
	_ =	sdelay $0x1  }
0x56: {  	v0 =	vadd.f32 v0, v6  }
0x57: {  	v3 =	vadd.f32 v5, v3  }
0x58: {  	[tilespmem:s7+$0x15030] =	vst v0;
	v0 =	vadd.f32 v4, v2  }
0x59: {  	[tilespmem:s7+$0x15040] =	vst v3;
	v1 =	vadd.f32 v7, v1  }
0x5a: {  	[tilespmem:s7+$0x15050] =	vst v0  }
0x5b: {  	s15 =	simm.s32 $0x0;
	[tilespmem:s7+$0x15060] =	vst v1  }
0x5c: {  	[hbm4b:s8+s15] =	stream.linear.scatter [tilespmem:s24], [sflag:$0x5], $0x4000, $0x38;
	[tilespmem:$0x1D000] =	vst v63  }
0x5d: {  	_ =	swait.ge [sflag:s25], $0x4000  }
0x5e: {  	[sflag:s25] =	ssyncset.done $0x0  }
0x5f: {  	[sflag:s25] =	ssyncadd.s32 $0xFFFFC000  }
0x60: {  	_ =	swait.ge [sflag:s26], $0x4000  }
0x61: {  	[sflag:s26] =	ssyncset.done $0x0  }
0x62: {  	s22 =	simm.s32 $0x100;
	[sflag:s26] =	ssyncadd.s32 $0xFFFFC000  }
0x63: {  	[tilespmem:s17], [sflag:$0x1] =	stream.indirect.gather [hbm4b:s3+s16], $0x80, s22, s16, $0xb8;
	[tilespmem:$0x1D000] =	vst v63  }
0x64: {  	s29 =	simm.s32 $0x2900;
	s1 =	simm.s32 $0x0  }
0x65: {  	[tilespmem:s18], [sflag:$0x2] =	stream.indirect.gather [hbm4b:s4+s16], $0x80, s29, s16, $0xb8;
	[tilespmem:$0x1D000] =	vst v63  }
0x66: {  	v0 =	vld [tilespmem:s1+$0x9070]  }
0x67: {  	v1 =	vld [tilespmem:s1+$0x11070]  }
0x68: {  	v2 =	vld [tilespmem:s1+$0x9000]  }
0x69: {  	v3 =	vld [tilespmem:s1+$0x11000]  }
0x6a: {  	v4 =	vld [tilespmem:s1+$0x9010]  }
0x6b: {  	v5 =	vld [tilespmem:s1+$0x11010]  }
0x6c: {  	v6 =	vld [tilespmem:s1+$0x9020]  }
0x6d: {  	v7 =	vld [tilespmem:s1+$0x9030]  }
0x6e: {  	v0 =	vadd.f32 v1, v0;
	v1 =	vld [tilespmem:s1+$0x11020]  }
0x6f: {  	v8 =	vld [tilespmem:s1+$0x11030]  }
0x70: {  	v9 =	vld [tilespmem:s1+$0x11040];
	v2 =	vadd.f32 v3, v2  }
0x71: {  	[tilespmem:s1+$0x19070] =	vst v0;
	v0 =	vadd.f32 v5, v4;
	v5 =	vld [tilespmem:s1+$0x9040]  }
0x72: {  	v3 =	vld [tilespmem:s1+$0x11050];
	[tilespmem:s1+$0x19000] =	vst v2  }
0x73: {  	v2 =	vld [tilespmem:s1+$0x9050];
	[tilespmem:s1+$0x19010] =	vst v0;
	v0 =	vadd.f32 v1, v6  }
0x74: {  	v4 =	vld [tilespmem:s1+$0x11060];
	v6 =	vadd.f32 v8, v7  }
0x75: {  	s7 =	simm.s32 $0x80;
	[tilespmem:s1+$0x19020] =	vst v0;
	v0 =	vld [tilespmem:s1+$0x9060]  }
0x76: {  	s15 =	simm.s32 $0x400;
	v5 =	vadd.f32 v9, v5;
	v1 =	vld [tilespmem:s7+$0x9070];
	[tilespmem:s1+$0x19030] =	vst v6  }
.LBB2_4:
0x77: {  	p0 =	sne.s32 s15, $0xFE00;
	v6 =	vld [tilespmem:s7+$0x11070]  }
0x78: {  	v7 =	vld [tilespmem:s7+$0x9000];
	[tilespmem:s1+$0x19040] =	vst v5;
	v2 =	vadd.f32 v3, v2  }
0x79: {  	v3 =	vld [tilespmem:s7+$0x11000]  }
0x7a: {  	v5 =	vld [tilespmem:s7+$0x9010];
	[tilespmem:s1+$0x19050] =	vst v2;
	v0 =	vadd.f32 v4, v0  }
0x7b: {  	v2 =	vld [tilespmem:s7+$0x11010]  }
0x7c: {  	v4 =	vld [tilespmem:s7+$0x9020];
	v1 =	vadd.f32 v6, v1;
	[tilespmem:s1+$0x19060] =	vst v0;
	s1 =	smov.u32 s7  }
0x7d: {  	v0 =	vld [tilespmem:s1+$0x11020]  }
0x7e: {  	v3 =	vadd.f32 v3, v7;
	v6 =	vld [tilespmem:s1+$0x9030];
	[tilespmem:s1+$0x19070] =	vst v1  }
0x7f: {  	v1 =	vld [tilespmem:s1+$0x11030]  }
0x80: {  	[tilespmem:s1+$0x19000] =	vst v3;
	v2 =	vadd.f32 v2, v5;
	v5 =	vld [tilespmem:s1+$0x9040]  }
0x81: {  	v7 =	vld [tilespmem:s1+$0x11040]  }
.Ltmp1:
0x82: {  	[tilespmem:s1+$0x19010] =	vst v2;
	v0 =	vadd.f32 v0, v4;
	v2 =	vld [tilespmem:s1+$0x9050];
	(pc) =	sbr.rel @p0 .LBB2_4-.Ltmp1, $4  }
0x83: {  	v3 =	vld [tilespmem:s1+$0x11050]  }
0x84: {  	[tilespmem:s1+$0x19020] =	vst v0;
	v6 =	vadd.f32 v1, v6;
	v0 =	vld [tilespmem:s1+$0x9060]  }
0x85: {  	s7 =	sshra.s32 s15, $0x2;
	v4 =	vld [tilespmem:s1+$0x11060]  }
0x86: {  	s15 =	sadd.s32 $0x200, s15;
	v1 =	vld [tilespmem:s7+$0x9070];
	[tilespmem:s1+$0x19030] =	vst v6;
	v5 =	vadd.f32 v7, v5  }
0x87: {  	v6 =	vld [tilespmem:s7+$0x11070]  }
0x88: {  	v7 =	vld [tilespmem:s7+$0x9000];
	[tilespmem:s1+$0x19040] =	vst v5;
	v2 =	vadd.f32 v3, v2  }
0x89: {  	v51 =	vld [tilespmem:s7+$0x11000]  }
0x8a: {  	v5 =	vld [tilespmem:s7+$0x9010];
	[tilespmem:s1+$0x19050] =	vst v2;
	v0 =	vadd.f32 v4, v0  }
0x8b: {  	v2 =	vld [tilespmem:s7+$0x11010]  }
0x8c: {  	v52 =	vld [tilespmem:s7+$0x9020];
	[tilespmem:s1+$0x19060] =	vst v0  }
0x8d: {  	v54 =	vld [tilespmem:s7+$0x11020]  }
0x8e: {  	v55 =	vld [tilespmem:s7+$0x9030]  }
0x8f: {  	v56 =	vld [tilespmem:s7+$0x11030]  }
0x90: {  	v57 =	vld [tilespmem:s7+$0x9040]  }
0x91: {  	v58 =	vld [tilespmem:s7+$0x11040]  }
0x92: {  	v59 =	vld [tilespmem:s7+$0x9050]  }
0x93: {  	v53 =	vadd.f32 v6, v1;
	v60 =	vld [tilespmem:s7+$0x11050]  }
0x94: {  	v61 =	vld [tilespmem:s7+$0x9060];
	v3 =	vadd.f32 v51, v7  }
0x95: {  	v62 =	vld [tilespmem:s7+$0x11060];
	[tilespmem:s7+$0x19070] =	vst v53;
	v2 =	vadd.f32 v2, v5  }
0x96: {  	[tilespmem:s7+$0x19000] =	vst v3;
	v1 =	vadd.f32 v54, v52  }
0x97: {  	[tilespmem:s7+$0x19010] =	vst v2;
	v0 =	vadd.f32 v56, v55  }
0x98: {  	v3 =	vadd.f32 v58, v57;
	[tilespmem:s7+$0x19020] =	vst v1  }
0x99: {  	v63 =	vadd.f32 v60, v59;
	[tilespmem:s7+$0x19030] =	vst v0  }
0x9a: {  	[tilespmem:s7+$0x19040] =	vst v3;
	v1 =	vadd.f32 v62, v61  }
0x9b: {  	[tilespmem:s7+$0x19050] =	vst v63  }
0x9c: {  	s29 =	simm.s32 $0x1;
	[tilespmem:s7+$0x19060] =	vst v1  }
0x9d: {  	[hbm4b:s10+s2] =	stream.linear.scatter [tilespmem:s30], [sflag:$0x6], $0x4000, $0x38;
	[tilespmem:$0x1D000] =	vst v63  }
.LBB2_6:
0x9e: {  	_ =	swait.ge [sflag:s19], $0x4000  }
0x9f: {  	[sflag:s19] =	ssyncset.done $0x0  }
0xa0: {  	[sflag:s19] =	ssyncadd.s32 $0xFFFFC000  }
0xa1: {  	_ =	swait.ge [sflag:s20], $0x4000  }
0xa2: {  	s1 =	sshllo.u32 s29, $0x1;
	[sflag:s20] =	ssyncset.done $0x0  }
0xa3: {  	s7 =	sshll.u32 s1, $0x7;
	[sflag:s20] =	ssyncadd.s32 $0xFFFFC000  }
0xa4: {  	[tilespmem:s21], [sflag:$0x3] =	stream.indirect.gather [hbm4b:s3+s16], $0x80, s7, s16, $0xb8;
	[tilespmem:$0x1D000] =	vst v63  }
0xa5: {  	s7 =	sadd.s32 $0x2800, s7  }
0xa6: {  	[tilespmem:s23], [sflag:$0x4] =	stream.indirect.gather [hbm4b:s4+s16], $0x80, s7, s16, $0xb8;
	[tilespmem:$0x1D000] =	vst v63  }
0xa7: {  	_ =	swait.ge [sflag:s31], $0x4000  }
0xa8: {  	[sflag:s31] =	ssyncset.done $0x0  }
0xa9: {  	s22 =	simm.s32 $0x0;
	[sflag:s31] =	ssyncadd.s32 $0xFFFFC000  }
0xaa: {  	v0 =	vld [tilespmem:s22+$0x5070]  }
0xab: {  	v1 =	vld [tilespmem:s22+$0xD070]  }
0xac: {  	v2 =	vld [tilespmem:s22+$0x5000]  }
0xad: {  	v3 =	vld [tilespmem:s22+$0xD000]  }
0xae: {  	v4 =	vld [tilespmem:s22+$0x5010]  }
0xaf: {  	v5 =	vld [tilespmem:s22+$0xD010]  }
0xb0: {  	v6 =	vld [tilespmem:s22+$0x5020]  }
0xb1: {  	v7 =	vld [tilespmem:s22+$0x5030]  }
0xb2: {  	v0 =	vadd.f32 v1, v0;
	v1 =	vld [tilespmem:s22+$0xD020]  }
0xb3: {  	v8 =	vld [tilespmem:s22+$0xD030]  }
0xb4: {  	v9 =	vld [tilespmem:s22+$0xD040];
	v2 =	vadd.f32 v3, v2  }
0xb5: {  	[tilespmem:s22+$0x15070] =	vst v0;
	v0 =	vadd.f32 v5, v4;
	v5 =	vld [tilespmem:s22+$0x5040]  }
0xb6: {  	v3 =	vld [tilespmem:s22+$0xD050];
	[tilespmem:s22+$0x15000] =	vst v2  }
0xb7: {  	v2 =	vld [tilespmem:s22+$0x5050];
	[tilespmem:s22+$0x15010] =	vst v0;
	v0 =	vadd.f32 v1, v6  }
0xb8: {  	v4 =	vld [tilespmem:s22+$0xD060];
	v6 =	vadd.f32 v8, v7  }
0xb9: {  	s7 =	simm.s32 $0x80;
	[tilespmem:s22+$0x15020] =	vst v0;
	v0 =	vld [tilespmem:s22+$0x5060]  }
0xba: {  	s15 =	sshll.u32 s29, $0x1;
	s9 =	simm.s32 $0x400;
	v5 =	vadd.f32 v9, v5;
	v1 =	vld [tilespmem:s7+$0x5070];
	[tilespmem:s22+$0x15030] =	vst v6  }
.LBB2_7:
0xbb: {  	p0 =	sne.s32 s9, $0xFE00;
	v6 =	vld [tilespmem:s7+$0xD070]  }
0xbc: {  	v7 =	vld [tilespmem:s7+$0x5000];
	[tilespmem:s22+$0x15040] =	vst v5;
	v2 =	vadd.f32 v3, v2  }
0xbd: {  	v3 =	vld [tilespmem:s7+$0xD000]  }
0xbe: {  	v5 =	vld [tilespmem:s7+$0x5010];
	[tilespmem:s22+$0x15050] =	vst v2;
	v0 =	vadd.f32 v4, v0  }
0xbf: {  	v2 =	vld [tilespmem:s7+$0xD010]  }
0xc0: {  	v4 =	vld [tilespmem:s7+$0x5020];
	v1 =	vadd.f32 v6, v1;
	[tilespmem:s22+$0x15060] =	vst v0;
	s22 =	smov.u32 s7  }
0xc1: {  	v0 =	vld [tilespmem:s22+$0xD020]  }
0xc2: {  	v3 =	vadd.f32 v3, v7;
	v6 =	vld [tilespmem:s22+$0x5030];
	[tilespmem:s22+$0x15070] =	vst v1  }
0xc3: {  	v1 =	vld [tilespmem:s22+$0xD030]  }
0xc4: {  	[tilespmem:s22+$0x15000] =	vst v3;
	v2 =	vadd.f32 v2, v5;
	v5 =	vld [tilespmem:s22+$0x5040]  }
0xc5: {  	v7 =	vld [tilespmem:s22+$0xD040]  }
.Ltmp2:
0xc6: {  	[tilespmem:s22+$0x15010] =	vst v2;
	v0 =	vadd.f32 v0, v4;
	v2 =	vld [tilespmem:s22+$0x5050];
	(pc) =	sbr.rel @p0 .LBB2_7-.Ltmp2, $4  }
0xc7: {  	v3 =	vld [tilespmem:s22+$0xD050]  }
0xc8: {  	[tilespmem:s22+$0x15020] =	vst v0;
	v6 =	vadd.f32 v1, v6;
	v0 =	vld [tilespmem:s22+$0x5060]  }
0xc9: {  	s7 =	sshra.s32 s9, $0x2;
	v4 =	vld [tilespmem:s22+$0xD060]  }
0xca: {  	s9 =	sadd.s32 $0x200, s9;
	v1 =	vld [tilespmem:s7+$0x5070];
	[tilespmem:s22+$0x15030] =	vst v6;
	v5 =	vadd.f32 v7, v5  }
0xcb: {  	v6 =	vld [tilespmem:s7+$0xD070]  }
0xcc: {  	v7 =	vld [tilespmem:s7+$0x5000];
	[tilespmem:s22+$0x15040] =	vst v5;
	v2 =	vadd.f32 v3, v2  }
0xcd: {  	v3 =	vld [tilespmem:s7+$0xD000]  }
0xce: {  	v5 =	vld [tilespmem:s7+$0x5010];
	[tilespmem:s22+$0x15050] =	vst v2;
	v0 =	vadd.f32 v4, v0  }
0xcf: {  	v2 =	vld [tilespmem:s7+$0xD010]  }
0xd0: {  	v4 =	vld [tilespmem:s7+$0x5020];
	[tilespmem:s22+$0x15060] =	vst v0  }
0xd1: {  	v0 =	vadd.f32 v6, v1;
	v1 =	vld [tilespmem:s7+$0xD020]  }
0xd2: {  	v6 =	vld [tilespmem:s7+$0x5030]  }
0xd3: {  	v3 =	vadd.f32 v3, v7;
	[tilespmem:s7+$0x15070] =	vst v0;
	v0 =	vld [tilespmem:s7+$0xD030]  }
0xd4: {  	v7 =	vld [tilespmem:s7+$0xD060]  }
0xd5: {  	[tilespmem:s7+$0x15000] =	vst v3;
	v2 =	vadd.f32 v2, v5;
	v3 =	vld [tilespmem:s7+$0x5040]  }
0xd6: {  	v5 =	vld [tilespmem:s7+$0xD040]  }
0xd7: {  	[tilespmem:s7+$0x15010] =	vst v2;
	v1 =	vadd.f32 v1, v4;
	v2 =	vld [tilespmem:s7+$0x5050]  }
0xd8: {  	v4 =	vld [tilespmem:s7+$0xD050]  }
0xd9: {  	[tilespmem:s7+$0x15020] =	vst v1;
	v1 =	vld [tilespmem:s7+$0x5060];
	_ =	sdelay $0x1  }
0xda: {  	v0 =	vadd.f32 v0, v6  }
0xdb: {  	v3 =	vadd.f32 v5, v3  }
0xdc: {  	s9 =	sadd.s32 s6, s15;
	[tilespmem:s7+$0x15030] =	vst v0;
	v0 =	vadd.f32 v4, v2  }
0xdd: {  	s9 =	sshll.u32 s9, $0xB;
	[tilespmem:s7+$0x15040] =	vst v3;
	v1 =	vadd.f32 v7, v1  }
0xde: {  	s9 =	sand.u32 $0x1FFFF000, s9;
	[tilespmem:s7+$0x15050] =	vst v0  }
0xdf: {  	s15 =	sadd.s32 s5, s9;
	s22 =	simm.s32 $0x0;
	[tilespmem:s7+$0x15060] =	vst v1  }
0xe0: {  	[hbm4b:s15+s22] =	stream.linear.scatter [tilespmem:s24], [sflag:$0x5], $0x4000, $0x38;
	[tilespmem:$0x1D000] =	vst v63  }
0xe1: {  	_ =	swait.ge [sflag:s25], $0x4000  }
0xe2: {  	[sflag:s25] =	ssyncset.done $0x0  }
0xe3: {  	[sflag:s25] =	ssyncadd.s32 $0xFFFFC000  }
0xe4: {  	_ =	swait.ge [sflag:s26], $0x4000  }
0xe5: {  	s15 =	sshll.u32 s29, $0x8;
	[sflag:s26] =	ssyncset.done $0x0  }
0xe6: {  	s22 =	sadd.s32 $0x100, s15;
	[sflag:s26] =	ssyncadd.s32 $0xFFFFC000  }
0xe7: {  	[tilespmem:s17], [sflag:$0x1] =	stream.indirect.gather [hbm4b:s3+s16], $0x80, s22, s16, $0xb8;
	[tilespmem:$0x1D000] =	vst v63  }
0xe8: {  	s7 =	sadd.s32 $0x2900, s15  }
0xe9: {  	[tilespmem:s18], [sflag:$0x2] =	stream.indirect.gather [hbm4b:s4+s16], $0x80, s7, s16, $0xb8;
	[tilespmem:$0x1D000] =	vst v63  }
0xea: {  	_ =	swait.ge [sflag:s0], $0x4000  }
0xeb: {  	[sflag:s0] =	ssyncset.done $0x0  }
0xec: {  	s22 =	simm.s32 $0x0;
	[sflag:s0] =	ssyncadd.s32 $0xFFFFC000  }
0xed: {  	v0 =	vld [tilespmem:s22+$0x9070]  }
0xee: {  	v1 =	vld [tilespmem:s22+$0x11070]  }
0xef: {  	v2 =	vld [tilespmem:s22+$0x9000]  }
0xf0: {  	v3 =	vld [tilespmem:s22+$0x11000]  }
0xf1: {  	v4 =	vld [tilespmem:s22+$0x9010]  }
0xf2: {  	v5 =	vld [tilespmem:s22+$0x11010]  }
0xf3: {  	v6 =	vld [tilespmem:s22+$0x9020]  }
0xf4: {  	v7 =	vld [tilespmem:s22+$0x9030]  }
0xf5: {  	v0 =	vadd.f32 v1, v0;
	v1 =	vld [tilespmem:s22+$0x11020]  }
0xf6: {  	v8 =	vld [tilespmem:s22+$0x11030]  }
0xf7: {  	v9 =	vld [tilespmem:s22+$0x11040];
	v2 =	vadd.f32 v3, v2  }
0xf8: {  	[tilespmem:s22+$0x19070] =	vst v0;
	v0 =	vadd.f32 v5, v4;
	v5 =	vld [tilespmem:s22+$0x9040]  }
0xf9: {  	v3 =	vld [tilespmem:s22+$0x11050];
	[tilespmem:s22+$0x19000] =	vst v2  }
0xfa: {  	v2 =	vld [tilespmem:s22+$0x9050];
	[tilespmem:s22+$0x19010] =	vst v0;
	v0 =	vadd.f32 v1, v6  }
0xfb: {  	v4 =	vld [tilespmem:s22+$0x11060];
	v6 =	vadd.f32 v8, v7  }
0xfc: {  	s7 =	simm.s32 $0x80;
	[tilespmem:s22+$0x19020] =	vst v0;
	v0 =	vld [tilespmem:s22+$0x9060]  }
0xfd: {  	s9 =	simm.s32 $0x400;
	v5 =	vadd.f32 v9, v5;
	v1 =	vld [tilespmem:s7+$0x9070];
	[tilespmem:s22+$0x19030] =	vst v6  }
.LBB2_9:
0xfe: {  	p0 =	sne.s32 s9, $0xFE00;
	v6 =	vld [tilespmem:s7+$0x11070]  }
0xff: {  	v7 =	vld [tilespmem:s7+$0x9000];
	[tilespmem:s22+$0x19040] =	vst v5;
	v2 =	vadd.f32 v3, v2  }
0x100: {  	v3 =	vld [tilespmem:s7+$0x11000]  }
0x101: {  	v5 =	vld [tilespmem:s7+$0x9010];
	[tilespmem:s22+$0x19050] =	vst v2;
	v0 =	vadd.f32 v4, v0  }
0x102: {  	v2 =	vld [tilespmem:s7+$0x11010]  }
0x103: {  	v4 =	vld [tilespmem:s7+$0x9020];
	v1 =	vadd.f32 v6, v1;
	[tilespmem:s22+$0x19060] =	vst v0;
	s22 =	smov.u32 s7  }
0x104: {  	v0 =	vld [tilespmem:s22+$0x11020]  }
0x105: {  	v3 =	vadd.f32 v3, v7;
	v6 =	vld [tilespmem:s22+$0x9030];
	[tilespmem:s22+$0x19070] =	vst v1  }
0x106: {  	v1 =	vld [tilespmem:s22+$0x11030]  }
0x107: {  	[tilespmem:s22+$0x19000] =	vst v3;
	v2 =	vadd.f32 v2, v5;
	v5 =	vld [tilespmem:s22+$0x9040]  }
0x108: {  	v7 =	vld [tilespmem:s22+$0x11040]  }
.Ltmp3:
0x109: {  	[tilespmem:s22+$0x19010] =	vst v2;
	v0 =	vadd.f32 v0, v4;
	v2 =	vld [tilespmem:s22+$0x9050];
	(pc) =	sbr.rel @p0 .LBB2_9-.Ltmp3, $4  }
0x10a: {  	v3 =	vld [tilespmem:s22+$0x11050]  }
0x10b: {  	[tilespmem:s22+$0x19020] =	vst v0;
	v6 =	vadd.f32 v1, v6;
	v0 =	vld [tilespmem:s22+$0x9060]  }
0x10c: {  	s7 =	sshra.s32 s9, $0x2;
	v4 =	vld [tilespmem:s22+$0x11060]  }
0x10d: {  	s9 =	sadd.s32 $0x200, s9;
	v1 =	vld [tilespmem:s7+$0x9070];
	[tilespmem:s22+$0x19030] =	vst v6;
	v5 =	vadd.f32 v7, v5  }
0x10e: {  	v6 =	vld [tilespmem:s7+$0x11070]  }
0x10f: {  	v7 =	vld [tilespmem:s7+$0x9000];
	[tilespmem:s22+$0x19040] =	vst v5;
	v2 =	vadd.f32 v3, v2  }
0x110: {  	v51 =	vld [tilespmem:s7+$0x11000]  }
0x111: {  	v5 =	vld [tilespmem:s7+$0x9010];
	[tilespmem:s22+$0x19050] =	vst v2;
	v0 =	vadd.f32 v4, v0  }
0x112: {  	v2 =	vld [tilespmem:s7+$0x11010]  }
0x113: {  	v52 =	vld [tilespmem:s7+$0x9020];
	[tilespmem:s22+$0x19060] =	vst v0  }
0x114: {  	v54 =	vld [tilespmem:s7+$0x11020]  }
0x115: {  	v55 =	vld [tilespmem:s7+$0x9030]  }
0x116: {  	v56 =	vld [tilespmem:s7+$0x11030]  }
0x117: {  	v57 =	vld [tilespmem:s7+$0x9040]  }
0x118: {  	v58 =	vld [tilespmem:s7+$0x11040]  }
0x119: {  	v59 =	vld [tilespmem:s7+$0x9050]  }
0x11a: {  	v53 =	vadd.f32 v6, v1;
	v60 =	vld [tilespmem:s7+$0x11050]  }
0x11b: {  	v61 =	vld [tilespmem:s7+$0x9060];
	v3 =	vadd.f32 v51, v7  }
0x11c: {  	v62 =	vld [tilespmem:s7+$0x11060];
	[tilespmem:s7+$0x19070] =	vst v53;
	v2 =	vadd.f32 v2, v5  }
0x11d: {  	[tilespmem:s7+$0x19000] =	vst v3;
	v1 =	vadd.f32 v54, v52  }
0x11e: {  	s29 =	sadd.s32 $0x1, s29;
	[tilespmem:s7+$0x19010] =	vst v2;
	v0 =	vadd.f32 v56, v55  }
0x11f: {  	p0 =	sne.s32 s29, $0x27;
	v3 =	vadd.f32 v58, v57;
	[tilespmem:s7+$0x19020] =	vst v1  }
.Ltmp4:
0x120: {  	s1 =	sadd.s32 s6, s1;
	v63 =	vadd.f32 v60, v59;
	[tilespmem:s7+$0x19030] =	vst v0;
	(pc) =	sbr.rel @p0 .LBB2_6-.Ltmp4, $4  }
0x121: {  	s1 =	sshll.u32 s1, $0xB;
	[tilespmem:s7+$0x19040] =	vst v3;
	v1 =	vadd.f32 v62, v61  }
0x122: {  	s1 =	sand.u32 $0x1FFFF800, s1;
	[tilespmem:s7+$0x19050] =	vst v63  }
0x123: {  	s1 =	sadd.s32 s5, s1;
	[tilespmem:s7+$0x19060] =	vst v1  }
0x124: {  	[hbm4b:s1+s2] =	stream.linear.scatter [tilespmem:s30], [sflag:$0x6], $0x4000, $0x38;
	[tilespmem:$0x1D000] =	vst v63  }
0x125: {  	_ =	swait.ge [sflag:s19], $0x4000  }
0x126: {  	[sflag:s19] =	ssyncset.done $0x0  }
0x127: {  	[sflag:s19] =	ssyncadd.s32 $0xFFFFC000  }
0x128: {  	_ =	swait.ge [sflag:s20], $0x4000  }
0x129: {  	[sflag:s20] =	ssyncset.done $0x0  }
0x12a: {  	s1 =	simm.s32 $0x2780;
	[sflag:s20] =	ssyncadd.s32 $0xFFFFC000  }
0x12b: {  	[tilespmem:s21], [sflag:$0x3] =	stream.indirect.gather [hbm4b:s3+s16], $0x80, s1, s16, $0xb8;
	[tilespmem:$0x1D000] =	vst v63  }
0x12c: {  	s29 =	simm.s32 $0x4F80  }
0x12d: {  	[tilespmem:s23], [sflag:$0x4] =	stream.indirect.gather [hbm4b:s4+s16], $0x80, s29, s16, $0xb8;
	[tilespmem:$0x1D000] =	vst v63  }
0x12e: {  	_ =	swait.ge [sflag:s31], $0x4000  }
0x12f: {  	[sflag:s31] =	ssyncset.done $0x0  }
0x130: {  	s1 =	simm.s32 $0x0;
	[sflag:s31] =	ssyncadd.s32 $0xFFFFC000  }
0x131: {  	v0 =	vld [tilespmem:s1+$0x5070]  }
0x132: {  	v1 =	vld [tilespmem:s1+$0xD070]  }
0x133: {  	v2 =	vld [tilespmem:s1+$0x5000]  }
0x134: {  	v3 =	vld [tilespmem:s1+$0xD000]  }
0x135: {  	v4 =	vld [tilespmem:s1+$0x5010]  }
0x136: {  	v5 =	vld [tilespmem:s1+$0xD010]  }
0x137: {  	v6 =	vld [tilespmem:s1+$0x5020]  }
0x138: {  	v7 =	vld [tilespmem:s1+$0x5030]  }
0x139: {  	v0 =	vadd.f32 v1, v0;
	v1 =	vld [tilespmem:s1+$0xD020]  }
0x13a: {  	v8 =	vld [tilespmem:s1+$0xD030]  }
0x13b: {  	v9 =	vld [tilespmem:s1+$0xD040];
	v2 =	vadd.f32 v3, v2  }
0x13c: {  	[tilespmem:s1+$0x15070] =	vst v0;
	v0 =	vadd.f32 v5, v4;
	v5 =	vld [tilespmem:s1+$0x5040]  }
0x13d: {  	v3 =	vld [tilespmem:s1+$0xD050];
	[tilespmem:s1+$0x15000] =	vst v2  }
0x13e: {  	v2 =	vld [tilespmem:s1+$0x5050];
	[tilespmem:s1+$0x15010] =	vst v0;
	v0 =	vadd.f32 v1, v6  }
0x13f: {  	v4 =	vld [tilespmem:s1+$0xD060];
	v6 =	vadd.f32 v8, v7  }
0x140: {  	s7 =	simm.s32 $0x80;
	[tilespmem:s1+$0x15020] =	vst v0;
	v0 =	vld [tilespmem:s1+$0x5060]  }
0x141: {  	s9 =	simm.s32 $0x400;
	v5 =	vadd.f32 v9, v5;
	v1 =	vld [tilespmem:s7+$0x5070];
	[tilespmem:s1+$0x15030] =	vst v6  }
.LBB2_12:
0x142: {  	p0 =	sne.s32 s9, $0xFE00;
	v6 =	vld [tilespmem:s7+$0xD070]  }
0x143: {  	v7 =	vld [tilespmem:s7+$0x5000];
	[tilespmem:s1+$0x15040] =	vst v5;
	v2 =	vadd.f32 v3, v2  }
0x144: {  	v3 =	vld [tilespmem:s7+$0xD000]  }
0x145: {  	v5 =	vld [tilespmem:s7+$0x5010];
	[tilespmem:s1+$0x15050] =	vst v2;
	v0 =	vadd.f32 v4, v0  }
0x146: {  	v2 =	vld [tilespmem:s7+$0xD010]  }
0x147: {  	v4 =	vld [tilespmem:s7+$0x5020];
	v1 =	vadd.f32 v6, v1;
	[tilespmem:s1+$0x15060] =	vst v0;
	s1 =	smov.u32 s7  }
0x148: {  	v0 =	vld [tilespmem:s1+$0xD020]  }
0x149: {  	v3 =	vadd.f32 v3, v7;
	v6 =	vld [tilespmem:s1+$0x5030];
	[tilespmem:s1+$0x15070] =	vst v1  }
0x14a: {  	v1 =	vld [tilespmem:s1+$0xD030]  }
0x14b: {  	[tilespmem:s1+$0x15000] =	vst v3;
	v2 =	vadd.f32 v2, v5;
	v5 =	vld [tilespmem:s1+$0x5040]  }
0x14c: {  	v7 =	vld [tilespmem:s1+$0xD040]  }
.Ltmp5:
0x14d: {  	[tilespmem:s1+$0x15010] =	vst v2;
	v0 =	vadd.f32 v0, v4;
	v2 =	vld [tilespmem:s1+$0x5050];
	(pc) =	sbr.rel @p0 .LBB2_12-.Ltmp5, $4  }
0x14e: {  	v3 =	vld [tilespmem:s1+$0xD050]  }
0x14f: {  	[tilespmem:s1+$0x15020] =	vst v0;
	v6 =	vadd.f32 v1, v6;
	v0 =	vld [tilespmem:s1+$0x5060]  }
0x150: {  	s7 =	sshra.s32 s9, $0x2;
	v4 =	vld [tilespmem:s1+$0xD060]  }
0x151: {  	s9 =	sadd.s32 $0x200, s9;
	v1 =	vld [tilespmem:s7+$0x5070];
	[tilespmem:s1+$0x15030] =	vst v6;
	v5 =	vadd.f32 v7, v5  }
0x152: {  	v6 =	vld [tilespmem:s7+$0xD070]  }
0x153: {  	v7 =	vld [tilespmem:s7+$0x5000];
	[tilespmem:s1+$0x15040] =	vst v5;
	v2 =	vadd.f32 v3, v2  }
0x154: {  	v3 =	vld [tilespmem:s7+$0xD000]  }
0x155: {  	v5 =	vld [tilespmem:s7+$0x5010];
	[tilespmem:s1+$0x15050] =	vst v2;
	v0 =	vadd.f32 v4, v0  }
0x156: {  	v2 =	vld [tilespmem:s7+$0xD010]  }
0x157: {  	v4 =	vld [tilespmem:s7+$0x5020];
	[tilespmem:s1+$0x15060] =	vst v0  }
0x158: {  	v0 =	vadd.f32 v6, v1;
	v1 =	vld [tilespmem:s7+$0xD020]  }
0x159: {  	v6 =	vld [tilespmem:s7+$0x5030]  }
0x15a: {  	v3 =	vadd.f32 v3, v7;
	[tilespmem:s7+$0x15070] =	vst v0;
	v0 =	vld [tilespmem:s7+$0xD030]  }
0x15b: {  	v7 =	vld [tilespmem:s7+$0xD060]  }
0x15c: {  	[tilespmem:s7+$0x15000] =	vst v3;
	v2 =	vadd.f32 v2, v5;
	v3 =	vld [tilespmem:s7+$0x5040]  }
0x15d: {  	v5 =	vld [tilespmem:s7+$0xD040]  }
0x15e: {  	[tilespmem:s7+$0x15010] =	vst v2;
	v1 =	vadd.f32 v1, v4;
	v2 =	vld [tilespmem:s7+$0x5050]  }
0x15f: {  	v4 =	vld [tilespmem:s7+$0xD050]  }
0x160: {  	[tilespmem:s7+$0x15020] =	vst v1;
	v1 =	vld [tilespmem:s7+$0x5060];
	_ =	sdelay $0x1  }
0x161: {  	v0 =	vadd.f32 v0, v6  }
0x162: {  	v3 =	vadd.f32 v5, v3  }
0x163: {  	[tilespmem:s7+$0x15030] =	vst v0;
	v0 =	vadd.f32 v4, v2  }
0x164: {  	[tilespmem:s7+$0x15040] =	vst v3;
	v1 =	vadd.f32 v7, v1  }
0x165: {  	[tilespmem:s7+$0x15050] =	vst v0  }
0x166: {  	s29 =	simm.s32 $0x0;
	[tilespmem:s7+$0x15060] =	vst v1  }
0x167: {  	[hbm4b:s11+s29] =	stream.linear.scatter [tilespmem:s24], [sflag:$0x5], $0x4000, $0x38;
	[tilespmem:$0x1D000] =	vst v63  }
0x168: {  	_ =	swait.ge [sflag:s25], $0x4000  }
0x169: {  	[sflag:s25] =	ssyncset.done $0x0  }
0x16a: {  	[sflag:s25] =	ssyncadd.s32 $0xFFFFC000  }
0x16b: {  	_ =	swait.ge [sflag:s26], $0x4000  }
0x16c: {  	[sflag:s26] =	ssyncset.done $0x0  }
0x16d: {  	[sflag:s26] =	ssyncadd.s32 $0xFFFFC000  }
0x16e: {  	_ =	swait.ge [sflag:s0], $0x4000  }
0x16f: {  	[sflag:s0] =	ssyncset.done $0x0  }
0x170: {  	s1 =	simm.s32 $0x0;
	[sflag:s0] =	ssyncadd.s32 $0xFFFFC000  }
0x171: {  	v0 =	vld [tilespmem:s1+$0x9070]  }
0x172: {  	v1 =	vld [tilespmem:s1+$0x11070]  }
0x173: {  	v2 =	vld [tilespmem:s1+$0x9000]  }
0x174: {  	v3 =	vld [tilespmem:s1+$0x11000]  }
0x175: {  	v4 =	vld [tilespmem:s1+$0x9010]  }
0x176: {  	v5 =	vld [tilespmem:s1+$0x11010]  }
0x177: {  	v6 =	vld [tilespmem:s1+$0x9020]  }
0x178: {  	v7 =	vld [tilespmem:s1+$0x9030]  }
0x179: {  	v0 =	vadd.f32 v1, v0;
	v1 =	vld [tilespmem:s1+$0x11020]  }
0x17a: {  	v8 =	vld [tilespmem:s1+$0x11030]  }
0x17b: {  	v9 =	vld [tilespmem:s1+$0x11040];
	v2 =	vadd.f32 v3, v2  }
0x17c: {  	[tilespmem:s1+$0x19070] =	vst v0;
	v0 =	vadd.f32 v5, v4;
	v5 =	vld [tilespmem:s1+$0x9040]  }
0x17d: {  	v3 =	vld [tilespmem:s1+$0x11050];
	[tilespmem:s1+$0x19000] =	vst v2  }
0x17e: {  	v2 =	vld [tilespmem:s1+$0x9050];
	[tilespmem:s1+$0x19010] =	vst v0;
	v0 =	vadd.f32 v1, v6  }
0x17f: {  	v4 =	vld [tilespmem:s1+$0x11060];
	v6 =	vadd.f32 v8, v7  }
0x180: {  	s7 =	simm.s32 $0x80;
	[tilespmem:s1+$0x19020] =	vst v0;
	v0 =	vld [tilespmem:s1+$0x9060]  }
0x181: {  	s9 =	simm.s32 $0x400;
	v5 =	vadd.f32 v9, v5;
	v1 =	vld [tilespmem:s7+$0x9070];
	[tilespmem:s1+$0x19030] =	vst v6  }
.LBB2_14:
0x182: {  	p0 =	sne.s32 s9, $0xFE00;
	v6 =	vld [tilespmem:s7+$0x11070]  }
0x183: {  	v7 =	vld [tilespmem:s7+$0x9000];
	[tilespmem:s1+$0x19040] =	vst v5;
	v2 =	vadd.f32 v3, v2  }
0x184: {  	v3 =	vld [tilespmem:s7+$0x11000]  }
0x185: {  	v5 =	vld [tilespmem:s7+$0x9010];
	[tilespmem:s1+$0x19050] =	vst v2;
	v0 =	vadd.f32 v4, v0  }
0x186: {  	v2 =	vld [tilespmem:s7+$0x11010]  }
0x187: {  	v4 =	vld [tilespmem:s7+$0x9020];
	v1 =	vadd.f32 v6, v1;
	[tilespmem:s1+$0x19060] =	vst v0;
	s1 =	smov.u32 s7  }
0x188: {  	v0 =	vld [tilespmem:s1+$0x11020]  }
0x189: {  	v3 =	vadd.f32 v3, v7;
	v6 =	vld [tilespmem:s1+$0x9030];
	[tilespmem:s1+$0x19070] =	vst v1  }
0x18a: {  	v1 =	vld [tilespmem:s1+$0x11030]  }
0x18b: {  	[tilespmem:s1+$0x19000] =	vst v3;
	v2 =	vadd.f32 v2, v5;
	v5 =	vld [tilespmem:s1+$0x9040]  }
0x18c: {  	v7 =	vld [tilespmem:s1+$0x11040]  }
.Ltmp6:
0x18d: {  	[tilespmem:s1+$0x19010] =	vst v2;
	v0 =	vadd.f32 v0, v4;
	v2 =	vld [tilespmem:s1+$0x9050];
	(pc) =	sbr.rel @p0 .LBB2_14-.Ltmp6, $4  }
0x18e: {  	v3 =	vld [tilespmem:s1+$0x11050]  }
0x18f: {  	[tilespmem:s1+$0x19020] =	vst v0;
	v6 =	vadd.f32 v1, v6;
	v0 =	vld [tilespmem:s1+$0x9060]  }
0x190: {  	s7 =	sshra.s32 s9, $0x2;
	v4 =	vld [tilespmem:s1+$0x11060]  }
0x191: {  	s9 =	sadd.s32 $0x200, s9;
	v1 =	vld [tilespmem:s7+$0x9070];
	[tilespmem:s1+$0x19030] =	vst v6;
	v5 =	vadd.f32 v7, v5  }
0x192: {  	v6 =	vld [tilespmem:s7+$0x11070]  }
0x193: {  	v7 =	vld [tilespmem:s7+$0x9000];
	[tilespmem:s1+$0x19040] =	vst v5;
	v2 =	vadd.f32 v3, v2  }
0x194: {  	v51 =	vld [tilespmem:s7+$0x11000]  }
0x195: {  	v5 =	vld [tilespmem:s7+$0x9010];
	[tilespmem:s1+$0x19050] =	vst v2;
	v0 =	vadd.f32 v4, v0  }
0x196: {  	v2 =	vld [tilespmem:s7+$0x11010]  }
0x197: {  	v52 =	vld [tilespmem:s7+$0x9020];
	[tilespmem:s1+$0x19060] =	vst v0  }
0x198: {  	v54 =	vld [tilespmem:s7+$0x11020]  }
0x199: {  	v55 =	vld [tilespmem:s7+$0x9030]  }
0x19a: {  	v56 =	vld [tilespmem:s7+$0x11030]  }
0x19b: {  	v57 =	vld [tilespmem:s7+$0x9040]  }
0x19c: {  	v58 =	vld [tilespmem:s7+$0x11040]  }
0x19d: {  	v59 =	vld [tilespmem:s7+$0x9050]  }
0x19e: {  	v53 =	vadd.f32 v6, v1;
	v60 =	vld [tilespmem:s7+$0x11050]  }
0x19f: {  	v61 =	vld [tilespmem:s7+$0x9060];
	v3 =	vadd.f32 v51, v7  }
0x1a0: {  	v62 =	vld [tilespmem:s7+$0x11060];
	[tilespmem:s7+$0x19070] =	vst v53;
	v2 =	vadd.f32 v2, v5  }
0x1a1: {  	[tilespmem:s7+$0x19000] =	vst v3;
	v1 =	vadd.f32 v54, v52  }
0x1a2: {  	[tilespmem:s7+$0x19010] =	vst v2;
	v0 =	vadd.f32 v56, v55  }
0x1a3: {  	v3 =	vadd.f32 v58, v57;
	[tilespmem:s7+$0x19020] =	vst v1  }
0x1a4: {  	v63 =	vadd.f32 v60, v59;
	[tilespmem:s7+$0x19030] =	vst v0  }
0x1a5: {  	[tilespmem:s7+$0x19040] =	vst v3;
	v1 =	vadd.f32 v62, v61  }
0x1a6: {  	[tilespmem:s7+$0x19050] =	vst v63  }
0x1a7: {  	s28 =	sadd.s32 $0x1, s28;
	[tilespmem:s7+$0x19060] =	vst v1  }
0x1a8: {  	[hbm4b:s12+s2] =	stream.linear.scatter [tilespmem:s30], [sflag:$0x6], $0x4000, $0x38;
	[tilespmem:$0x1D000] =	vst v63  }
0x1a9: {  	p0 =	sne.s32 s28, s13;
	_ =	swait.ge [sflag:s31], $0x4000  }
.Ltmp7:
0x1aa: {  	[sflag:s31] =	ssyncset.done $0x0;
	(pc) =	sbr.rel @p0 .LBB2_1-.Ltmp7, $4  }
0x1ab: {  	[sflag:s31] =	ssyncadd.s32 $0xFFFFC000  }
0x1ac: {  	_ =	swait.ge [sflag:s0], $0x4000  }
0x1ad: {  	[sflag:s0] =	ssyncset.done $0x0  }
0x1ae: {  	[sflag:s0] =	ssyncadd.s32 $0xFFFFC000  }
0x1af: {  	_ =	sfence.sel $0x180000  }
0x1b0: {  	[bflag:$0x0] =	sbarrier.arrive $0xFFFF  }
0x1b1: {  	_ =	strace $0x90000047  }
0x1b2: {  	s0 =	stileid.u32;
	[bflag:$0x2] =	sbarrier.arrive $0xFFFF  }
0x1b3: {  	p0 =	sne.s32 s0, $0x0;
	s0 =	rddreg [dreg:$0x1]  }
0x1b4: {  	s0 =	sadd.s32 @!p0 $0x100000, s0  }
0x1b5: {  	[sflag:s0] =	ssyncadd.tile.s32 @!p0 $0x1;
	_ =	shalt  }
.Lfunc_end2:
_tile_overlayer_lowered:
.L_overlay_start_2:
0x1b6: {  	(tag) =	ssettag $0x2  }
0x1b7: {  	s0 =	rddreg [dreg:$0x0];
	s2 =	stileid.u32  }
0x1b8: {  	s1 =	rddreg [dreg:$0x1];
	p0 =	sne.s32 s2, $0x0  }
0x1b9: {  	s3 =	rddreg [dreg:$0x2];
	[bflag:$0x3] =	sbarrier.arrive $0xFFFF;
	s2 =	simm.s32 @!p0 $0x1C07  }
0x1ba: {  	[timem:s3], [sflag:s2] =	dma.local @!p0 [hbm:s0], s1  }
0x1bb: {  	s0 =	simm.s32 @!p0 $0x7  }
0x1bc: {  	_ =	swait.ge @!p0 [sflag:s0], s1  }
0x1bd: {  	s1 =	ssub.s32 @!p0 $0x0, s1;
	[sflag:s0] =	ssyncset.done @!p0 $0x0  }
0x1be: {  	[sflag:s0] =	ssyncadd.s32 @!p0 s1  }
0x1bf: {  	[bflag:$0x3] =	sbarrier.arrive $0xFFFF  }
0x1c0: {  	_ =	shalt  }

</sc_bundles>
